<compile_context>
chip_gen: v7x
topology: tpu7x:2x2x1
jax: 0.10.2.dev20260603
libtpu: 0.0.44.dev20260713+nightly
codegen_flags: <defaults>
</compile_context>

<pallas_src>
import functools

import jax
import jax.numpy as jnp
from jax import lax
from jax.experimental import pallas as pl
from jax.experimental.pallas import tpu as pltpu
from jax.experimental.pallas import tpu_sc as plsc

NC = 2
NS = 16
NW = NC * NS
CHUNK = 128
VG = 16
NBUF = 12
SLACK = 3


def kernel(idx, weight):
    b, h, (v, d) = idx.shape[0], idx.shape[1], weight.shape
    n = b * h
    per_w = n // NW
    n_chunks = per_w // CHUNK
    mesh = plsc.VectorSubcoreMesh(core_axis_name="c", subcore_axis_name="s")

    @functools.partial(
        pl.kernel,
        mesh=mesh,
        compiler_params=pltpu.CompilerParams(use_tc_tiling_on_sc=False),
        out_type=jax.ShapeDtypeStruct((n, d), jnp.float32),
        scratch_types=[
            pltpu.VMEM((per_w,), jnp.int32),
            pltpu.VMEM((NBUF, CHUNK, d), jnp.float32),
            pltpu.SemaphoreType.DMA,
            pltpu.SemaphoreType.DMA,
        ],
    )
    def k(idx_hbm, tbl_hbm, out_hbm, idx_v, rows_v, gsem, ssem):
        wid = lax.axis_index("s") * NC + lax.axis_index("c")
        base = wid * per_w
        pltpu.sync_copy(idx_hbm.at[pl.ds(base, per_w)], idx_v)

        def gather_chunk(c, buf):
            for u in range(CHUNK // VG):
                vec = idx_v[pl.ds(c * CHUNK + u * VG, VG)]
                pltpu.async_copy(
                    tbl_hbm.at[vec], rows_v.at[buf, pl.ds(u * VG, VG)], gsem
                )

        for i in range(NBUF):
            gather_chunk(i, i)

        def body(j, carry):
            buf = lax.rem(j, NBUF)
            pltpu.make_async_copy(
                tbl_hbm.at[pl.ds(0, CHUNK)], rows_v.at[buf], gsem
            ).wait()
            pltpu.async_copy(
                rows_v.at[buf],
                out_hbm.at[pl.ds(base + j * CHUNK, CHUNK)],
                ssem,
            )

            @pl.when((j >= SLACK) & (j <= n_chunks - NBUF + SLACK - 1))
            def _():
                pltpu.make_async_copy(
                    rows_v.at[buf], out_hbm.at[pl.ds(base, CHUNK)], ssem
                ).wait()
                g = j - SLACK + NBUF
                gather_chunk(g, lax.rem(g, NBUF))

            return carry

        lax.fori_loop(0, n_chunks, body, 0)

        for _ in range(NBUF):
            pltpu.make_async_copy(
                rows_v.at[0], out_hbm.at[pl.ds(base, CHUNK)], ssem
            ).wait()

    out2d = k(idx.reshape(n), weight)
    return out2d.reshape(b, h, d)

# --- scband reference (transcript-rebuilt; emitter-appended) ---
"""Pipeline reference for scband-embedding-13649406066729 (READ-ONLY COPY).

The authoritative reference and input builder live on the scoring server;
editing this copy changes nothing except your own understanding.
"""

import jax, jax.numpy as jnp
import numpy as np

NUM_EMBEDDINGS = 1000000
EMBEDDING_DIM = 64
BATCH = 4096
HIST_LEN = 50


def setup_inputs(seed: int = 0) -> dict:
    key = jax.random.key(seed)
    k_idx, k_w = jax.random.split(key)
    idx = jax.random.randint(k_idx, (BATCH, HIST_LEN), 0, NUM_EMBEDDINGS, dtype=jnp.int64 if jax.config.jax_enable_x64 else jnp.int32)
    weight = jax.random.normal(k_w, (NUM_EMBEDDINGS, EMBEDDING_DIM), dtype=jnp.float32) * 0.02
    return {"idx": idx, "weight": weight}


def reference(idx, weight):
    # Equivalent of self.weight[idx] in the torch module: a pure gather.
    return jnp.take(weight, idx, axis=0)

if __name__ == "__main__":
    import jax
    _d = setup_inputs()
    print(jax.jit(kernel)(*tuple(_d.values())))

</pallas_src>

<mosaic_0001>
#map = affine_map<(d0, d1) -> (0)>
#map1 = affine_map<(d0, d1) -> (0, 0)>
module attributes {stable_mosaic.version = 14 : i64} {
  func.func @k(%arg0: i32, %arg1: i32, %arg2: memref<204800xi32, #tpu.memory_space<hbm>>, %arg3: memref<1000000x64xf32, #tpu.memory_space<hbm>>, %arg4: memref<204800x64xf32, #tpu.memory_space<hbm>>, %arg5: memref<6400xi32, #tpu.memory_space<vmem>>, %arg6: memref<12x128x64xf32, #tpu.memory_space<vmem>>, %arg7: memref<!tpu.dma_semaphore, #tpu.memory_space<semaphore_mem>>, %arg8: memref<!tpu.dma_semaphore, #tpu.memory_space<semaphore_mem>>) attributes {dimension_semantics = [#tpu.dimension_semantics<core_parallel>, #tpu.dimension_semantics<subcore_parallel>], iteration_bounds = array<i64: 2, 16>, scalar_prefetch = 0 : i64, scratch_operands = 4 : i64, tpu.core_type = #tpu.core_type<sc_vector_subcore>, window_params = [{transform_indices = #map}, {transform_indices = #map1}, {transform_indices = #map1}]} {
    %mul3A = arith.constant 2 : i32
    %mul3A_0 = arith.muli %arg1, %mul3A : i32
    %add3A = arith.addi %mul3A_0, %arg0 : i32
    %mul3A_1 = arith.constant 6400 : i32
    %mul3A_2 = arith.muli %add3A, %mul3A_1 : i32
    "tpu.region"() ({
      %run_scoped3A = tpu.sem_alloc : memref<!tpu.dma_semaphore, #tpu.memory_space<semaphore_mem>>
      %dma_start3A_1217 = tpu.memref_slice %arg2[%mul3A_2] : memref<204800xi32, #tpu.memory_space<hbm>> -> memref<6400xi32, #tpu.memory_space<hbm>>
      %dma_start3A_1218 = tpu.memref_slice %arg2[%mul3A_2] : memref<204800xi32, #tpu.memory_space<hbm>> -> memref<6400xi32, #tpu.memory_space<hbm>>
      tpu.enqueue_dma source(%dma_start3A_1218 : memref<6400xi32, #tpu.memory_space<hbm>>) target(%arg5 : memref<6400xi32, #tpu.memory_space<vmem>>) target_semaphore(%run_scoped3A : memref<!tpu.dma_semaphore, #tpu.memory_space<semaphore_mem>>)
      %dma_wait3A_1219 = tpu.memref_slice %arg2[%mul3A_2] : memref<204800xi32, #tpu.memory_space<hbm>> -> memref<6400xi32, #tpu.memory_space<hbm>>
      %dma_wait3A_1220 = tpu.memref_slice %arg2[%mul3A_2] : memref<204800xi32, #tpu.memory_space<hbm>> -> memref<6400xi32, #tpu.memory_space<hbm>>
      tpu.wait_dma2 semaphore(%run_scoped3A : memref<!tpu.dma_semaphore, #tpu.memory_space<semaphore_mem>>) src(%dma_wait3A_1220 : memref<6400xi32, #tpu.memory_space<hbm>>) dst(%arg5 : memref<6400xi32, #tpu.memory_space<vmem>>)
      tpu.yield
    }) : () -> ()
    %get3A = arith.constant 0 : index
    %get3A_3 = tpu.vector_load %arg5[%get3A] {strides = array<i32>} : memref<6400xi32, #tpu.memory_space<vmem>>, vector<16xi32>,
    %get3A_4 = vector.shape_cast %get3A_3 : vector<16xi32> to vector<16xi32>
    %dma_start3A = arith.constant 0 : i32
    %dma_start3A_5 = arith.constant 0 : i32
    %dma_start3A_6 = arith.constant 0 : i32
    %dma_start3A_7 = tpu.memref_slice %arg6[%dma_start3A, %dma_start3A_5, %dma_start3A_6] : memref<12x128x64xf32, #tpu.memory_space<vmem>> -> memref<1x16x64xf32, #tpu.memory_space<vmem>>
    %dma_start3A_8 = tpu.memref_squeeze %dma_start3A_7 : memref<1x16x64xf32, #tpu.memory_space<vmem>> -> memref<16x64xf32, #tpu.memory_space<vmem>>
    %dma_start3A_9 = arith.constant 0 : i32
    %dma_start3A_10 = arith.constant 0 : i32
    %dma_start3A_11 = tpu.memref_slice %arg3[%dma_start3A_9, %dma_start3A_10] : memref<1000000x64xf32, #tpu.memory_space<hbm>> -> memref<1000000x64xf32, #tpu.memory_space<hbm>>
    tpu.enqueue_indirect_dma source(%dma_start3A_11 : memref<1000000x64xf32, #tpu.memory_space<hbm>>) target(%dma_start3A_8 : memref<16x64xf32, #tpu.memory_space<vmem>>) offsets(%get3A_4 : vector<16xi32>) semaphore(%arg7 : memref<!tpu.dma_semaphore, #tpu.memory_space<semaphore_mem>>)
    %get3A_12 = arith.constant 16 : index
    %get3A_13 = tpu.vector_load %arg5[%get3A_12] {strides = array<i32>} : memref<6400xi32, #tpu.memory_space<vmem>>, vector<16xi32>,
    %get3A_14 = vector.shape_cast %get3A_13 : vector<16xi32> to vector<16xi32>
    %dma_start3A_15 = arith.constant 0 : i32
    %dma_start3A_16 = arith.constant 16 : i32
    %dma_start3A_17 = arith.constant 0 : i32
    %dma_start3A_18 = tpu.memref_slice %arg6[%dma_start3A_15, %dma_start3A_16, %dma_start3A_17] : memref<12x128x64xf32, #tpu.memory_space<vmem>> -> memref<1x16x64xf32, #tpu.memory_space<vmem>>
    %dma_start3A_19 = tpu.memref_squeeze %dma_start3A_18 : memref<1x16x64xf32, #tpu.memory_space<vmem>> -> memref<16x64xf32, #tpu.memory_space<vmem>>
    %dma_start3A_20 = arith.constant 0 : i32
    %dma_start3A_21 = arith.constant 0 : i32
    %dma_start3A_22 = tpu.memref_slice %arg3[%dma_start3A_20, %dma_start3A_21] : memref<1000000x64xf32, #tpu.memory_space<hbm>> -> memref<1000000x64xf32, #tpu.memory_space<hbm>>
    tpu.enqueue_indirect_dma source(%dma_start3A_22 : memref<1000000x64xf32, #tpu.memory_space<hbm>>) target(%dma_start3A_19 : memref<16x64xf32, #tpu.memory_space<vmem>>) offsets(%get3A_14 : vector<16xi32>) semaphore(%arg7 : memref<!tpu.dma_semaphore, #tpu.memory_space<semaphore_mem>>)
    %get3A_23 = arith.constant 32 : index
    %get3A_24 = tpu.vector_load %arg5[%get3A_23] {strides = array<i32>} : memref<6400xi32, #tpu.memory_space<vmem>>, vector<16xi32>,
    %get3A_25 = vector.shape_cast %get3A_24 : vector<16xi32> to vector<16xi32>
    %dma_start3A_26 = arith.constant 0 : i32
    %dma_start3A_27 = arith.constant 32 : i32
    %dma_start3A_28 = arith.constant 0 : i32
    %dma_start3A_29 = tpu.memref_slice %arg6[%dma_start3A_26, %dma_start3A_27, %dma_start3A_28] : memref<12x128x64xf32, #tpu.memory_space<vmem>> -> memref<1x16x64xf32, #tpu.memory_space<vmem>>
    %dma_start3A_30 = tpu.memref_squeeze %dma_start3A_29 : memref<1x16x64xf32, #tpu.memory_space<vmem>> -> memref<16x64xf32, #tpu.memory_space<vmem>>
    %dma_start3A_31 = arith.constant 0 : i32
    %dma_start3A_32 = arith.constant 0 : i32
    %dma_start3A_33 = tpu.memref_slice %arg3[%dma_start3A_31, %dma_start3A_32] : memref<1000000x64xf32, #tpu.memory_space<hbm>> -> memref<1000000x64xf32, #tpu.memory_space<hbm>>
    tpu.enqueue_indirect_dma source(%dma_start3A_33 : memref<1000000x64xf32, #tpu.memory_space<hbm>>) target(%dma_start3A_30 : memref<16x64xf32, #tpu.memory_space<vmem>>) offsets(%get3A_25 : vector<16xi32>) semaphore(%arg7 : memref<!tpu.dma_semaphore, #tpu.memory_space<semaphore_mem>>)
    %get3A_34 = arith.constant 48 : index
    %get3A_35 = tpu.vector_load %arg5[%get3A_34] {strides = array<i32>} : memref<6400xi32, #tpu.memory_space<vmem>>, vector<16xi32>,
    %get3A_36 = vector.shape_cast %get3A_35 : vector<16xi32> to vector<16xi32>
    %dma_start3A_37 = arith.constant 0 : i32
    %dma_start3A_38 = arith.constant 48 : i32
    %dma_start3A_39 = arith.constant 0 : i32
    %dma_start3A_40 = tpu.memref_slice %arg6[%dma_start3A_37, %dma_start3A_38, %dma_start3A_39] : memref<12x128x64xf32, #tpu.memory_space<vmem>> -> memref<1x16x64xf32, #tpu.memory_space<vmem>>
    %dma_start3A_41 = tpu.memref_squeeze %dma_start3A_40 : memref<1x16x64xf32, #tpu.memory_space<vmem>> -> memref<16x64xf32, #tpu.memory_space<vmem>>
    %dma_start3A_42 = arith.constant 0 : i32
    %dma_start3A_43 = arith.constant 0 : i32
    %dma_start3A_44 = tpu.memref_slice %arg3[%dma_start3A_42, %dma_start3A_43] : memref<1000000x64xf32, #tpu.memory_space<hbm>> -> memref<1000000x64xf32, #tpu.memory_space<hbm>>
    tpu.enqueue_indirect_dma source(%dma_start3A_44 : memref<1000000x64xf32, #tpu.memory_space<hbm>>) target(%dma_start3A_41 : memref<16x64xf32, #tpu.memory_space<vmem>>) offsets(%get3A_36 : vector<16xi32>) semaphore(%arg7 : memref<!tpu.dma_semaphore, #tpu.memory_space<semaphore_mem>>)
    %get3A_45 = arith.constant 64 : index
    %get3A_46 = tpu.vector_load %arg5[%get3A_45] {strides = array<i32>} : memref<6400xi32, #tpu.memory_space<vmem>>, vector<16xi32>,
    %get3A_47 = vector.shape_cast %get3A_46 : vector<16xi32> to vector<16xi32>
    %dma_start3A_48 = arith.constant 0 : i32
    %dma_start3A_49 = arith.constant 64 : i32
    %dma_start3A_50 = arith.constant 0 : i32
    %dma_start3A_51 = tpu.memref_slice %arg6[%dma_start3A_48, %dma_start3A_49, %dma_start3A_50] : memref<12x128x64xf32, #tpu.memory_space<vmem>> -> memref<1x16x64xf32, #tpu.memory_space<vmem>>
    %dma_start3A_52 = tpu.memref_squeeze %dma_start3A_51 : memref<1x16x64xf32, #tpu.memory_space<vmem>> -> memref<16x64xf32, #tpu.memory_space<vmem>>
    %dma_start3A_53 = arith.constant 0 : i32
    %dma_start3A_54 = arith.constant 0 : i32
    %dma_start3A_55 = tpu.memref_slice %arg3[%dma_start3A_53, %dma_start3A_54] : memref<1000000x64xf32, #tpu.memory_space<hbm>> -> memref<1000000x64xf32, #tpu.memory_space<hbm>>
    tpu.enqueue_indirect_dma source(%dma_start3A_55 : memref<1000000x64xf32, #tpu.memory_space<hbm>>) target(%dma_start3A_52 : memref<16x64xf32, #tpu.memory_space<vmem>>) offsets(%get3A_47 : vector<16xi32>) semaphore(%arg7 : memref<!tpu.dma_semaphore, #tpu.memory_space<semaphore_mem>>)
    %get3A_56 = arith.constant 80 : index
    %get3A_57 = tpu.vector_load %arg5[%get3A_56] {strides = array<i32>} : memref<6400xi32, #tpu.memory_space<vmem>>, vector<16xi32>,
    %get3A_58 = vector.shape_cast %get3A_57 : vector<16xi32> to vector<16xi32>
    %dma_start3A_59 = arith.constant 0 : i32
    %dma_start3A_60 = arith.constant 80 : i32
    %dma_start3A_61 = arith.constant 0 : i32
    %dma_start3A_62 = tpu.memref_slice %arg6[%dma_start3A_59, %dma_start3A_60, %dma_start3A_61] : memref<12x128x64xf32, #tpu.memory_space<vmem>> -> memref<1x16x64xf32, #tpu.memory_space<vmem>>
    %dma_start3A_63 = tpu.memref_squeeze %dma_start3A_62 : memref<1x16x64xf32, #tpu.memory_space<vmem>> -> memref<16x64xf32, #tpu.memory_space<vmem>>
    %dma_start3A_64 = arith.constant 0 : i32
    %dma_start3A_65 = arith.constant 0 : i32
    %dma_start3A_66 = tpu.memref_slice %arg3[%dma_start3A_64, %dma_start3A_65] : memref<1000000x64xf32, #tpu.memory_space<hbm>> -> memref<1000000x64xf32, #tpu.memory_space<hbm>>
    tpu.enqueue_indirect_dma source(%dma_start3A_66 : memref<1000000x64xf32, #tpu.memory_space<hbm>>) target(%dma_start3A_63 : memref<16x64xf32, #tpu.memory_space<vmem>>) offsets(%get3A_58 : vector<16xi32>) semaphore(%arg7 : memref<!tpu.dma_semaphore, #tpu.memory_space<semaphore_mem>>)
    %get3A_67 = arith.constant 96 : index
    %get3A_68 = tpu.vector_load %arg5[%get3A_67] {strides = array<i32>} : memref<6400xi32, #tpu.memory_space<vmem>>, vector<16xi32>,
    %get3A_69 = vector.shape_cast %get3A_68 : vector<16xi32> to vector<16xi32>
    %dma_start3A_70 = arith.constant 0 : i32
    %dma_start3A_71 = arith.constant 96 : i32
    %dma_start3A_72 = arith.constant 0 : i32
    %dma_start3A_73 = tpu.memref_slice %arg6[%dma_start3A_70, %dma_start3A_71, %dma_start3A_72] : memref<12x128x64xf32, #tpu.memory_space<vmem>> -> memref<1x16x64xf32, #tpu.memory_space<vmem>>
    %dma_start3A_74 = tpu.memref_squeeze %dma_start3A_73 : memref<1x16x64xf32, #tpu.memory_space<vmem>> -> memref<16x64xf32, #tpu.memory_space<vmem>>
    %dma_start3A_75 = arith.constant 0 : i32
    %dma_start3A_76 = arith.constant 0 : i32
    %dma_start3A_77 = tpu.memref_slice %arg3[%dma_start3A_75, %dma_start3A_76] : memref<1000000x64xf32, #tpu.memory_space<hbm>> -> memref<1000000x64xf32, #tpu.memory_space<hbm>>
    tpu.enqueue_indirect_dma source(%dma_start3A_77 : memref<1000000x64xf32, #tpu.memory_space<hbm>>) target(%dma_start3A_74 : memref<16x64xf32, #tpu.memory_space<vmem>>) offsets(%get3A_69 : vector<16xi32>) semaphore(%arg7 : memref<!tpu.dma_semaphore, #tpu.memory_space<semaphore_mem>>)
    %get3A_78 = arith.constant 112 : index
    %get3A_79 = tpu.vector_load %arg5[%get3A_78] {strides = array<i32>} : memref<6400xi32, #tpu.memory_space<vmem>>, vector<16xi32>,
    %get3A_80 = vector.shape_cast %get3A_79 : vector<16xi32> to vector<16xi32>
    %dma_start3A_81 = arith.constant 0 : i32
    %dma_start3A_82 = arith.constant 112 : i32
    %dma_start3A_83 = arith.constant 0 : i32
    %dma_start3A_84 = tpu.memref_slice %arg6[%dma_start3A_81, %dma_start3A_82, %dma_start3A_83] : memref<12x128x64xf32, #tpu.memory_space<vmem>> -> memref<1x16x64xf32, #tpu.memory_space<vmem>>
    %dma_start3A_85 = tpu.memref_squeeze %dma_start3A_84 : memref<1x16x64xf32, #tpu.memory_space<vmem>> -> memref<16x64xf32, #tpu.memory_space<vmem>>
    %dma_start3A_86 = arith.constant 0 : i32
    %dma_start3A_87 = arith.constant 0 : i32
    %dma_start3A_88 = tpu.memref_slice %arg3[%dma_start3A_86, %dma_start3A_87] : memref<1000000x64xf32, #tpu.memory_space<hbm>> -> memref<1000000x64xf32, #tpu.memory_space<hbm>>
    tpu.enqueue_indirect_dma source(%dma_start3A_88 : memref<1000000x64xf32, #tpu.memory_space<hbm>>) target(%dma_start3A_85 : memref<16x64xf32, #tpu.memory_space<vmem>>) offsets(%get3A_80 : vector<16xi32>) semaphore(%arg7 : memref<!tpu.dma_semaphore, #tpu.memory_space<semaphore_mem>>)
    %get3A_89 = arith.constant 128 : index
    %get3A_90 = tpu.vector_load %arg5[%get3A_89] {strides = array<i32>} : memref<6400xi32, #tpu.memory_space<vmem>>, vector<16xi32>,
    %get3A_91 = vector.shape_cast %get3A_90 : vector<16xi32> to vector<16xi32>
    %dma_start3A_92 = arith.constant 1 : i32
    %dma_start3A_93 = arith.constant 0 : i32
    %dma_start3A_94 = arith.constant 0 : i32
    %dma_start3A_95 = tpu.memref_slice %arg6[%dma_start3A_92, %dma_start3A_93, %dma_start3A_94] : memref<12x128x64xf32, #tpu.memory_space<vmem>> -> memref<1x16x64xf32, #tpu.memory_space<vmem>>
    %dma_start3A_96 = tpu.memref_squeeze %dma_start3A_95 : memref<1x16x64xf32, #tpu.memory_space<vmem>> -> memref<16x64xf32, #tpu.memory_space<vmem>>
    %dma_start3A_97 = arith.constant 0 : i32
    %dma_start3A_98 = arith.constant 0 : i32
    %dma_start3A_99 = tpu.memref_slice %arg3[%dma_start3A_97, %dma_start3A_98] : memref<1000000x64xf32, #tpu.memory_space<hbm>> -> memref<1000000x64xf32, #tpu.memory_space<hbm>>
    tpu.enqueue_indirect_dma source(%dma_start3A_99 : memref<1000000x64xf32, #tpu.memory_space<hbm>>) target(%dma_start3A_96 : memref<16x64xf32, #tpu.memory_space<vmem>>) offsets(%get3A_91 : vector<16xi32>) semaphore(%arg7 : memref<!tpu.dma_semaphore, #tpu.memory_space<semaphore_mem>>)
    %get3A_100 = arith.constant 144 : index
    %get3A_101 = tpu.vector_load %arg5[%get3A_100] {strides = array<i32>} : memref<6400xi32, #tpu.memory_space<vmem>>, vector<16xi32>,
    %get3A_102 = vector.shape_cast %get3A_101 : vector<16xi32> to vector<16xi32>
    %dma_start3A_103 = arith.constant 1 : i32
    %dma_start3A_104 = arith.constant 16 : i32
    %dma_start3A_105 = arith.constant 0 : i32
    %dma_start3A_106 = tpu.memref_slice %arg6[%dma_start3A_103, %dma_start3A_104, %dma_start3A_105] : memref<12x128x64xf32, #tpu.memory_space<vmem>> -> memref<1x16x64xf32, #tpu.memory_space<vmem>>
    %dma_start3A_107 = tpu.memref_squeeze %dma_start3A_106 : memref<1x16x64xf32, #tpu.memory_space<vmem>> -> memref<16x64xf32, #tpu.memory_space<vmem>>
    %dma_start3A_108 = arith.constant 0 : i32
    %dma_start3A_109 = arith.constant 0 : i32
    %dma_start3A_110 = tpu.memref_slice %arg3[%dma_start3A_108, %dma_start3A_109] : memref<1000000x64xf32, #tpu.memory_space<hbm>> -> memref<1000000x64xf32, #tpu.memory_space<hbm>>
    tpu.enqueue_indirect_dma source(%dma_start3A_110 : memref<1000000x64xf32, #tpu.memory_space<hbm>>) target(%dma_start3A_107 : memref<16x64xf32, #tpu.memory_space<vmem>>) offsets(%get3A_102 : vector<16xi32>) semaphore(%arg7 : memref<!tpu.dma_semaphore, #tpu.memory_space<semaphore_mem>>)
    %get3A_111 = arith.constant 160 : index
    %get3A_112 = tpu.vector_load %arg5[%get3A_111] {strides = array<i32>} : memref<6400xi32, #tpu.memory_space<vmem>>, vector<16xi32>,
    %get3A_113 = vector.shape_cast %get3A_112 : vector<16xi32> to vector<16xi32>
    %dma_start3A_114 = arith.constant 1 : i32
    %dma_start3A_115 = arith.constant 32 : i32
    %dma_start3A_116 = arith.constant 0 : i32
    %dma_start3A_117 = tpu.memref_slice %arg6[%dma_start3A_114, %dma_start3A_115, %dma_start3A_116] : memref<12x128x64xf32, #tpu.memory_space<vmem>> -> memref<1x16x64xf32, #tpu.memory_space<vmem>>
    %dma_start3A_118 = tpu.memref_squeeze %dma_start3A_117 : memref<1x16x64xf32, #tpu.memory_space<vmem>> -> memref<16x64xf32, #tpu.memory_space<vmem>>
    %dma_start3A_119 = arith.constant 0 : i32
    %dma_start3A_120 = arith.constant 0 : i32
    %dma_start3A_121 = tpu.memref_slice %arg3[%dma_start3A_119, %dma_start3A_120] : memref<1000000x64xf32, #tpu.memory_space<hbm>> -> memref<1000000x64xf32, #tpu.memory_space<hbm>>
    tpu.enqueue_indirect_dma source(%dma_start3A_121 : memref<1000000x64xf32, #tpu.memory_space<hbm>>) target(%dma_start3A_118 : memref<16x64xf32, #tpu.memory_space<vmem>>) offsets(%get3A_113 : vector<16xi32>) semaphore(%arg7 : memref<!tpu.dma_semaphore, #tpu.memory_space<semaphore_mem>>)
    %get3A_122 = arith.constant 176 : index
    %get3A_123 = tpu.vector_load %arg5[%get3A_122] {strides = array<i32>} : memref<6400xi32, #tpu.memory_space<vmem>>, vector<16xi32>,
    %get3A_124 = vector.shape_cast %get3A_123 : vector<16xi32> to vector<16xi32>
    %dma_start3A_125 = arith.constant 1 : i32
    %dma_start3A_126 = arith.constant 48 : i32
    %dma_start3A_127 = arith.constant 0 : i32
    %dma_start3A_128 = tpu.memref_slice %arg6[%dma_start3A_125, %dma_start3A_126, %dma_start3A_127] : memref<12x128x64xf32, #tpu.memory_space<vmem>> -> memref<1x16x64xf32, #tpu.memory_space<vmem>>
    %dma_start3A_129 = tpu.memref_squeeze %dma_start3A_128 : memref<1x16x64xf32, #tpu.memory_space<vmem>> -> memref<16x64xf32, #tpu.memory_space<vmem>>
    %dma_start3A_130 = arith.constant 0 : i32
    %dma_start3A_131 = arith.constant 0 : i32
    %dma_start3A_132 = tpu.memref_slice %arg3[%dma_start3A_130, %dma_start3A_131] : memref<1000000x64xf32, #tpu.memory_space<hbm>> -> memref<1000000x64xf32, #tpu.memory_space<hbm>>
    tpu.enqueue_indirect_dma source(%dma_start3A_132 : memref<1000000x64xf32, #tpu.memory_space<hbm>>) target(%dma_start3A_129 : memref<16x64xf32, #tpu.memory_space<vmem>>) offsets(%get3A_124 : vector<16xi32>) semaphore(%arg7 : memref<!tpu.dma_semaphore, #tpu.memory_space<semaphore_mem>>)
    %get3A_133 = arith.constant 192 : index
    %get3A_134 = tpu.vector_load %arg5[%get3A_133] {strides = array<i32>} : memref<6400xi32, #tpu.memory_space<vmem>>, vector<16xi32>,
    %get3A_135 = vector.shape_cast %get3A_134 : vector<16xi32> to vector<16xi32>
    %dma_start3A_136 = arith.constant 1 : i32
    %dma_start3A_137 = arith.constant 64 : i32
    %dma_start3A_138 = arith.constant 0 : i32
    %dma_start3A_139 = tpu.memref_slice %arg6[%dma_start3A_136, %dma_start3A_137, %dma_start3A_138] : memref<12x128x64xf32, #tpu.memory_space<vmem>> -> memref<1x16x64xf32, #tpu.memory_space<vmem>>
    %dma_start3A_140 = tpu.memref_squeeze %dma_start3A_139 : memref<1x16x64xf32, #tpu.memory_space<vmem>> -> memref<16x64xf32, #tpu.memory_space<vmem>>
    %dma_start3A_141 = arith.constant 0 : i32
    %dma_start3A_142 = arith.constant 0 : i32
    %dma_start3A_143 = tpu.memref_slice %arg3[%dma_start3A_141, %dma_start3A_142] : memref<1000000x64xf32, #tpu.memory_space<hbm>> -> memref<1000000x64xf32, #tpu.memory_space<hbm>>
    tpu.enqueue_indirect_dma source(%dma_start3A_143 : memref<1000000x64xf32, #tpu.memory_space<hbm>>) target(%dma_start3A_140 : memref<16x64xf32, #tpu.memory_space<vmem>>) offsets(%get3A_135 : vector<16xi32>) semaphore(%arg7 : memref<!tpu.dma_semaphore, #tpu.memory_space<semaphore_mem>>)
    %get3A_144 = arith.constant 208 : index
    %get3A_145 = tpu.vector_load %arg5[%get3A_144] {strides = array<i32>} : memref<6400xi32, #tpu.memory_space<vmem>>, vector<16xi32>,
    %get3A_146 = vector.shape_cast %get3A_145 : vector<16xi32> to vector<16xi32>
    %dma_start3A_147 = arith.constant 1 : i32
    %dma_start3A_148 = arith.constant 80 : i32
    %dma_start3A_149 = arith.constant 0 : i32
    %dma_start3A_150 = tpu.memref_slice %arg6[%dma_start3A_147, %dma_start3A_148, %dma_start3A_149] : memref<12x128x64xf32, #tpu.memory_space<vmem>> -> memref<1x16x64xf32, #tpu.memory_space<vmem>>
    %dma_start3A_151 = tpu.memref_squeeze %dma_start3A_150 : memref<1x16x64xf32, #tpu.memory_space<vmem>> -> memref<16x64xf32, #tpu.memory_space<vmem>>
    %dma_start3A_152 = arith.constant 0 : i32
    %dma_start3A_153 = arith.constant 0 : i32
    %dma_start3A_154 = tpu.memref_slice %arg3[%dma_start3A_152, %dma_start3A_153] : memref<1000000x64xf32, #tpu.memory_space<hbm>> -> memref<1000000x64xf32, #tpu.memory_space<hbm>>
    tpu.enqueue_indirect_dma source(%dma_start3A_154 : memref<1000000x64xf32, #tpu.memory_space<hbm>>) target(%dma_start3A_151 : memref<16x64xf32, #tpu.memory_space<vmem>>) offsets(%get3A_146 : vector<16xi32>) semaphore(%arg7 : memref<!tpu.dma_semaphore, #tpu.memory_space<semaphore_mem>>)
    %get3A_155 = arith.constant 224 : index
    %get3A_156 = tpu.vector_load %arg5[%get3A_155] {strides = array<i32>} : memref<6400xi32, #tpu.memory_space<vmem>>, vector<16xi32>,
    %get3A_157 = vector.shape_cast %get3A_156 : vector<16xi32> to vector<16xi32>
    %dma_start3A_158 = arith.constant 1 : i32
    %dma_start3A_159 = arith.constant 96 : i32
    %dma_start3A_160 = arith.constant 0 : i32
    %dma_start3A_161 = tpu.memref_slice %arg6[%dma_start3A_158, %dma_start3A_159, %dma_start3A_160] : memref<12x128x64xf32, #tpu.memory_space<vmem>> -> memref<1x16x64xf32, #tpu.memory_space<vmem>>
    %dma_start3A_162 = tpu.memref_squeeze %dma_start3A_161 : memref<1x16x64xf32, #tpu.memory_space<vmem>> -> memref<16x64xf32, #tpu.memory_space<vmem>>
    %dma_start3A_163 = arith.constant 0 : i32
    %dma_start3A_164 = arith.constant 0 : i32
    %dma_start3A_165 = tpu.memref_slice %arg3[%dma_start3A_163, %dma_start3A_164] : memref<1000000x64xf32, #tpu.memory_space<hbm>> -> memref<1000000x64xf32, #tpu.memory_space<hbm>>
    tpu.enqueue_indirect_dma source(%dma_start3A_165 : memref<1000000x64xf32, #tpu.memory_space<hbm>>) target(%dma_start3A_162 : memref<16x64xf32, #tpu.memory_space<vmem>>) offsets(%get3A_157 : vector<16xi32>) semaphore(%arg7 : memref<!tpu.dma_semaphore, #tpu.memory_space<semaphore_mem>>)
    %get3A_166 = arith.constant 240 : index
    %get3A_167 = tpu.vector_load %arg5[%get3A_166] {strides = array<i32>} : memref<6400xi32, #tpu.memory_space<vmem>>, vector<16xi32>,
    %get3A_168 = vector.shape_cast %get3A_167 : vector<16xi32> to vector<16xi32>
    %dma_start3A_169 = arith.constant 1 : i32
    %dma_start3A_170 = arith.constant 112 : i32
    %dma_start3A_171 = arith.constant 0 : i32
    %dma_start3A_172 = tpu.memref_slice %arg6[%dma_start3A_169, %dma_start3A_170, %dma_start3A_171] : memref<12x128x64xf32, #tpu.memory_space<vmem>> -> memref<1x16x64xf32, #tpu.memory_space<vmem>>
    %dma_start3A_173 = tpu.memref_squeeze %dma_start3A_172 : memref<1x16x64xf32, #tpu.memory_space<vmem>> -> memref<16x64xf32, #tpu.memory_space<vmem>>
    %dma_start3A_174 = arith.constant 0 : i32
    %dma_start3A_175 = arith.constant 0 : i32
    %dma_start3A_176 = tpu.memref_slice %arg3[%dma_start3A_174, %dma_start3A_175] : memref<1000000x64xf32, #tpu.memory_space<hbm>> -> memref<1000000x64xf32, #tpu.memory_space<hbm>>
    tpu.enqueue_indirect_dma source(%dma_start3A_176 : memref<1000000x64xf32, #tpu.memory_space<hbm>>) target(%dma_start3A_173 : memref<16x64xf32, #tpu.memory_space<vmem>>) offsets(%get3A_168 : vector<16xi32>) semaphore(%arg7 : memref<!tpu.dma_semaphore, #tpu.memory_space<semaphore_mem>>)
    %get3A_177 = arith.constant 256 : index
    %get3A_178 = tpu.vector_load %arg5[%get3A_177] {strides = array<i32>} : memref<6400xi32, #tpu.memory_space<vmem>>, vector<16xi32>,
    %get3A_179 = vector.shape_cast %get3A_178 : vector<16xi32> to vector<16xi32>
    %dma_start3A_180 = arith.constant 2 : i32
    %dma_start3A_181 = arith.constant 0 : i32
    %dma_start3A_182 = arith.constant 0 : i32
    %dma_start3A_183 = tpu.memref_slice %arg6[%dma_start3A_180, %dma_start3A_181, %dma_start3A_182] : memref<12x128x64xf32, #tpu.memory_space<vmem>> -> memref<1x16x64xf32, #tpu.memory_space<vmem>>
    %dma_start3A_184 = tpu.memref_squeeze %dma_start3A_183 : memref<1x16x64xf32, #tpu.memory_space<vmem>> -> memref<16x64xf32, #tpu.memory_space<vmem>>
    %dma_start3A_185 = arith.constant 0 : i32
    %dma_start3A_186 = arith.constant 0 : i32
    %dma_start3A_187 = tpu.memref_slice %arg3[%dma_start3A_185, %dma_start3A_186] : memref<1000000x64xf32, #tpu.memory_space<hbm>> -> memref<1000000x64xf32, #tpu.memory_space<hbm>>
    tpu.enqueue_indirect_dma source(%dma_start3A_187 : memref<1000000x64xf32, #tpu.memory_space<hbm>>) target(%dma_start3A_184 : memref<16x64xf32, #tpu.memory_space<vmem>>) offsets(%get3A_179 : vector<16xi32>) semaphore(%arg7 : memref<!tpu.dma_semaphore, #tpu.memory_space<semaphore_mem>>)
    %get3A_188 = arith.constant 272 : index
    %get3A_189 = tpu.vector_load %arg5[%get3A_188] {strides = array<i32>} : memref<6400xi32, #tpu.memory_space<vmem>>, vector<16xi32>,
    %get3A_190 = vector.shape_cast %get3A_189 : vector<16xi32> to vector<16xi32>
    %dma_start3A_191 = arith.constant 2 : i32
    %dma_start3A_192 = arith.constant 16 : i32
    %dma_start3A_193 = arith.constant 0 : i32
    %dma_start3A_194 = tpu.memref_slice %arg6[%dma_start3A_191, %dma_start3A_192, %dma_start3A_193] : memref<12x128x64xf32, #tpu.memory_space<vmem>> -> memref<1x16x64xf32, #tpu.memory_space<vmem>>
    %dma_start3A_195 = tpu.memref_squeeze %dma_start3A_194 : memref<1x16x64xf32, #tpu.memory_space<vmem>> -> memref<16x64xf32, #tpu.memory_space<vmem>>
    %dma_start3A_196 = arith.constant 0 : i32
    %dma_start3A_197 = arith.constant 0 : i32
    %dma_start3A_198 = tpu.memref_slice %arg3[%dma_start3A_196, %dma_start3A_197] : memref<1000000x64xf32, #tpu.memory_space<hbm>> -> memref<1000000x64xf32, #tpu.memory_space<hbm>>
    tpu.enqueue_indirect_dma source(%dma_start3A_198 : memref<1000000x64xf32, #tpu.memory_space<hbm>>) target(%dma_start3A_195 : memref<16x64xf32, #tpu.memory_space<vmem>>) offsets(%get3A_190 : vector<16xi32>) semaphore(%arg7 : memref<!tpu.dma_semaphore, #tpu.memory_space<semaphore_mem>>)
    %get3A_199 = arith.constant 288 : index
    %get3A_200 = tpu.vector_load %arg5[%get3A_199] {strides = array<i32>} : memref<6400xi32, #tpu.memory_space<vmem>>, vector<16xi32>,
    %get3A_201 = vector.shape_cast %get3A_200 : vector<16xi32> to vector<16xi32>
    %dma_start3A_202 = arith.constant 2 : i32
    %dma_start3A_203 = arith.constant 32 : i32
    %dma_start3A_204 = arith.constant 0 : i32
    %dma_start3A_205 = tpu.memref_slice %arg6[%dma_start3A_202, %dma_start3A_203, %dma_start3A_204] : memref<12x128x64xf32, #tpu.memory_space<vmem>> -> memref<1x16x64xf32, #tpu.memory_space<vmem>>
    %dma_start3A_206 = tpu.memref_squeeze %dma_start3A_205 : memref<1x16x64xf32, #tpu.memory_space<vmem>> -> memref<16x64xf32, #tpu.memory_space<vmem>>
    %dma_start3A_207 = arith.constant 0 : i32
    %dma_start3A_208 = arith.constant 0 : i32
    %dma_start3A_209 = tpu.memref_slice %arg3[%dma_start3A_207, %dma_start3A_208] : memref<1000000x64xf32, #tpu.memory_space<hbm>> -> memref<1000000x64xf32, #tpu.memory_space<hbm>>
    tpu.enqueue_indirect_dma source(%dma_start3A_209 : memref<1000000x64xf32, #tpu.memory_space<hbm>>) target(%dma_start3A_206 : memref<16x64xf32, #tpu.memory_space<vmem>>) offsets(%get3A_201 : vector<16xi32>) semaphore(%arg7 : memref<!tpu.dma_semaphore, #tpu.memory_space<semaphore_mem>>)
    %get3A_210 = arith.constant 304 : index
    %get3A_211 = tpu.vector_load %arg5[%get3A_210] {strides = array<i32>} : memref<6400xi32, #tpu.memory_space<vmem>>, vector<16xi32>,
    %get3A_212 = vector.shape_cast %get3A_211 : vector<16xi32> to vector<16xi32>
    %dma_start3A_213 = arith.constant 2 : i32
    %dma_start3A_214 = arith.constant 48 : i32
    %dma_start3A_215 = arith.constant 0 : i32
    %dma_start3A_216 = tpu.memref_slice %arg6[%dma_start3A_213, %dma_start3A_214, %dma_start3A_215] : memref<12x128x64xf32, #tpu.memory_space<vmem>> -> memref<1x16x64xf32, #tpu.memory_space<vmem>>
    %dma_start3A_217 = tpu.memref_squeeze %dma_start3A_216 : memref<1x16x64xf32, #tpu.memory_space<vmem>> -> memref<16x64xf32, #tpu.memory_space<vmem>>
    %dma_start3A_218 = arith.constant 0 : i32
    %dma_start3A_219 = arith.constant 0 : i32
    %dma_start3A_220 = tpu.memref_slice %arg3[%dma_start3A_218, %dma_start3A_219] : memref<1000000x64xf32, #tpu.memory_space<hbm>> -> memref<1000000x64xf32, #tpu.memory_space<hbm>>
    tpu.enqueue_indirect_dma source(%dma_start3A_220 : memref<1000000x64xf32, #tpu.memory_space<hbm>>) target(%dma_start3A_217 : memref<16x64xf32, #tpu.memory_space<vmem>>) offsets(%get3A_212 : vector<16xi32>) semaphore(%arg7 : memref<!tpu.dma_semaphore, #tpu.memory_space<semaphore_mem>>)
    %get3A_221 = arith.constant 320 : index
    %get3A_222 = tpu.vector_load %arg5[%get3A_221] {strides = array<i32>} : memref<6400xi32, #tpu.memory_space<vmem>>, vector<16xi32>,
    %get3A_223 = vector.shape_cast %get3A_222 : vector<16xi32> to vector<16xi32>
    %dma_start3A_224 = arith.constant 2 : i32
    %dma_start3A_225 = arith.constant 64 : i32
    %dma_start3A_226 = arith.constant 0 : i32
    %dma_start3A_227 = tpu.memref_slice %arg6[%dma_start3A_224, %dma_start3A_225, %dma_start3A_226] : memref<12x128x64xf32, #tpu.memory_space<vmem>> -> memref<1x16x64xf32, #tpu.memory_space<vmem>>
    %dma_start3A_228 = tpu.memref_squeeze %dma_start3A_227 : memref<1x16x64xf32, #tpu.memory_space<vmem>> -> memref<16x64xf32, #tpu.memory_space<vmem>>
    %dma_start3A_229 = arith.constant 0 : i32
    %dma_start3A_230 = arith.constant 0 : i32
    %dma_start3A_231 = tpu.memref_slice %arg3[%dma_start3A_229, %dma_start3A_230] : memref<1000000x64xf32, #tpu.memory_space<hbm>> -> memref<1000000x64xf32, #tpu.memory_space<hbm>>
    tpu.enqueue_indirect_dma source(%dma_start3A_231 : memref<1000000x64xf32, #tpu.memory_space<hbm>>) target(%dma_start3A_228 : memref<16x64xf32, #tpu.memory_space<vmem>>) offsets(%get3A_223 : vector<16xi32>) semaphore(%arg7 : memref<!tpu.dma_semaphore, #tpu.memory_space<semaphore_mem>>)
    %get3A_232 = arith.constant 336 : index
    %get3A_233 = tpu.vector_load %arg5[%get3A_232] {strides = array<i32>} : memref<6400xi32, #tpu.memory_space<vmem>>, vector<16xi32>,
    %get3A_234 = vector.shape_cast %get3A_233 : vector<16xi32> to vector<16xi32>
    %dma_start3A_235 = arith.constant 2 : i32
    %dma_start3A_236 = arith.constant 80 : i32
    %dma_start3A_237 = arith.constant 0 : i32
    %dma_start3A_238 = tpu.memref_slice %arg6[%dma_start3A_235, %dma_start3A_236, %dma_start3A_237] : memref<12x128x64xf32, #tpu.memory_space<vmem>> -> memref<1x16x64xf32, #tpu.memory_space<vmem>>
    %dma_start3A_239 = tpu.memref_squeeze %dma_start3A_238 : memref<1x16x64xf32, #tpu.memory_space<vmem>> -> memref<16x64xf32, #tpu.memory_space<vmem>>
    %dma_start3A_240 = arith.constant 0 : i32
    %dma_start3A_241 = arith.constant 0 : i32
    %dma_start3A_242 = tpu.memref_slice %arg3[%dma_start3A_240, %dma_start3A_241] : memref<1000000x64xf32, #tpu.memory_space<hbm>> -> memref<1000000x64xf32, #tpu.memory_space<hbm>>
    tpu.enqueue_indirect_dma source(%dma_start3A_242 : memref<1000000x64xf32, #tpu.memory_space<hbm>>) target(%dma_start3A_239 : memref<16x64xf32, #tpu.memory_space<vmem>>) offsets(%get3A_234 : vector<16xi32>) semaphore(%arg7 : memref<!tpu.dma_semaphore, #tpu.memory_space<semaphore_mem>>)
    %get3A_243 = arith.constant 352 : index
    %get3A_244 = tpu.vector_load %arg5[%get3A_243] {strides = array<i32>} : memref<6400xi32, #tpu.memory_space<vmem>>, vector<16xi32>,
    %get3A_245 = vector.shape_cast %get3A_244 : vector<16xi32> to vector<16xi32>
    %dma_start3A_246 = arith.constant 2 : i32
    %dma_start3A_247 = arith.constant 96 : i32
    %dma_start3A_248 = arith.constant 0 : i32
    %dma_start3A_249 = tpu.memref_slice %arg6[%dma_start3A_246, %dma_start3A_247, %dma_start3A_248] : memref<12x128x64xf32, #tpu.memory_space<vmem>> -> memref<1x16x64xf32, #tpu.memory_space<vmem>>
    %dma_start3A_250 = tpu.memref_squeeze %dma_start3A_249 : memref<1x16x64xf32, #tpu.memory_space<vmem>> -> memref<16x64xf32, #tpu.memory_space<vmem>>
    %dma_start3A_251 = arith.constant 0 : i32
    %dma_start3A_252 = arith.constant 0 : i32
    %dma_start3A_253 = tpu.memref_slice %arg3[%dma_start3A_251, %dma_start3A_252] : memref<1000000x64xf32, #tpu.memory_space<hbm>> -> memref<1000000x64xf32, #tpu.memory_space<hbm>>
    tpu.enqueue_indirect_dma source(%dma_start3A_253 : memref<1000000x64xf32, #tpu.memory_space<hbm>>) target(%dma_start3A_250 : memref<16x64xf32, #tpu.memory_space<vmem>>) offsets(%get3A_245 : vector<16xi32>) semaphore(%arg7 : memref<!tpu.dma_semaphore, #tpu.memory_space<semaphore_mem>>)
    %get3A_254 = arith.constant 368 : index
    %get3A_255 = tpu.vector_load %arg5[%get3A_254] {strides = array<i32>} : memref<6400xi32, #tpu.memory_space<vmem>>, vector<16xi32>,
    %get3A_256 = vector.shape_cast %get3A_255 : vector<16xi32> to vector<16xi32>
    %dma_start3A_257 = arith.constant 2 : i32
    %dma_start3A_258 = arith.constant 112 : i32
    %dma_start3A_259 = arith.constant 0 : i32
    %dma_start3A_260 = tpu.memref_slice %arg6[%dma_start3A_257, %dma_start3A_258, %dma_start3A_259] : memref<12x128x64xf32, #tpu.memory_space<vmem>> -> memref<1x16x64xf32, #tpu.memory_space<vmem>>
    %dma_start3A_261 = tpu.memref_squeeze %dma_start3A_260 : memref<1x16x64xf32, #tpu.memory_space<vmem>> -> memref<16x64xf32, #tpu.memory_space<vmem>>
    %dma_start3A_262 = arith.constant 0 : i32
    %dma_start3A_263 = arith.constant 0 : i32
    %dma_start3A_264 = tpu.memref_slice %arg3[%dma_start3A_262, %dma_start3A_263] : memref<1000000x64xf32, #tpu.memory_space<hbm>> -> memref<1000000x64xf32, #tpu.memory_space<hbm>>
    tpu.enqueue_indirect_dma source(%dma_start3A_264 : memref<1000000x64xf32, #tpu.memory_space<hbm>>) target(%dma_start3A_261 : memref<16x64xf32, #tpu.memory_space<vmem>>) offsets(%get3A_256 : vector<16xi32>) semaphore(%arg7 : memref<!tpu.dma_semaphore, #tpu.memory_space<semaphore_mem>>)
    %get3A_265 = arith.constant 384 : index
    %get3A_266 = tpu.vector_load %arg5[%get3A_265] {strides = array<i32>} : memref<6400xi32, #tpu.memory_space<vmem>>, vector<16xi32>,
    %get3A_267 = vector.shape_cast %get3A_266 : vector<16xi32> to vector<16xi32>
    %dma_start3A_268 = arith.constant 3 : i32
    %dma_start3A_269 = arith.constant 0 : i32
    %dma_start3A_270 = arith.constant 0 : i32
    %dma_start3A_271 = tpu.memref_slice %arg6[%dma_start3A_268, %dma_start3A_269, %dma_start3A_270] : memref<12x128x64xf32, #tpu.memory_space<vmem>> -> memref<1x16x64xf32, #tpu.memory_space<vmem>>
    %dma_start3A_272 = tpu.memref_squeeze %dma_start3A_271 : memref<1x16x64xf32, #tpu.memory_space<vmem>> -> memref<16x64xf32, #tpu.memory_space<vmem>>
    %dma_start3A_273 = arith.constant 0 : i32
    %dma_start3A_274 = arith.constant 0 : i32
    %dma_start3A_275 = tpu.memref_slice %arg3[%dma_start3A_273, %dma_start3A_274] : memref<1000000x64xf32, #tpu.memory_space<hbm>> -> memref<1000000x64xf32, #tpu.memory_space<hbm>>
    tpu.enqueue_indirect_dma source(%dma_start3A_275 : memref<1000000x64xf32, #tpu.memory_space<hbm>>) target(%dma_start3A_272 : memref<16x64xf32, #tpu.memory_space<vmem>>) offsets(%get3A_267 : vector<16xi32>) semaphore(%arg7 : memref<!tpu.dma_semaphore, #tpu.memory_space<semaphore_mem>>)
    %get3A_276 = arith.constant 400 : index
    %get3A_277 = tpu.vector_load %arg5[%get3A_276] {strides = array<i32>} : memref<6400xi32, #tpu.memory_space<vmem>>, vector<16xi32>,
    %get3A_278 = vector.shape_cast %get3A_277 : vector<16xi32> to vector<16xi32>
    %dma_start3A_279 = arith.constant 3 : i32
    %dma_start3A_280 = arith.constant 16 : i32
    %dma_start3A_281 = arith.constant 0 : i32
    %dma_start3A_282 = tpu.memref_slice %arg6[%dma_start3A_279, %dma_start3A_280, %dma_start3A_281] : memref<12x128x64xf32, #tpu.memory_space<vmem>> -> memref<1x16x64xf32, #tpu.memory_space<vmem>>
    %dma_start3A_283 = tpu.memref_squeeze %dma_start3A_282 : memref<1x16x64xf32, #tpu.memory_space<vmem>> -> memref<16x64xf32, #tpu.memory_space<vmem>>
    %dma_start3A_284 = arith.constant 0 : i32
    %dma_start3A_285 = arith.constant 0 : i32
    %dma_start3A_286 = tpu.memref_slice %arg3[%dma_start3A_284, %dma_start3A_285] : memref<1000000x64xf32, #tpu.memory_space<hbm>> -> memref<1000000x64xf32, #tpu.memory_space<hbm>>
    tpu.enqueue_indirect_dma source(%dma_start3A_286 : memref<1000000x64xf32, #tpu.memory_space<hbm>>) target(%dma_start3A_283 : memref<16x64xf32, #tpu.memory_space<vmem>>) offsets(%get3A_278 : vector<16xi32>) semaphore(%arg7 : memref<!tpu.dma_semaphore, #tpu.memory_space<semaphore_mem>>)
    %get3A_287 = arith.constant 416 : index
    %get3A_288 = tpu.vector_load %arg5[%get3A_287] {strides = array<i32>} : memref<6400xi32, #tpu.memory_space<vmem>>, vector<16xi32>,
    %get3A_289 = vector.shape_cast %get3A_288 : vector<16xi32> to vector<16xi32>
    %dma_start3A_290 = arith.constant 3 : i32
    %dma_start3A_291 = arith.constant 32 : i32
    %dma_start3A_292 = arith.constant 0 : i32
    %dma_start3A_293 = tpu.memref_slice %arg6[%dma_start3A_290, %dma_start3A_291, %dma_start3A_292] : memref<12x128x64xf32, #tpu.memory_space<vmem>> -> memref<1x16x64xf32, #tpu.memory_space<vmem>>
    %dma_start3A_294 = tpu.memref_squeeze %dma_start3A_293 : memref<1x16x64xf32, #tpu.memory_space<vmem>> -> memref<16x64xf32, #tpu.memory_space<vmem>>
    %dma_start3A_295 = arith.constant 0 : i32
    %dma_start3A_296 = arith.constant 0 : i32
    %dma_start3A_297 = tpu.memref_slice %arg3[%dma_start3A_295, %dma_start3A_296] : memref<1000000x64xf32, #tpu.memory_space<hbm>> -> memref<1000000x64xf32, #tpu.memory_space<hbm>>
    tpu.enqueue_indirect_dma source(%dma_start3A_297 : memref<1000000x64xf32, #tpu.memory_space<hbm>>) target(%dma_start3A_294 : memref<16x64xf32, #tpu.memory_space<vmem>>) offsets(%get3A_289 : vector<16xi32>) semaphore(%arg7 : memref<!tpu.dma_semaphore, #tpu.memory_space<semaphore_mem>>)
    %get3A_298 = arith.constant 432 : index
    %get3A_299 = tpu.vector_load %arg5[%get3A_298] {strides = array<i32>} : memref<6400xi32, #tpu.memory_space<vmem>>, vector<16xi32>,
    %get3A_300 = vector.shape_cast %get3A_299 : vector<16xi32> to vector<16xi32>
    %dma_start3A_301 = arith.constant 3 : i32
    %dma_start3A_302 = arith.constant 48 : i32
    %dma_start3A_303 = arith.constant 0 : i32
    %dma_start3A_304 = tpu.memref_slice %arg6[%dma_start3A_301, %dma_start3A_302, %dma_start3A_303] : memref<12x128x64xf32, #tpu.memory_space<vmem>> -> memref<1x16x64xf32, #tpu.memory_space<vmem>>
    %dma_start3A_305 = tpu.memref_squeeze %dma_start3A_304 : memref<1x16x64xf32, #tpu.memory_space<vmem>> -> memref<16x64xf32, #tpu.memory_space<vmem>>
    %dma_start3A_306 = arith.constant 0 : i32
    %dma_start3A_307 = arith.constant 0 : i32
    %dma_start3A_308 = tpu.memref_slice %arg3[%dma_start3A_306, %dma_start3A_307] : memref<1000000x64xf32, #tpu.memory_space<hbm>> -> memref<1000000x64xf32, #tpu.memory_space<hbm>>
    tpu.enqueue_indirect_dma source(%dma_start3A_308 : memref<1000000x64xf32, #tpu.memory_space<hbm>>) target(%dma_start3A_305 : memref<16x64xf32, #tpu.memory_space<vmem>>) offsets(%get3A_300 : vector<16xi32>) semaphore(%arg7 : memref<!tpu.dma_semaphore, #tpu.memory_space<semaphore_mem>>)
    %get3A_309 = arith.constant 448 : index
    %get3A_310 = tpu.vector_load %arg5[%get3A_309] {strides = array<i32>} : memref<6400xi32, #tpu.memory_space<vmem>>, vector<16xi32>,
    %get3A_311 = vector.shape_cast %get3A_310 : vector<16xi32> to vector<16xi32>
    %dma_start3A_312 = arith.constant 3 : i32
    %dma_start3A_313 = arith.constant 64 : i32
    %dma_start3A_314 = arith.constant 0 : i32
    %dma_start3A_315 = tpu.memref_slice %arg6[%dma_start3A_312, %dma_start3A_313, %dma_start3A_314] : memref<12x128x64xf32, #tpu.memory_space<vmem>> -> memref<1x16x64xf32, #tpu.memory_space<vmem>>
    %dma_start3A_316 = tpu.memref_squeeze %dma_start3A_315 : memref<1x16x64xf32, #tpu.memory_space<vmem>> -> memref<16x64xf32, #tpu.memory_space<vmem>>
    %dma_start3A_317 = arith.constant 0 : i32
    %dma_start3A_318 = arith.constant 0 : i32
    %dma_start3A_319 = tpu.memref_slice %arg3[%dma_start3A_317, %dma_start3A_318] : memref<1000000x64xf32, #tpu.memory_space<hbm>> -> memref<1000000x64xf32, #tpu.memory_space<hbm>>
    tpu.enqueue_indirect_dma source(%dma_start3A_319 : memref<1000000x64xf32, #tpu.memory_space<hbm>>) target(%dma_start3A_316 : memref<16x64xf32, #tpu.memory_space<vmem>>) offsets(%get3A_311 : vector<16xi32>) semaphore(%arg7 : memref<!tpu.dma_semaphore, #tpu.memory_space<semaphore_mem>>)
    %get3A_320 = arith.constant 464 : index
    %get3A_321 = tpu.vector_load %arg5[%get3A_320] {strides = array<i32>} : memref<6400xi32, #tpu.memory_space<vmem>>, vector<16xi32>,
    %get3A_322 = vector.shape_cast %get3A_321 : vector<16xi32> to vector<16xi32>
    %dma_start3A_323 = arith.constant 3 : i32
    %dma_start3A_324 = arith.constant 80 : i32
    %dma_start3A_325 = arith.constant 0 : i32
    %dma_start3A_326 = tpu.memref_slice %arg6[%dma_start3A_323, %dma_start3A_324, %dma_start3A_325] : memref<12x128x64xf32, #tpu.memory_space<vmem>> -> memref<1x16x64xf32, #tpu.memory_space<vmem>>
    %dma_start3A_327 = tpu.memref_squeeze %dma_start3A_326 : memref<1x16x64xf32, #tpu.memory_space<vmem>> -> memref<16x64xf32, #tpu.memory_space<vmem>>
    %dma_start3A_328 = arith.constant 0 : i32
    %dma_start3A_329 = arith.constant 0 : i32
    %dma_start3A_330 = tpu.memref_slice %arg3[%dma_start3A_328, %dma_start3A_329] : memref<1000000x64xf32, #tpu.memory_space<hbm>> -> memref<1000000x64xf32, #tpu.memory_space<hbm>>
    tpu.enqueue_indirect_dma source(%dma_start3A_330 : memref<1000000x64xf32, #tpu.memory_space<hbm>>) target(%dma_start3A_327 : memref<16x64xf32, #tpu.memory_space<vmem>>) offsets(%get3A_322 : vector<16xi32>) semaphore(%arg7 : memref<!tpu.dma_semaphore, #tpu.memory_space<semaphore_mem>>)
    %get3A_331 = arith.constant 480 : index
    %get3A_332 = tpu.vector_load %arg5[%get3A_331] {strides = array<i32>} : memref<6400xi32, #tpu.memory_space<vmem>>, vector<16xi32>,
    %get3A_333 = vector.shape_cast %get3A_332 : vector<16xi32> to vector<16xi32>
    %dma_start3A_334 = arith.constant 3 : i32
    %dma_start3A_335 = arith.constant 96 : i32
    %dma_start3A_336 = arith.constant 0 : i32
    %dma_start3A_337 = tpu.memref_slice %arg6[%dma_start3A_334, %dma_start3A_335, %dma_start3A_336] : memref<12x128x64xf32, #tpu.memory_space<vmem>> -> memref<1x16x64xf32, #tpu.memory_space<vmem>>
    %dma_start3A_338 = tpu.memref_squeeze %dma_start3A_337 : memref<1x16x64xf32, #tpu.memory_space<vmem>> -> memref<16x64xf32, #tpu.memory_space<vmem>>
    %dma_start3A_339 = arith.constant 0 : i32
    %dma_start3A_340 = arith.constant 0 : i32
    %dma_start3A_341 = tpu.memref_slice %arg3[%dma_start3A_339, %dma_start3A_340] : memref<1000000x64xf32, #tpu.memory_space<hbm>> -> memref<1000000x64xf32, #tpu.memory_space<hbm>>
    tpu.enqueue_indirect_dma source(%dma_start3A_341 : memref<1000000x64xf32, #tpu.memory_space<hbm>>) target(%dma_start3A_338 : memref<16x64xf32, #tpu.memory_space<vmem>>) offsets(%get3A_333 : vector<16xi32>) semaphore(%arg7 : memref<!tpu.dma_semaphore, #tpu.memory_space<semaphore_mem>>)
    %get3A_342 = arith.constant 496 : index
    %get3A_343 = tpu.vector_load %arg5[%get3A_342] {strides = array<i32>} : memref<6400xi32, #tpu.memory_space<vmem>>, vector<16xi32>,
    %get3A_344 = vector.shape_cast %get3A_343 : vector<16xi32> to vector<16xi32>
    %dma_start3A_345 = arith.constant 3 : i32
    %dma_start3A_346 = arith.constant 112 : i32
    %dma_start3A_347 = arith.constant 0 : i32
    %dma_start3A_348 = tpu.memref_slice %arg6[%dma_start3A_345, %dma_start3A_346, %dma_start3A_347] : memref<12x128x64xf32, #tpu.memory_space<vmem>> -> memref<1x16x64xf32, #tpu.memory_space<vmem>>
    %dma_start3A_349 = tpu.memref_squeeze %dma_start3A_348 : memref<1x16x64xf32, #tpu.memory_space<vmem>> -> memref<16x64xf32, #tpu.memory_space<vmem>>
    %dma_start3A_350 = arith.constant 0 : i32
    %dma_start3A_351 = arith.constant 0 : i32
    %dma_start3A_352 = tpu.memref_slice %arg3[%dma_start3A_350, %dma_start3A_351] : memref<1000000x64xf32, #tpu.memory_space<hbm>> -> memref<1000000x64xf32, #tpu.memory_space<hbm>>
    tpu.enqueue_indirect_dma source(%dma_start3A_352 : memref<1000000x64xf32, #tpu.memory_space<hbm>>) target(%dma_start3A_349 : memref<16x64xf32, #tpu.memory_space<vmem>>) offsets(%get3A_344 : vector<16xi32>) semaphore(%arg7 : memref<!tpu.dma_semaphore, #tpu.memory_space<semaphore_mem>>)
    %get3A_353 = arith.constant 512 : index
    %get3A_354 = tpu.vector_load %arg5[%get3A_353] {strides = array<i32>} : memref<6400xi32, #tpu.memory_space<vmem>>, vector<16xi32>,
    %get3A_355 = vector.shape_cast %get3A_354 : vector<16xi32> to vector<16xi32>
    %dma_start3A_356 = arith.constant 4 : i32
    %dma_start3A_357 = arith.constant 0 : i32
    %dma_start3A_358 = arith.constant 0 : i32
    %dma_start3A_359 = tpu.memref_slice %arg6[%dma_start3A_356, %dma_start3A_357, %dma_start3A_358] : memref<12x128x64xf32, #tpu.memory_space<vmem>> -> memref<1x16x64xf32, #tpu.memory_space<vmem>>
    %dma_start3A_360 = tpu.memref_squeeze %dma_start3A_359 : memref<1x16x64xf32, #tpu.memory_space<vmem>> -> memref<16x64xf32, #tpu.memory_space<vmem>>
    %dma_start3A_361 = arith.constant 0 : i32
    %dma_start3A_362 = arith.constant 0 : i32
    %dma_start3A_363 = tpu.memref_slice %arg3[%dma_start3A_361, %dma_start3A_362] : memref<1000000x64xf32, #tpu.memory_space<hbm>> -> memref<1000000x64xf32, #tpu.memory_space<hbm>>
    tpu.enqueue_indirect_dma source(%dma_start3A_363 : memref<1000000x64xf32, #tpu.memory_space<hbm>>) target(%dma_start3A_360 : memref<16x64xf32, #tpu.memory_space<vmem>>) offsets(%get3A_355 : vector<16xi32>) semaphore(%arg7 : memref<!tpu.dma_semaphore, #tpu.memory_space<semaphore_mem>>)
    %get3A_364 = arith.constant 528 : index
    %get3A_365 = tpu.vector_load %arg5[%get3A_364] {strides = array<i32>} : memref<6400xi32, #tpu.memory_space<vmem>>, vector<16xi32>,
    %get3A_366 = vector.shape_cast %get3A_365 : vector<16xi32> to vector<16xi32>
    %dma_start3A_367 = arith.constant 4 : i32
    %dma_start3A_368 = arith.constant 16 : i32
    %dma_start3A_369 = arith.constant 0 : i32
    %dma_start3A_370 = tpu.memref_slice %arg6[%dma_start3A_367, %dma_start3A_368, %dma_start3A_369] : memref<12x128x64xf32, #tpu.memory_space<vmem>> -> memref<1x16x64xf32, #tpu.memory_space<vmem>>
    %dma_start3A_371 = tpu.memref_squeeze %dma_start3A_370 : memref<1x16x64xf32, #tpu.memory_space<vmem>> -> memref<16x64xf32, #tpu.memory_space<vmem>>
    %dma_start3A_372 = arith.constant 0 : i32
    %dma_start3A_373 = arith.constant 0 : i32
    %dma_start3A_374 = tpu.memref_slice %arg3[%dma_start3A_372, %dma_start3A_373] : memref<1000000x64xf32, #tpu.memory_space<hbm>> -> memref<1000000x64xf32, #tpu.memory_space<hbm>>
    tpu.enqueue_indirect_dma source(%dma_start3A_374 : memref<1000000x64xf32, #tpu.memory_space<hbm>>) target(%dma_start3A_371 : memref<16x64xf32, #tpu.memory_space<vmem>>) offsets(%get3A_366 : vector<16xi32>) semaphore(%arg7 : memref<!tpu.dma_semaphore, #tpu.memory_space<semaphore_mem>>)
    %get3A_375 = arith.constant 544 : index
    %get3A_376 = tpu.vector_load %arg5[%get3A_375] {strides = array<i32>} : memref<6400xi32, #tpu.memory_space<vmem>>, vector<16xi32>,
    %get3A_377 = vector.shape_cast %get3A_376 : vector<16xi32> to vector<16xi32>
    %dma_start3A_378 = arith.constant 4 : i32
    %dma_start3A_379 = arith.constant 32 : i32
    %dma_start3A_380 = arith.constant 0 : i32
    %dma_start3A_381 = tpu.memref_slice %arg6[%dma_start3A_378, %dma_start3A_379, %dma_start3A_380] : memref<12x128x64xf32, #tpu.memory_space<vmem>> -> memref<1x16x64xf32, #tpu.memory_space<vmem>>
    %dma_start3A_382 = tpu.memref_squeeze %dma_start3A_381 : memref<1x16x64xf32, #tpu.memory_space<vmem>> -> memref<16x64xf32, #tpu.memory_space<vmem>>
    %dma_start3A_383 = arith.constant 0 : i32
    %dma_start3A_384 = arith.constant 0 : i32
    %dma_start3A_385 = tpu.memref_slice %arg3[%dma_start3A_383, %dma_start3A_384] : memref<1000000x64xf32, #tpu.memory_space<hbm>> -> memref<1000000x64xf32, #tpu.memory_space<hbm>>
    tpu.enqueue_indirect_dma source(%dma_start3A_385 : memref<1000000x64xf32, #tpu.memory_space<hbm>>) target(%dma_start3A_382 : memref<16x64xf32, #tpu.memory_space<vmem>>) offsets(%get3A_377 : vector<16xi32>) semaphore(%arg7 : memref<!tpu.dma_semaphore, #tpu.memory_space<semaphore_mem>>)
    %get3A_386 = arith.constant 560 : index
    %get3A_387 = tpu.vector_load %arg5[%get3A_386] {strides = array<i32>} : memref<6400xi32, #tpu.memory_space<vmem>>, vector<16xi32>,
    %get3A_388 = vector.shape_cast %get3A_387 : vector<16xi32> to vector<16xi32>
    %dma_start3A_389 = arith.constant 4 : i32
    %dma_start3A_390 = arith.constant 48 : i32
    %dma_start3A_391 = arith.constant 0 : i32
    %dma_start3A_392 = tpu.memref_slice %arg6[%dma_start3A_389, %dma_start3A_390, %dma_start3A_391] : memref<12x128x64xf32, #tpu.memory_space<vmem>> -> memref<1x16x64xf32, #tpu.memory_space<vmem>>
    %dma_start3A_393 = tpu.memref_squeeze %dma_start3A_392 : memref<1x16x64xf32, #tpu.memory_space<vmem>> -> memref<16x64xf32, #tpu.memory_space<vmem>>
    %dma_start3A_394 = arith.constant 0 : i32
    %dma_start3A_395 = arith.constant 0 : i32
    %dma_start3A_396 = tpu.memref_slice %arg3[%dma_start3A_394, %dma_start3A_395] : memref<1000000x64xf32, #tpu.memory_space<hbm>> -> memref<1000000x64xf32, #tpu.memory_space<hbm>>
    tpu.enqueue_indirect_dma source(%dma_start3A_396 : memref<1000000x64xf32, #tpu.memory_space<hbm>>) target(%dma_start3A_393 : memref<16x64xf32, #tpu.memory_space<vmem>>) offsets(%get3A_388 : vector<16xi32>) semaphore(%arg7 : memref<!tpu.dma_semaphore, #tpu.memory_space<semaphore_mem>>)
    %get3A_397 = arith.constant 576 : index
    %get3A_398 = tpu.vector_load %arg5[%get3A_397] {strides = array<i32>} : memref<6400xi32, #tpu.memory_space<vmem>>, vector<16xi32>,
    %get3A_399 = vector.shape_cast %get3A_398 : vector<16xi32> to vector<16xi32>
    %dma_start3A_400 = arith.constant 4 : i32
    %dma_start3A_401 = arith.constant 64 : i32
    %dma_start3A_402 = arith.constant 0 : i32
    %dma_start3A_403 = tpu.memref_slice %arg6[%dma_start3A_400, %dma_start3A_401, %dma_start3A_402] : memref<12x128x64xf32, #tpu.memory_space<vmem>> -> memref<1x16x64xf32, #tpu.memory_space<vmem>>
    %dma_start3A_404 = tpu.memref_squeeze %dma_start3A_403 : memref<1x16x64xf32, #tpu.memory_space<vmem>> -> memref<16x64xf32, #tpu.memory_space<vmem>>
    %dma_start3A_405 = arith.constant 0 : i32
    %dma_start3A_406 = arith.constant 0 : i32
    %dma_start3A_407 = tpu.memref_slice %arg3[%dma_start3A_405, %dma_start3A_406] : memref<1000000x64xf32, #tpu.memory_space<hbm>> -> memref<1000000x64xf32, #tpu.memory_space<hbm>>
    tpu.enqueue_indirect_dma source(%dma_start3A_407 : memref<1000000x64xf32, #tpu.memory_space<hbm>>) target(%dma_start3A_404 : memref<16x64xf32, #tpu.memory_space<vmem>>) offsets(%get3A_399 : vector<16xi32>) semaphore(%arg7 : memref<!tpu.dma_semaphore, #tpu.memory_space<semaphore_mem>>)
    %get3A_408 = arith.constant 592 : index
    %get3A_409 = tpu.vector_load %arg5[%get3A_408] {strides = array<i32>} : memref<6400xi32, #tpu.memory_space<vmem>>, vector<16xi32>,
    %get3A_410 = vector.shape_cast %get3A_409 : vector<16xi32> to vector<16xi32>
    %dma_start3A_411 = arith.constant 4 : i32
    %dma_start3A_412 = arith.constant 80 : i32
    %dma_start3A_413 = arith.constant 0 : i32
    %dma_start3A_414 = tpu.memref_slice %arg6[%dma_start3A_411, %dma_start3A_412, %dma_start3A_413] : memref<12x128x64xf32, #tpu.memory_space<vmem>> -> memref<1x16x64xf32, #tpu.memory_space<vmem>>
    %dma_start3A_415 = tpu.memref_squeeze %dma_start3A_414 : memref<1x16x64xf32, #tpu.memory_space<vmem>> -> memref<16x64xf32, #tpu.memory_space<vmem>>
    %dma_start3A_416 = arith.constant 0 : i32
    %dma_start3A_417 = arith.constant 0 : i32
    %dma_start3A_418 = tpu.memref_slice %arg3[%dma_start3A_416, %dma_start3A_417] : memref<1000000x64xf32, #tpu.memory_space<hbm>> -> memref<1000000x64xf32, #tpu.memory_space<hbm>>
    tpu.enqueue_indirect_dma source(%dma_start3A_418 : memref<1000000x64xf32, #tpu.memory_space<hbm>>) target(%dma_start3A_415 : memref<16x64xf32, #tpu.memory_space<vmem>>) offsets(%get3A_410 : vector<16xi32>) semaphore(%arg7 : memref<!tpu.dma_semaphore, #tpu.memory_space<semaphore_mem>>)
    %get3A_419 = arith.constant 608 : index
    %get3A_420 = tpu.vector_load %arg5[%get3A_419] {strides = array<i32>} : memref<6400xi32, #tpu.memory_space<vmem>>, vector<16xi32>,
    %get3A_421 = vector.shape_cast %get3A_420 : vector<16xi32> to vector<16xi32>
    %dma_start3A_422 = arith.constant 4 : i32
    %dma_start3A_423 = arith.constant 96 : i32
    %dma_start3A_424 = arith.constant 0 : i32
    %dma_start3A_425 = tpu.memref_slice %arg6[%dma_start3A_422, %dma_start3A_423, %dma_start3A_424] : memref<12x128x64xf32, #tpu.memory_space<vmem>> -> memref<1x16x64xf32, #tpu.memory_space<vmem>>
    %dma_start3A_426 = tpu.memref_squeeze %dma_start3A_425 : memref<1x16x64xf32, #tpu.memory_space<vmem>> -> memref<16x64xf32, #tpu.memory_space<vmem>>
    %dma_start3A_427 = arith.constant 0 : i32
    %dma_start3A_428 = arith.constant 0 : i32
    %dma_start3A_429 = tpu.memref_slice %arg3[%dma_start3A_427, %dma_start3A_428] : memref<1000000x64xf32, #tpu.memory_space<hbm>> -> memref<1000000x64xf32, #tpu.memory_space<hbm>>
    tpu.enqueue_indirect_dma source(%dma_start3A_429 : memref<1000000x64xf32, #tpu.memory_space<hbm>>) target(%dma_start3A_426 : memref<16x64xf32, #tpu.memory_space<vmem>>) offsets(%get3A_421 : vector<16xi32>) semaphore(%arg7 : memref<!tpu.dma_semaphore, #tpu.memory_space<semaphore_mem>>)
    %get3A_430 = arith.constant 624 : index
    %get3A_431 = tpu.vector_load %arg5[%get3A_430] {strides = array<i32>} : memref<6400xi32, #tpu.memory_space<vmem>>, vector<16xi32>,
    %get3A_432 = vector.shape_cast %get3A_431 : vector<16xi32> to vector<16xi32>
    %dma_start3A_433 = arith.constant 4 : i32
    %dma_start3A_434 = arith.constant 112 : i32
    %dma_start3A_435 = arith.constant 0 : i32
    %dma_start3A_436 = tpu.memref_slice %arg6[%dma_start3A_433, %dma_start3A_434, %dma_start3A_435] : memref<12x128x64xf32, #tpu.memory_space<vmem>> -> memref<1x16x64xf32, #tpu.memory_space<vmem>>
    %dma_start3A_437 = tpu.memref_squeeze %dma_start3A_436 : memref<1x16x64xf32, #tpu.memory_space<vmem>> -> memref<16x64xf32, #tpu.memory_space<vmem>>
    %dma_start3A_438 = arith.constant 0 : i32
    %dma_start3A_439 = arith.constant 0 : i32
    %dma_start3A_440 = tpu.memref_slice %arg3[%dma_start3A_438, %dma_start3A_439] : memref<1000000x64xf32, #tpu.memory_space<hbm>> -> memref<1000000x64xf32, #tpu.memory_space<hbm>>
    tpu.enqueue_indirect_dma source(%dma_start3A_440 : memref<1000000x64xf32, #tpu.memory_space<hbm>>) target(%dma_start3A_437 : memref<16x64xf32, #tpu.memory_space<vmem>>) offsets(%get3A_432 : vector<16xi32>) semaphore(%arg7 : memref<!tpu.dma_semaphore, #tpu.memory_space<semaphore_mem>>)
    %get3A_441 = arith.constant 640 : index
    %get3A_442 = tpu.vector_load %arg5[%get3A_441] {strides = array<i32>} : memref<6400xi32, #tpu.memory_space<vmem>>, vector<16xi32>,
    %get3A_443 = vector.shape_cast %get3A_442 : vector<16xi32> to vector<16xi32>
    %dma_start3A_444 = arith.constant 5 : i32
    %dma_start3A_445 = arith.constant 0 : i32
    %dma_start3A_446 = arith.constant 0 : i32
    %dma_start3A_447 = tpu.memref_slice %arg6[%dma_start3A_444, %dma_start3A_445, %dma_start3A_446] : memref<12x128x64xf32, #tpu.memory_space<vmem>> -> memref<1x16x64xf32, #tpu.memory_space<vmem>>
    %dma_start3A_448 = tpu.memref_squeeze %dma_start3A_447 : memref<1x16x64xf32, #tpu.memory_space<vmem>> -> memref<16x64xf32, #tpu.memory_space<vmem>>
    %dma_start3A_449 = arith.constant 0 : i32
    %dma_start3A_450 = arith.constant 0 : i32
    %dma_start3A_451 = tpu.memref_slice %arg3[%dma_start3A_449, %dma_start3A_450] : memref<1000000x64xf32, #tpu.memory_space<hbm>> -> memref<1000000x64xf32, #tpu.memory_space<hbm>>
    tpu.enqueue_indirect_dma source(%dma_start3A_451 : memref<1000000x64xf32, #tpu.memory_space<hbm>>) target(%dma_start3A_448 : memref<16x64xf32, #tpu.memory_space<vmem>>) offsets(%get3A_443 : vector<16xi32>) semaphore(%arg7 : memref<!tpu.dma_semaphore, #tpu.memory_space<semaphore_mem>>)
    %get3A_452 = arith.constant 656 : index
    %get3A_453 = tpu.vector_load %arg5[%get3A_452] {strides = array<i32>} : memref<6400xi32, #tpu.memory_space<vmem>>, vector<16xi32>,
    %get3A_454 = vector.shape_cast %get3A_453 : vector<16xi32> to vector<16xi32>
    %dma_start3A_455 = arith.constant 5 : i32
    %dma_start3A_456 = arith.constant 16 : i32
    %dma_start3A_457 = arith.constant 0 : i32
    %dma_start3A_458 = tpu.memref_slice %arg6[%dma_start3A_455, %dma_start3A_456, %dma_start3A_457] : memref<12x128x64xf32, #tpu.memory_space<vmem>> -> memref<1x16x64xf32, #tpu.memory_space<vmem>>
    %dma_start3A_459 = tpu.memref_squeeze %dma_start3A_458 : memref<1x16x64xf32, #tpu.memory_space<vmem>> -> memref<16x64xf32, #tpu.memory_space<vmem>>
    %dma_start3A_460 = arith.constant 0 : i32
    %dma_start3A_461 = arith.constant 0 : i32
    %dma_start3A_462 = tpu.memref_slice %arg3[%dma_start3A_460, %dma_start3A_461] : memref<1000000x64xf32, #tpu.memory_space<hbm>> -> memref<1000000x64xf32, #tpu.memory_space<hbm>>
    tpu.enqueue_indirect_dma source(%dma_start3A_462 : memref<1000000x64xf32, #tpu.memory_space<hbm>>) target(%dma_start3A_459 : memref<16x64xf32, #tpu.memory_space<vmem>>) offsets(%get3A_454 : vector<16xi32>) semaphore(%arg7 : memref<!tpu.dma_semaphore, #tpu.memory_space<semaphore_mem>>)
    %get3A_463 = arith.constant 672 : index
    %get3A_464 = tpu.vector_load %arg5[%get3A_463] {strides = array<i32>} : memref<6400xi32, #tpu.memory_space<vmem>>, vector<16xi32>,
    %get3A_465 = vector.shape_cast %get3A_464 : vector<16xi32> to vector<16xi32>
    %dma_start3A_466 = arith.constant 5 : i32
    %dma_start3A_467 = arith.constant 32 : i32
    %dma_start3A_468 = arith.constant 0 : i32
    %dma_start3A_469 = tpu.memref_slice %arg6[%dma_start3A_466, %dma_start3A_467, %dma_start3A_468] : memref<12x128x64xf32, #tpu.memory_space<vmem>> -> memref<1x16x64xf32, #tpu.memory_space<vmem>>
    %dma_start3A_470 = tpu.memref_squeeze %dma_start3A_469 : memref<1x16x64xf32, #tpu.memory_space<vmem>> -> memref<16x64xf32, #tpu.memory_space<vmem>>
    %dma_start3A_471 = arith.constant 0 : i32
    %dma_start3A_472 = arith.constant 0 : i32
    %dma_start3A_473 = tpu.memref_slice %arg3[%dma_start3A_471, %dma_start3A_472] : memref<1000000x64xf32, #tpu.memory_space<hbm>> -> memref<1000000x64xf32, #tpu.memory_space<hbm>>
    tpu.enqueue_indirect_dma source(%dma_start3A_473 : memref<1000000x64xf32, #tpu.memory_space<hbm>>) target(%dma_start3A_470 : memref<16x64xf32, #tpu.memory_space<vmem>>) offsets(%get3A_465 : vector<16xi32>) semaphore(%arg7 : memref<!tpu.dma_semaphore, #tpu.memory_space<semaphore_mem>>)
    %get3A_474 = arith.constant 688 : index
    %get3A_475 = tpu.vector_load %arg5[%get3A_474] {strides = array<i32>} : memref<6400xi32, #tpu.memory_space<vmem>>, vector<16xi32>,
    %get3A_476 = vector.shape_cast %get3A_475 : vector<16xi32> to vector<16xi32>
    %dma_start3A_477 = arith.constant 5 : i32
    %dma_start3A_478 = arith.constant 48 : i32
    %dma_start3A_479 = arith.constant 0 : i32
    %dma_start3A_480 = tpu.memref_slice %arg6[%dma_start3A_477, %dma_start3A_478, %dma_start3A_479] : memref<12x128x64xf32, #tpu.memory_space<vmem>> -> memref<1x16x64xf32, #tpu.memory_space<vmem>>
    %dma_start3A_481 = tpu.memref_squeeze %dma_start3A_480 : memref<1x16x64xf32, #tpu.memory_space<vmem>> -> memref<16x64xf32, #tpu.memory_space<vmem>>
    %dma_start3A_482 = arith.constant 0 : i32
    %dma_start3A_483 = arith.constant 0 : i32
    %dma_start3A_484 = tpu.memref_slice %arg3[%dma_start3A_482, %dma_start3A_483] : memref<1000000x64xf32, #tpu.memory_space<hbm>> -> memref<1000000x64xf32, #tpu.memory_space<hbm>>
    tpu.enqueue_indirect_dma source(%dma_start3A_484 : memref<1000000x64xf32, #tpu.memory_space<hbm>>) target(%dma_start3A_481 : memref<16x64xf32, #tpu.memory_space<vmem>>) offsets(%get3A_476 : vector<16xi32>) semaphore(%arg7 : memref<!tpu.dma_semaphore, #tpu.memory_space<semaphore_mem>>)
    %get3A_485 = arith.constant 704 : index
    %get3A_486 = tpu.vector_load %arg5[%get3A_485] {strides = array<i32>} : memref<6400xi32, #tpu.memory_space<vmem>>, vector<16xi32>,
    %get3A_487 = vector.shape_cast %get3A_486 : vector<16xi32> to vector<16xi32>
    %dma_start3A_488 = arith.constant 5 : i32
    %dma_start3A_489 = arith.constant 64 : i32
    %dma_start3A_490 = arith.constant 0 : i32
    %dma_start3A_491 = tpu.memref_slice %arg6[%dma_start3A_488, %dma_start3A_489, %dma_start3A_490] : memref<12x128x64xf32, #tpu.memory_space<vmem>> -> memref<1x16x64xf32, #tpu.memory_space<vmem>>
    %dma_start3A_492 = tpu.memref_squeeze %dma_start3A_491 : memref<1x16x64xf32, #tpu.memory_space<vmem>> -> memref<16x64xf32, #tpu.memory_space<vmem>>
    %dma_start3A_493 = arith.constant 0 : i32
    %dma_start3A_494 = arith.constant 0 : i32
    %dma_start3A_495 = tpu.memref_slice %arg3[%dma_start3A_493, %dma_start3A_494] : memref<1000000x64xf32, #tpu.memory_space<hbm>> -> memref<1000000x64xf32, #tpu.memory_space<hbm>>
    tpu.enqueue_indirect_dma source(%dma_start3A_495 : memref<1000000x64xf32, #tpu.memory_space<hbm>>) target(%dma_start3A_492 : memref<16x64xf32, #tpu.memory_space<vmem>>) offsets(%get3A_487 : vector<16xi32>) semaphore(%arg7 : memref<!tpu.dma_semaphore, #tpu.memory_space<semaphore_mem>>)
    %get3A_496 = arith.constant 720 : index
    %get3A_497 = tpu.vector_load %arg5[%get3A_496] {strides = array<i32>} : memref<6400xi32, #tpu.memory_space<vmem>>, vector<16xi32>,
    %get3A_498 = vector.shape_cast %get3A_497 : vector<16xi32> to vector<16xi32>
    %dma_start3A_499 = arith.constant 5 : i32
    %dma_start3A_500 = arith.constant 80 : i32
    %dma_start3A_501 = arith.constant 0 : i32
    %dma_start3A_502 = tpu.memref_slice %arg6[%dma_start3A_499, %dma_start3A_500, %dma_start3A_501] : memref<12x128x64xf32, #tpu.memory_space<vmem>> -> memref<1x16x64xf32, #tpu.memory_space<vmem>>
    %dma_start3A_503 = tpu.memref_squeeze %dma_start3A_502 : memref<1x16x64xf32, #tpu.memory_space<vmem>> -> memref<16x64xf32, #tpu.memory_space<vmem>>
    %dma_start3A_504 = arith.constant 0 : i32
    %dma_start3A_505 = arith.constant 0 : i32
    %dma_start3A_506 = tpu.memref_slice %arg3[%dma_start3A_504, %dma_start3A_505] : memref<1000000x64xf32, #tpu.memory_space<hbm>> -> memref<1000000x64xf32, #tpu.memory_space<hbm>>
    tpu.enqueue_indirect_dma source(%dma_start3A_506 : memref<1000000x64xf32, #tpu.memory_space<hbm>>) target(%dma_start3A_503 : memref<16x64xf32, #tpu.memory_space<vmem>>) offsets(%get3A_498 : vector<16xi32>) semaphore(%arg7 : memref<!tpu.dma_semaphore, #tpu.memory_space<semaphore_mem>>)
    %get3A_507 = arith.constant 736 : index
    %get3A_508 = tpu.vector_load %arg5[%get3A_507] {strides = array<i32>} : memref<6400xi32, #tpu.memory_space<vmem>>, vector<16xi32>,
    %get3A_509 = vector.shape_cast %get3A_508 : vector<16xi32> to vector<16xi32>
    %dma_start3A_510 = arith.constant 5 : i32
    %dma_start3A_511 = arith.constant 96 : i32
    %dma_start3A_512 = arith.constant 0 : i32
    %dma_start3A_513 = tpu.memref_slice %arg6[%dma_start3A_510, %dma_start3A_511, %dma_start3A_512] : memref<12x128x64xf32, #tpu.memory_space<vmem>> -> memref<1x16x64xf32, #tpu.memory_space<vmem>>
    %dma_start3A_514 = tpu.memref_squeeze %dma_start3A_513 : memref<1x16x64xf32, #tpu.memory_space<vmem>> -> memref<16x64xf32, #tpu.memory_space<vmem>>
    %dma_start3A_515 = arith.constant 0 : i32
    %dma_start3A_516 = arith.constant 0 : i32
    %dma_start3A_517 = tpu.memref_slice %arg3[%dma_start3A_515, %dma_start3A_516] : memref<1000000x64xf32, #tpu.memory_space<hbm>> -> memref<1000000x64xf32, #tpu.memory_space<hbm>>
    tpu.enqueue_indirect_dma source(%dma_start3A_517 : memref<1000000x64xf32, #tpu.memory_space<hbm>>) target(%dma_start3A_514 : memref<16x64xf32, #tpu.memory_space<vmem>>) offsets(%get3A_509 : vector<16xi32>) semaphore(%arg7 : memref<!tpu.dma_semaphore, #tpu.memory_space<semaphore_mem>>)
    %get3A_518 = arith.constant 752 : index
    %get3A_519 = tpu.vector_load %arg5[%get3A_518] {strides = array<i32>} : memref<6400xi32, #tpu.memory_space<vmem>>, vector<16xi32>,
    %get3A_520 = vector.shape_cast %get3A_519 : vector<16xi32> to vector<16xi32>
    %dma_start3A_521 = arith.constant 5 : i32
    %dma_start3A_522 = arith.constant 112 : i32
    %dma_start3A_523 = arith.constant 0 : i32
    %dma_start3A_524 = tpu.memref_slice %arg6[%dma_start3A_521, %dma_start3A_522, %dma_start3A_523] : memref<12x128x64xf32, #tpu.memory_space<vmem>> -> memref<1x16x64xf32, #tpu.memory_space<vmem>>
    %dma_start3A_525 = tpu.memref_squeeze %dma_start3A_524 : memref<1x16x64xf32, #tpu.memory_space<vmem>> -> memref<16x64xf32, #tpu.memory_space<vmem>>
    %dma_start3A_526 = arith.constant 0 : i32
    %dma_start3A_527 = arith.constant 0 : i32
    %dma_start3A_528 = tpu.memref_slice %arg3[%dma_start3A_526, %dma_start3A_527] : memref<1000000x64xf32, #tpu.memory_space<hbm>> -> memref<1000000x64xf32, #tpu.memory_space<hbm>>
    tpu.enqueue_indirect_dma source(%dma_start3A_528 : memref<1000000x64xf32, #tpu.memory_space<hbm>>) target(%dma_start3A_525 : memref<16x64xf32, #tpu.memory_space<vmem>>) offsets(%get3A_520 : vector<16xi32>) semaphore(%arg7 : memref<!tpu.dma_semaphore, #tpu.memory_space<semaphore_mem>>)
    %get3A_529 = arith.constant 768 : index
    %get3A_530 = tpu.vector_load %arg5[%get3A_529] {strides = array<i32>} : memref<6400xi32, #tpu.memory_space<vmem>>, vector<16xi32>,
    %get3A_531 = vector.shape_cast %get3A_530 : vector<16xi32> to vector<16xi32>
    %dma_start3A_532 = arith.constant 6 : i32
    %dma_start3A_533 = arith.constant 0 : i32
    %dma_start3A_534 = arith.constant 0 : i32
    %dma_start3A_535 = tpu.memref_slice %arg6[%dma_start3A_532, %dma_start3A_533, %dma_start3A_534] : memref<12x128x64xf32, #tpu.memory_space<vmem>> -> memref<1x16x64xf32, #tpu.memory_space<vmem>>
    %dma_start3A_536 = tpu.memref_squeeze %dma_start3A_535 : memref<1x16x64xf32, #tpu.memory_space<vmem>> -> memref<16x64xf32, #tpu.memory_space<vmem>>
    %dma_start3A_537 = arith.constant 0 : i32
    %dma_start3A_538 = arith.constant 0 : i32
    %dma_start3A_539 = tpu.memref_slice %arg3[%dma_start3A_537, %dma_start3A_538] : memref<1000000x64xf32, #tpu.memory_space<hbm>> -> memref<1000000x64xf32, #tpu.memory_space<hbm>>
    tpu.enqueue_indirect_dma source(%dma_start3A_539 : memref<1000000x64xf32, #tpu.memory_space<hbm>>) target(%dma_start3A_536 : memref<16x64xf32, #tpu.memory_space<vmem>>) offsets(%get3A_531 : vector<16xi32>) semaphore(%arg7 : memref<!tpu.dma_semaphore, #tpu.memory_space<semaphore_mem>>)
    %get3A_540 = arith.constant 784 : index
    %get3A_541 = tpu.vector_load %arg5[%get3A_540] {strides = array<i32>} : memref<6400xi32, #tpu.memory_space<vmem>>, vector<16xi32>,
    %get3A_542 = vector.shape_cast %get3A_541 : vector<16xi32> to vector<16xi32>
    %dma_start3A_543 = arith.constant 6 : i32
    %dma_start3A_544 = arith.constant 16 : i32
    %dma_start3A_545 = arith.constant 0 : i32
    %dma_start3A_546 = tpu.memref_slice %arg6[%dma_start3A_543, %dma_start3A_544, %dma_start3A_545] : memref<12x128x64xf32, #tpu.memory_space<vmem>> -> memref<1x16x64xf32, #tpu.memory_space<vmem>>
    %dma_start3A_547 = tpu.memref_squeeze %dma_start3A_546 : memref<1x16x64xf32, #tpu.memory_space<vmem>> -> memref<16x64xf32, #tpu.memory_space<vmem>>
    %dma_start3A_548 = arith.constant 0 : i32
    %dma_start3A_549 = arith.constant 0 : i32
    %dma_start3A_550 = tpu.memref_slice %arg3[%dma_start3A_548, %dma_start3A_549] : memref<1000000x64xf32, #tpu.memory_space<hbm>> -> memref<1000000x64xf32, #tpu.memory_space<hbm>>
    tpu.enqueue_indirect_dma source(%dma_start3A_550 : memref<1000000x64xf32, #tpu.memory_space<hbm>>) target(%dma_start3A_547 : memref<16x64xf32, #tpu.memory_space<vmem>>) offsets(%get3A_542 : vector<16xi32>) semaphore(%arg7 : memref<!tpu.dma_semaphore, #tpu.memory_space<semaphore_mem>>)
    %get3A_551 = arith.constant 800 : index
    %get3A_552 = tpu.vector_load %arg5[%get3A_551] {strides = array<i32>} : memref<6400xi32, #tpu.memory_space<vmem>>, vector<16xi32>,
    %get3A_553 = vector.shape_cast %get3A_552 : vector<16xi32> to vector<16xi32>
    %dma_start3A_554 = arith.constant 6 : i32
    %dma_start3A_555 = arith.constant 32 : i32
    %dma_start3A_556 = arith.constant 0 : i32
    %dma_start3A_557 = tpu.memref_slice %arg6[%dma_start3A_554, %dma_start3A_555, %dma_start3A_556] : memref<12x128x64xf32, #tpu.memory_space<vmem>> -> memref<1x16x64xf32, #tpu.memory_space<vmem>>
    %dma_start3A_558 = tpu.memref_squeeze %dma_start3A_557 : memref<1x16x64xf32, #tpu.memory_space<vmem>> -> memref<16x64xf32, #tpu.memory_space<vmem>>
    %dma_start3A_559 = arith.constant 0 : i32
    %dma_start3A_560 = arith.constant 0 : i32
    %dma_start3A_561 = tpu.memref_slice %arg3[%dma_start3A_559, %dma_start3A_560] : memref<1000000x64xf32, #tpu.memory_space<hbm>> -> memref<1000000x64xf32, #tpu.memory_space<hbm>>
    tpu.enqueue_indirect_dma source(%dma_start3A_561 : memref<1000000x64xf32, #tpu.memory_space<hbm>>) target(%dma_start3A_558 : memref<16x64xf32, #tpu.memory_space<vmem>>) offsets(%get3A_553 : vector<16xi32>) semaphore(%arg7 : memref<!tpu.dma_semaphore, #tpu.memory_space<semaphore_mem>>)
    %get3A_562 = arith.constant 816 : index
    %get3A_563 = tpu.vector_load %arg5[%get3A_562] {strides = array<i32>} : memref<6400xi32, #tpu.memory_space<vmem>>, vector<16xi32>,
    %get3A_564 = vector.shape_cast %get3A_563 : vector<16xi32> to vector<16xi32>
    %dma_start3A_565 = arith.constant 6 : i32
    %dma_start3A_566 = arith.constant 48 : i32
    %dma_start3A_567 = arith.constant 0 : i32
    %dma_start3A_568 = tpu.memref_slice %arg6[%dma_start3A_565, %dma_start3A_566, %dma_start3A_567] : memref<12x128x64xf32, #tpu.memory_space<vmem>> -> memref<1x16x64xf32, #tpu.memory_space<vmem>>
    %dma_start3A_569 = tpu.memref_squeeze %dma_start3A_568 : memref<1x16x64xf32, #tpu.memory_space<vmem>> -> memref<16x64xf32, #tpu.memory_space<vmem>>
    %dma_start3A_570 = arith.constant 0 : i32
    %dma_start3A_571 = arith.constant 0 : i32
    %dma_start3A_572 = tpu.memref_slice %arg3[%dma_start3A_570, %dma_start3A_571] : memref<1000000x64xf32, #tpu.memory_space<hbm>> -> memref<1000000x64xf32, #tpu.memory_space<hbm>>
    tpu.enqueue_indirect_dma source(%dma_start3A_572 : memref<1000000x64xf32, #tpu.memory_space<hbm>>) target(%dma_start3A_569 : memref<16x64xf32, #tpu.memory_space<vmem>>) offsets(%get3A_564 : vector<16xi32>) semaphore(%arg7 : memref<!tpu.dma_semaphore, #tpu.memory_space<semaphore_mem>>)
    %get3A_573 = arith.constant 832 : index
    %get3A_574 = tpu.vector_load %arg5[%get3A_573] {strides = array<i32>} : memref<6400xi32, #tpu.memory_space<vmem>>, vector<16xi32>,
    %get3A_575 = vector.shape_cast %get3A_574 : vector<16xi32> to vector<16xi32>
    %dma_start3A_576 = arith.constant 6 : i32
    %dma_start3A_577 = arith.constant 64 : i32
    %dma_start3A_578 = arith.constant 0 : i32
    %dma_start3A_579 = tpu.memref_slice %arg6[%dma_start3A_576, %dma_start3A_577, %dma_start3A_578] : memref<12x128x64xf32, #tpu.memory_space<vmem>> -> memref<1x16x64xf32, #tpu.memory_space<vmem>>
    %dma_start3A_580 = tpu.memref_squeeze %dma_start3A_579 : memref<1x16x64xf32, #tpu.memory_space<vmem>> -> memref<16x64xf32, #tpu.memory_space<vmem>>
    %dma_start3A_581 = arith.constant 0 : i32
    %dma_start3A_582 = arith.constant 0 : i32
    %dma_start3A_583 = tpu.memref_slice %arg3[%dma_start3A_581, %dma_start3A_582] : memref<1000000x64xf32, #tpu.memory_space<hbm>> -> memref<1000000x64xf32, #tpu.memory_space<hbm>>
    tpu.enqueue_indirect_dma source(%dma_start3A_583 : memref<1000000x64xf32, #tpu.memory_space<hbm>>) target(%dma_start3A_580 : memref<16x64xf32, #tpu.memory_space<vmem>>) offsets(%get3A_575 : vector<16xi32>) semaphore(%arg7 : memref<!tpu.dma_semaphore, #tpu.memory_space<semaphore_mem>>)
    %get3A_584 = arith.constant 848 : index
    %get3A_585 = tpu.vector_load %arg5[%get3A_584] {strides = array<i32>} : memref<6400xi32, #tpu.memory_space<vmem>>, vector<16xi32>,
    %get3A_586 = vector.shape_cast %get3A_585 : vector<16xi32> to vector<16xi32>
    %dma_start3A_587 = arith.constant 6 : i32
    %dma_start3A_588 = arith.constant 80 : i32
    %dma_start3A_589 = arith.constant 0 : i32
    %dma_start3A_590 = tpu.memref_slice %arg6[%dma_start3A_587, %dma_start3A_588, %dma_start3A_589] : memref<12x128x64xf32, #tpu.memory_space<vmem>> -> memref<1x16x64xf32, #tpu.memory_space<vmem>>
    %dma_start3A_591 = tpu.memref_squeeze %dma_start3A_590 : memref<1x16x64xf32, #tpu.memory_space<vmem>> -> memref<16x64xf32, #tpu.memory_space<vmem>>
    %dma_start3A_592 = arith.constant 0 : i32
    %dma_start3A_593 = arith.constant 0 : i32
    %dma_start3A_594 = tpu.memref_slice %arg3[%dma_start3A_592, %dma_start3A_593] : memref<1000000x64xf32, #tpu.memory_space<hbm>> -> memref<1000000x64xf32, #tpu.memory_space<hbm>>
    tpu.enqueue_indirect_dma source(%dma_start3A_594 : memref<1000000x64xf32, #tpu.memory_space<hbm>>) target(%dma_start3A_591 : memref<16x64xf32, #tpu.memory_space<vmem>>) offsets(%get3A_586 : vector<16xi32>) semaphore(%arg7 : memref<!tpu.dma_semaphore, #tpu.memory_space<semaphore_mem>>)
    %get3A_595 = arith.constant 864 : index
    %get3A_596 = tpu.vector_load %arg5[%get3A_595] {strides = array<i32>} : memref<6400xi32, #tpu.memory_space<vmem>>, vector<16xi32>,
    %get3A_597 = vector.shape_cast %get3A_596 : vector<16xi32> to vector<16xi32>
    %dma_start3A_598 = arith.constant 6 : i32
    %dma_start3A_599 = arith.constant 96 : i32
    %dma_start3A_600 = arith.constant 0 : i32
    %dma_start3A_601 = tpu.memref_slice %arg6[%dma_start3A_598, %dma_start3A_599, %dma_start3A_600] : memref<12x128x64xf32, #tpu.memory_space<vmem>> -> memref<1x16x64xf32, #tpu.memory_space<vmem>>
    %dma_start3A_602 = tpu.memref_squeeze %dma_start3A_601 : memref<1x16x64xf32, #tpu.memory_space<vmem>> -> memref<16x64xf32, #tpu.memory_space<vmem>>
    %dma_start3A_603 = arith.constant 0 : i32
    %dma_start3A_604 = arith.constant 0 : i32
    %dma_start3A_605 = tpu.memref_slice %arg3[%dma_start3A_603, %dma_start3A_604] : memref<1000000x64xf32, #tpu.memory_space<hbm>> -> memref<1000000x64xf32, #tpu.memory_space<hbm>>
    tpu.enqueue_indirect_dma source(%dma_start3A_605 : memref<1000000x64xf32, #tpu.memory_space<hbm>>) target(%dma_start3A_602 : memref<16x64xf32, #tpu.memory_space<vmem>>) offsets(%get3A_597 : vector<16xi32>) semaphore(%arg7 : memref<!tpu.dma_semaphore, #tpu.memory_space<semaphore_mem>>)
    %get3A_606 = arith.constant 880 : index
    %get3A_607 = tpu.vector_load %arg5[%get3A_606] {strides = array<i32>} : memref<6400xi32, #tpu.memory_space<vmem>>, vector<16xi32>,
    %get3A_608 = vector.shape_cast %get3A_607 : vector<16xi32> to vector<16xi32>
    %dma_start3A_609 = arith.constant 6 : i32
    %dma_start3A_610 = arith.constant 112 : i32
    %dma_start3A_611 = arith.constant 0 : i32
    %dma_start3A_612 = tpu.memref_slice %arg6[%dma_start3A_609, %dma_start3A_610, %dma_start3A_611] : memref<12x128x64xf32, #tpu.memory_space<vmem>> -> memref<1x16x64xf32, #tpu.memory_space<vmem>>
    %dma_start3A_613 = tpu.memref_squeeze %dma_start3A_612 : memref<1x16x64xf32, #tpu.memory_space<vmem>> -> memref<16x64xf32, #tpu.memory_space<vmem>>
    %dma_start3A_614 = arith.constant 0 : i32
    %dma_start3A_615 = arith.constant 0 : i32
    %dma_start3A_616 = tpu.memref_slice %arg3[%dma_start3A_614, %dma_start3A_615] : memref<1000000x64xf32, #tpu.memory_space<hbm>> -> memref<1000000x64xf32, #tpu.memory_space<hbm>>
    tpu.enqueue_indirect_dma source(%dma_start3A_616 : memref<1000000x64xf32, #tpu.memory_space<hbm>>) target(%dma_start3A_613 : memref<16x64xf32, #tpu.memory_space<vmem>>) offsets(%get3A_608 : vector<16xi32>) semaphore(%arg7 : memref<!tpu.dma_semaphore, #tpu.memory_space<semaphore_mem>>)
    %get3A_617 = arith.constant 896 : index
    %get3A_618 = tpu.vector_load %arg5[%get3A_617] {strides = array<i32>} : memref<6400xi32, #tpu.memory_space<vmem>>, vector<16xi32>,
    %get3A_619 = vector.shape_cast %get3A_618 : vector<16xi32> to vector<16xi32>
    %dma_start3A_620 = arith.constant 7 : i32
    %dma_start3A_621 = arith.constant 0 : i32
    %dma_start3A_622 = arith.constant 0 : i32
    %dma_start3A_623 = tpu.memref_slice %arg6[%dma_start3A_620, %dma_start3A_621, %dma_start3A_622] : memref<12x128x64xf32, #tpu.memory_space<vmem>> -> memref<1x16x64xf32, #tpu.memory_space<vmem>>
    %dma_start3A_624 = tpu.memref_squeeze %dma_start3A_623 : memref<1x16x64xf32, #tpu.memory_space<vmem>> -> memref<16x64xf32, #tpu.memory_space<vmem>>
    %dma_start3A_625 = arith.constant 0 : i32
    %dma_start3A_626 = arith.constant 0 : i32
    %dma_start3A_627 = tpu.memref_slice %arg3[%dma_start3A_625, %dma_start3A_626] : memref<1000000x64xf32, #tpu.memory_space<hbm>> -> memref<1000000x64xf32, #tpu.memory_space<hbm>>
    tpu.enqueue_indirect_dma source(%dma_start3A_627 : memref<1000000x64xf32, #tpu.memory_space<hbm>>) target(%dma_start3A_624 : memref<16x64xf32, #tpu.memory_space<vmem>>) offsets(%get3A_619 : vector<16xi32>) semaphore(%arg7 : memref<!tpu.dma_semaphore, #tpu.memory_space<semaphore_mem>>)
    %get3A_628 = arith.constant 912 : index
    %get3A_629 = tpu.vector_load %arg5[%get3A_628] {strides = array<i32>} : memref<6400xi32, #tpu.memory_space<vmem>>, vector<16xi32>,
    %get3A_630 = vector.shape_cast %get3A_629 : vector<16xi32> to vector<16xi32>
    %dma_start3A_631 = arith.constant 7 : i32
    %dma_start3A_632 = arith.constant 16 : i32
    %dma_start3A_633 = arith.constant 0 : i32
    %dma_start3A_634 = tpu.memref_slice %arg6[%dma_start3A_631, %dma_start3A_632, %dma_start3A_633] : memref<12x128x64xf32, #tpu.memory_space<vmem>> -> memref<1x16x64xf32, #tpu.memory_space<vmem>>
    %dma_start3A_635 = tpu.memref_squeeze %dma_start3A_634 : memref<1x16x64xf32, #tpu.memory_space<vmem>> -> memref<16x64xf32, #tpu.memory_space<vmem>>
    %dma_start3A_636 = arith.constant 0 : i32
    %dma_start3A_637 = arith.constant 0 : i32
    %dma_start3A_638 = tpu.memref_slice %arg3[%dma_start3A_636, %dma_start3A_637] : memref<1000000x64xf32, #tpu.memory_space<hbm>> -> memref<1000000x64xf32, #tpu.memory_space<hbm>>
    tpu.enqueue_indirect_dma source(%dma_start3A_638 : memref<1000000x64xf32, #tpu.memory_space<hbm>>) target(%dma_start3A_635 : memref<16x64xf32, #tpu.memory_space<vmem>>) offsets(%get3A_630 : vector<16xi32>) semaphore(%arg7 : memref<!tpu.dma_semaphore, #tpu.memory_space<semaphore_mem>>)
    %get3A_639 = arith.constant 928 : index
    %get3A_640 = tpu.vector_load %arg5[%get3A_639] {strides = array<i32>} : memref<6400xi32, #tpu.memory_space<vmem>>, vector<16xi32>,
    %get3A_641 = vector.shape_cast %get3A_640 : vector<16xi32> to vector<16xi32>
    %dma_start3A_642 = arith.constant 7 : i32
    %dma_start3A_643 = arith.constant 32 : i32
    %dma_start3A_644 = arith.constant 0 : i32
    %dma_start3A_645 = tpu.memref_slice %arg6[%dma_start3A_642, %dma_start3A_643, %dma_start3A_644] : memref<12x128x64xf32, #tpu.memory_space<vmem>> -> memref<1x16x64xf32, #tpu.memory_space<vmem>>
    %dma_start3A_646 = tpu.memref_squeeze %dma_start3A_645 : memref<1x16x64xf32, #tpu.memory_space<vmem>> -> memref<16x64xf32, #tpu.memory_space<vmem>>
    %dma_start3A_647 = arith.constant 0 : i32
    %dma_start3A_648 = arith.constant 0 : i32
    %dma_start3A_649 = tpu.memref_slice %arg3[%dma_start3A_647, %dma_start3A_648] : memref<1000000x64xf32, #tpu.memory_space<hbm>> -> memref<1000000x64xf32, #tpu.memory_space<hbm>>
    tpu.enqueue_indirect_dma source(%dma_start3A_649 : memref<1000000x64xf32, #tpu.memory_space<hbm>>) target(%dma_start3A_646 : memref<16x64xf32, #tpu.memory_space<vmem>>) offsets(%get3A_641 : vector<16xi32>) semaphore(%arg7 : memref<!tpu.dma_semaphore, #tpu.memory_space<semaphore_mem>>)
    %get3A_650 = arith.constant 944 : index
    %get3A_651 = tpu.vector_load %arg5[%get3A_650] {strides = array<i32>} : memref<6400xi32, #tpu.memory_space<vmem>>, vector<16xi32>,
    %get3A_652 = vector.shape_cast %get3A_651 : vector<16xi32> to vector<16xi32>
    %dma_start3A_653 = arith.constant 7 : i32
    %dma_start3A_654 = arith.constant 48 : i32
    %dma_start3A_655 = arith.constant 0 : i32
    %dma_start3A_656 = tpu.memref_slice %arg6[%dma_start3A_653, %dma_start3A_654, %dma_start3A_655] : memref<12x128x64xf32, #tpu.memory_space<vmem>> -> memref<1x16x64xf32, #tpu.memory_space<vmem>>
    %dma_start3A_657 = tpu.memref_squeeze %dma_start3A_656 : memref<1x16x64xf32, #tpu.memory_space<vmem>> -> memref<16x64xf32, #tpu.memory_space<vmem>>
    %dma_start3A_658 = arith.constant 0 : i32
    %dma_start3A_659 = arith.constant 0 : i32
    %dma_start3A_660 = tpu.memref_slice %arg3[%dma_start3A_658, %dma_start3A_659] : memref<1000000x64xf32, #tpu.memory_space<hbm>> -> memref<1000000x64xf32, #tpu.memory_space<hbm>>
    tpu.enqueue_indirect_dma source(%dma_start3A_660 : memref<1000000x64xf32, #tpu.memory_space<hbm>>) target(%dma_start3A_657 : memref<16x64xf32, #tpu.memory_space<vmem>>) offsets(%get3A_652 : vector<16xi32>) semaphore(%arg7 : memref<!tpu.dma_semaphore, #tpu.memory_space<semaphore_mem>>)
    %get3A_661 = arith.constant 960 : index
    %get3A_662 = tpu.vector_load %arg5[%get3A_661] {strides = array<i32>} : memref<6400xi32, #tpu.memory_space<vmem>>, vector<16xi32>,
    %get3A_663 = vector.shape_cast %get3A_662 : vector<16xi32> to vector<16xi32>
    %dma_start3A_664 = arith.constant 7 : i32
    %dma_start3A_665 = arith.constant 64 : i32
    %dma_start3A_666 = arith.constant 0 : i32
    %dma_start3A_667 = tpu.memref_slice %arg6[%dma_start3A_664, %dma_start3A_665, %dma_start3A_666] : memref<12x128x64xf32, #tpu.memory_space<vmem>> -> memref<1x16x64xf32, #tpu.memory_space<vmem>>
    %dma_start3A_668 = tpu.memref_squeeze %dma_start3A_667 : memref<1x16x64xf32, #tpu.memory_space<vmem>> -> memref<16x64xf32, #tpu.memory_space<vmem>>
    %dma_start3A_669 = arith.constant 0 : i32
    %dma_start3A_670 = arith.constant 0 : i32
    %dma_start3A_671 = tpu.memref_slice %arg3[%dma_start3A_669, %dma_start3A_670] : memref<1000000x64xf32, #tpu.memory_space<hbm>> -> memref<1000000x64xf32, #tpu.memory_space<hbm>>
    tpu.enqueue_indirect_dma source(%dma_start3A_671 : memref<1000000x64xf32, #tpu.memory_space<hbm>>) target(%dma_start3A_668 : memref<16x64xf32, #tpu.memory_space<vmem>>) offsets(%get3A_663 : vector<16xi32>) semaphore(%arg7 : memref<!tpu.dma_semaphore, #tpu.memory_space<semaphore_mem>>)
    %get3A_672 = arith.constant 976 : index
    %get3A_673 = tpu.vector_load %arg5[%get3A_672] {strides = array<i32>} : memref<6400xi32, #tpu.memory_space<vmem>>, vector<16xi32>,
    %get3A_674 = vector.shape_cast %get3A_673 : vector<16xi32> to vector<16xi32>
    %dma_start3A_675 = arith.constant 7 : i32
    %dma_start3A_676 = arith.constant 80 : i32
    %dma_start3A_677 = arith.constant 0 : i32
    %dma_start3A_678 = tpu.memref_slice %arg6[%dma_start3A_675, %dma_start3A_676, %dma_start3A_677] : memref<12x128x64xf32, #tpu.memory_space<vmem>> -> memref<1x16x64xf32, #tpu.memory_space<vmem>>
    %dma_start3A_679 = tpu.memref_squeeze %dma_start3A_678 : memref<1x16x64xf32, #tpu.memory_space<vmem>> -> memref<16x64xf32, #tpu.memory_space<vmem>>
    %dma_start3A_680 = arith.constant 0 : i32
    %dma_start3A_681 = arith.constant 0 : i32
    %dma_start3A_682 = tpu.memref_slice %arg3[%dma_start3A_680, %dma_start3A_681] : memref<1000000x64xf32, #tpu.memory_space<hbm>> -> memref<1000000x64xf32, #tpu.memory_space<hbm>>
    tpu.enqueue_indirect_dma source(%dma_start3A_682 : memref<1000000x64xf32, #tpu.memory_space<hbm>>) target(%dma_start3A_679 : memref<16x64xf32, #tpu.memory_space<vmem>>) offsets(%get3A_674 : vector<16xi32>) semaphore(%arg7 : memref<!tpu.dma_semaphore, #tpu.memory_space<semaphore_mem>>)
    %get3A_683 = arith.constant 992 : index
    %get3A_684 = tpu.vector_load %arg5[%get3A_683] {strides = array<i32>} : memref<6400xi32, #tpu.memory_space<vmem>>, vector<16xi32>,
    %get3A_685 = vector.shape_cast %get3A_684 : vector<16xi32> to vector<16xi32>
    %dma_start3A_686 = arith.constant 7 : i32
    %dma_start3A_687 = arith.constant 96 : i32
    %dma_start3A_688 = arith.constant 0 : i32
    %dma_start3A_689 = tpu.memref_slice %arg6[%dma_start3A_686, %dma_start3A_687, %dma_start3A_688] : memref<12x128x64xf32, #tpu.memory_space<vmem>> -> memref<1x16x64xf32, #tpu.memory_space<vmem>>
    %dma_start3A_690 = tpu.memref_squeeze %dma_start3A_689 : memref<1x16x64xf32, #tpu.memory_space<vmem>> -> memref<16x64xf32, #tpu.memory_space<vmem>>
    %dma_start3A_691 = arith.constant 0 : i32
    %dma_start3A_692 = arith.constant 0 : i32
    %dma_start3A_693 = tpu.memref_slice %arg3[%dma_start3A_691, %dma_start3A_692] : memref<1000000x64xf32, #tpu.memory_space<hbm>> -> memref<1000000x64xf32, #tpu.memory_space<hbm>>
    tpu.enqueue_indirect_dma source(%dma_start3A_693 : memref<1000000x64xf32, #tpu.memory_space<hbm>>) target(%dma_start3A_690 : memref<16x64xf32, #tpu.memory_space<vmem>>) offsets(%get3A_685 : vector<16xi32>) semaphore(%arg7 : memref<!tpu.dma_semaphore, #tpu.memory_space<semaphore_mem>>)
    %get3A_694 = arith.constant 1008 : index
    %get3A_695 = tpu.vector_load %arg5[%get3A_694] {strides = array<i32>} : memref<6400xi32, #tpu.memory_space<vmem>>, vector<16xi32>,
    %get3A_696 = vector.shape_cast %get3A_695 : vector<16xi32> to vector<16xi32>
    %dma_start3A_697 = arith.constant 7 : i32
    %dma_start3A_698 = arith.constant 112 : i32
    %dma_start3A_699 = arith.constant 0 : i32
    %dma_start3A_700 = tpu.memref_slice %arg6[%dma_start3A_697, %dma_start3A_698, %dma_start3A_699] : memref<12x128x64xf32, #tpu.memory_space<vmem>> -> memref<1x16x64xf32, #tpu.memory_space<vmem>>
    %dma_start3A_701 = tpu.memref_squeeze %dma_start3A_700 : memref<1x16x64xf32, #tpu.memory_space<vmem>> -> memref<16x64xf32, #tpu.memory_space<vmem>>
    %dma_start3A_702 = arith.constant 0 : i32
    %dma_start3A_703 = arith.constant 0 : i32
    %dma_start3A_704 = tpu.memref_slice %arg3[%dma_start3A_702, %dma_start3A_703] : memref<1000000x64xf32, #tpu.memory_space<hbm>> -> memref<1000000x64xf32, #tpu.memory_space<hbm>>
    tpu.enqueue_indirect_dma source(%dma_start3A_704 : memref<1000000x64xf32, #tpu.memory_space<hbm>>) target(%dma_start3A_701 : memref<16x64xf32, #tpu.memory_space<vmem>>) offsets(%get3A_696 : vector<16xi32>) semaphore(%arg7 : memref<!tpu.dma_semaphore, #tpu.memory_space<semaphore_mem>>)
    %get3A_705 = arith.constant 1024 : index
    %get3A_706 = tpu.vector_load %arg5[%get3A_705] {strides = array<i32>} : memref<6400xi32, #tpu.memory_space<vmem>>, vector<16xi32>,
    %get3A_707 = vector.shape_cast %get3A_706 : vector<16xi32> to vector<16xi32>
    %dma_start3A_708 = arith.constant 8 : i32
    %dma_start3A_709 = arith.constant 0 : i32
    %dma_start3A_710 = arith.constant 0 : i32
    %dma_start3A_711 = tpu.memref_slice %arg6[%dma_start3A_708, %dma_start3A_709, %dma_start3A_710] : memref<12x128x64xf32, #tpu.memory_space<vmem>> -> memref<1x16x64xf32, #tpu.memory_space<vmem>>
    %dma_start3A_712 = tpu.memref_squeeze %dma_start3A_711 : memref<1x16x64xf32, #tpu.memory_space<vmem>> -> memref<16x64xf32, #tpu.memory_space<vmem>>
    %dma_start3A_713 = arith.constant 0 : i32
    %dma_start3A_714 = arith.constant 0 : i32
    %dma_start3A_715 = tpu.memref_slice %arg3[%dma_start3A_713, %dma_start3A_714] : memref<1000000x64xf32, #tpu.memory_space<hbm>> -> memref<1000000x64xf32, #tpu.memory_space<hbm>>
    tpu.enqueue_indirect_dma source(%dma_start3A_715 : memref<1000000x64xf32, #tpu.memory_space<hbm>>) target(%dma_start3A_712 : memref<16x64xf32, #tpu.memory_space<vmem>>) offsets(%get3A_707 : vector<16xi32>) semaphore(%arg7 : memref<!tpu.dma_semaphore, #tpu.memory_space<semaphore_mem>>)
    %get3A_716 = arith.constant 1040 : index
    %get3A_717 = tpu.vector_load %arg5[%get3A_716] {strides = array<i32>} : memref<6400xi32, #tpu.memory_space<vmem>>, vector<16xi32>,
    %get3A_718 = vector.shape_cast %get3A_717 : vector<16xi32> to vector<16xi32>
    %dma_start3A_719 = arith.constant 8 : i32
    %dma_start3A_720 = arith.constant 16 : i32
    %dma_start3A_721 = arith.constant 0 : i32
    %dma_start3A_722 = tpu.memref_slice %arg6[%dma_start3A_719, %dma_start3A_720, %dma_start3A_721] : memref<12x128x64xf32, #tpu.memory_space<vmem>> -> memref<1x16x64xf32, #tpu.memory_space<vmem>>
    %dma_start3A_723 = tpu.memref_squeeze %dma_start3A_722 : memref<1x16x64xf32, #tpu.memory_space<vmem>> -> memref<16x64xf32, #tpu.memory_space<vmem>>
    %dma_start3A_724 = arith.constant 0 : i32
    %dma_start3A_725 = arith.constant 0 : i32
    %dma_start3A_726 = tpu.memref_slice %arg3[%dma_start3A_724, %dma_start3A_725] : memref<1000000x64xf32, #tpu.memory_space<hbm>> -> memref<1000000x64xf32, #tpu.memory_space<hbm>>
    tpu.enqueue_indirect_dma source(%dma_start3A_726 : memref<1000000x64xf32, #tpu.memory_space<hbm>>) target(%dma_start3A_723 : memref<16x64xf32, #tpu.memory_space<vmem>>) offsets(%get3A_718 : vector<16xi32>) semaphore(%arg7 : memref<!tpu.dma_semaphore, #tpu.memory_space<semaphore_mem>>)
    %get3A_727 = arith.constant 1056 : index
    %get3A_728 = tpu.vector_load %arg5[%get3A_727] {strides = array<i32>} : memref<6400xi32, #tpu.memory_space<vmem>>, vector<16xi32>,
    %get3A_729 = vector.shape_cast %get3A_728 : vector<16xi32> to vector<16xi32>
    %dma_start3A_730 = arith.constant 8 : i32
    %dma_start3A_731 = arith.constant 32 : i32
    %dma_start3A_732 = arith.constant 0 : i32
    %dma_start3A_733 = tpu.memref_slice %arg6[%dma_start3A_730, %dma_start3A_731, %dma_start3A_732] : memref<12x128x64xf32, #tpu.memory_space<vmem>> -> memref<1x16x64xf32, #tpu.memory_space<vmem>>
    %dma_start3A_734 = tpu.memref_squeeze %dma_start3A_733 : memref<1x16x64xf32, #tpu.memory_space<vmem>> -> memref<16x64xf32, #tpu.memory_space<vmem>>
    %dma_start3A_735 = arith.constant 0 : i32
    %dma_start3A_736 = arith.constant 0 : i32
    %dma_start3A_737 = tpu.memref_slice %arg3[%dma_start3A_735, %dma_start3A_736] : memref<1000000x64xf32, #tpu.memory_space<hbm>> -> memref<1000000x64xf32, #tpu.memory_space<hbm>>
    tpu.enqueue_indirect_dma source(%dma_start3A_737 : memref<1000000x64xf32, #tpu.memory_space<hbm>>) target(%dma_start3A_734 : memref<16x64xf32, #tpu.memory_space<vmem>>) offsets(%get3A_729 : vector<16xi32>) semaphore(%arg7 : memref<!tpu.dma_semaphore, #tpu.memory_space<semaphore_mem>>)
    %get3A_738 = arith.constant 1072 : index
    %get3A_739 = tpu.vector_load %arg5[%get3A_738] {strides = array<i32>} : memref<6400xi32, #tpu.memory_space<vmem>>, vector<16xi32>,
    %get3A_740 = vector.shape_cast %get3A_739 : vector<16xi32> to vector<16xi32>
    %dma_start3A_741 = arith.constant 8 : i32
    %dma_start3A_742 = arith.constant 48 : i32
    %dma_start3A_743 = arith.constant 0 : i32
    %dma_start3A_744 = tpu.memref_slice %arg6[%dma_start3A_741, %dma_start3A_742, %dma_start3A_743] : memref<12x128x64xf32, #tpu.memory_space<vmem>> -> memref<1x16x64xf32, #tpu.memory_space<vmem>>
    %dma_start3A_745 = tpu.memref_squeeze %dma_start3A_744 : memref<1x16x64xf32, #tpu.memory_space<vmem>> -> memref<16x64xf32, #tpu.memory_space<vmem>>
    %dma_start3A_746 = arith.constant 0 : i32
    %dma_start3A_747 = arith.constant 0 : i32
    %dma_start3A_748 = tpu.memref_slice %arg3[%dma_start3A_746, %dma_start3A_747] : memref<1000000x64xf32, #tpu.memory_space<hbm>> -> memref<1000000x64xf32, #tpu.memory_space<hbm>>
    tpu.enqueue_indirect_dma source(%dma_start3A_748 : memref<1000000x64xf32, #tpu.memory_space<hbm>>) target(%dma_start3A_745 : memref<16x64xf32, #tpu.memory_space<vmem>>) offsets(%get3A_740 : vector<16xi32>) semaphore(%arg7 : memref<!tpu.dma_semaphore, #tpu.memory_space<semaphore_mem>>)
    %get3A_749 = arith.constant 1088 : index
    %get3A_750 = tpu.vector_load %arg5[%get3A_749] {strides = array<i32>} : memref<6400xi32, #tpu.memory_space<vmem>>, vector<16xi32>,
    %get3A_751 = vector.shape_cast %get3A_750 : vector<16xi32> to vector<16xi32>
    %dma_start3A_752 = arith.constant 8 : i32
    %dma_start3A_753 = arith.constant 64 : i32
    %dma_start3A_754 = arith.constant 0 : i32
    %dma_start3A_755 = tpu.memref_slice %arg6[%dma_start3A_752, %dma_start3A_753, %dma_start3A_754] : memref<12x128x64xf32, #tpu.memory_space<vmem>> -> memref<1x16x64xf32, #tpu.memory_space<vmem>>
    %dma_start3A_756 = tpu.memref_squeeze %dma_start3A_755 : memref<1x16x64xf32, #tpu.memory_space<vmem>> -> memref<16x64xf32, #tpu.memory_space<vmem>>
    %dma_start3A_757 = arith.constant 0 : i32
    %dma_start3A_758 = arith.constant 0 : i32
    %dma_start3A_759 = tpu.memref_slice %arg3[%dma_start3A_757, %dma_start3A_758] : memref<1000000x64xf32, #tpu.memory_space<hbm>> -> memref<1000000x64xf32, #tpu.memory_space<hbm>>
    tpu.enqueue_indirect_dma source(%dma_start3A_759 : memref<1000000x64xf32, #tpu.memory_space<hbm>>) target(%dma_start3A_756 : memref<16x64xf32, #tpu.memory_space<vmem>>) offsets(%get3A_751 : vector<16xi32>) semaphore(%arg7 : memref<!tpu.dma_semaphore, #tpu.memory_space<semaphore_mem>>)
    %get3A_760 = arith.constant 1104 : index
    %get3A_761 = tpu.vector_load %arg5[%get3A_760] {strides = array<i32>} : memref<6400xi32, #tpu.memory_space<vmem>>, vector<16xi32>,
    %get3A_762 = vector.shape_cast %get3A_761 : vector<16xi32> to vector<16xi32>
    %dma_start3A_763 = arith.constant 8 : i32
    %dma_start3A_764 = arith.constant 80 : i32
    %dma_start3A_765 = arith.constant 0 : i32
    %dma_start3A_766 = tpu.memref_slice %arg6[%dma_start3A_763, %dma_start3A_764, %dma_start3A_765] : memref<12x128x64xf32, #tpu.memory_space<vmem>> -> memref<1x16x64xf32, #tpu.memory_space<vmem>>
    %dma_start3A_767 = tpu.memref_squeeze %dma_start3A_766 : memref<1x16x64xf32, #tpu.memory_space<vmem>> -> memref<16x64xf32, #tpu.memory_space<vmem>>
    %dma_start3A_768 = arith.constant 0 : i32
    %dma_start3A_769 = arith.constant 0 : i32
    %dma_start3A_770 = tpu.memref_slice %arg3[%dma_start3A_768, %dma_start3A_769] : memref<1000000x64xf32, #tpu.memory_space<hbm>> -> memref<1000000x64xf32, #tpu.memory_space<hbm>>
    tpu.enqueue_indirect_dma source(%dma_start3A_770 : memref<1000000x64xf32, #tpu.memory_space<hbm>>) target(%dma_start3A_767 : memref<16x64xf32, #tpu.memory_space<vmem>>) offsets(%get3A_762 : vector<16xi32>) semaphore(%arg7 : memref<!tpu.dma_semaphore, #tpu.memory_space<semaphore_mem>>)
    %get3A_771 = arith.constant 1120 : index
    %get3A_772 = tpu.vector_load %arg5[%get3A_771] {strides = array<i32>} : memref<6400xi32, #tpu.memory_space<vmem>>, vector<16xi32>,
    %get3A_773 = vector.shape_cast %get3A_772 : vector<16xi32> to vector<16xi32>
    %dma_start3A_774 = arith.constant 8 : i32
    %dma_start3A_775 = arith.constant 96 : i32
    %dma_start3A_776 = arith.constant 0 : i32
    %dma_start3A_777 = tpu.memref_slice %arg6[%dma_start3A_774, %dma_start3A_775, %dma_start3A_776] : memref<12x128x64xf32, #tpu.memory_space<vmem>> -> memref<1x16x64xf32, #tpu.memory_space<vmem>>
    %dma_start3A_778 = tpu.memref_squeeze %dma_start3A_777 : memref<1x16x64xf32, #tpu.memory_space<vmem>> -> memref<16x64xf32, #tpu.memory_space<vmem>>
    %dma_start3A_779 = arith.constant 0 : i32
    %dma_start3A_780 = arith.constant 0 : i32
    %dma_start3A_781 = tpu.memref_slice %arg3[%dma_start3A_779, %dma_start3A_780] : memref<1000000x64xf32, #tpu.memory_space<hbm>> -> memref<1000000x64xf32, #tpu.memory_space<hbm>>
    tpu.enqueue_indirect_dma source(%dma_start3A_781 : memref<1000000x64xf32, #tpu.memory_space<hbm>>) target(%dma_start3A_778 : memref<16x64xf32, #tpu.memory_space<vmem>>) offsets(%get3A_773 : vector<16xi32>) semaphore(%arg7 : memref<!tpu.dma_semaphore, #tpu.memory_space<semaphore_mem>>)
    %get3A_782 = arith.constant 1136 : index
    %get3A_783 = tpu.vector_load %arg5[%get3A_782] {strides = array<i32>} : memref<6400xi32, #tpu.memory_space<vmem>>, vector<16xi32>,
    %get3A_784 = vector.shape_cast %get3A_783 : vector<16xi32> to vector<16xi32>
    %dma_start3A_785 = arith.constant 8 : i32
    %dma_start3A_786 = arith.constant 112 : i32
    %dma_start3A_787 = arith.constant 0 : i32
    %dma_start3A_788 = tpu.memref_slice %arg6[%dma_start3A_785, %dma_start3A_786, %dma_start3A_787] : memref<12x128x64xf32, #tpu.memory_space<vmem>> -> memref<1x16x64xf32, #tpu.memory_space<vmem>>
    %dma_start3A_789 = tpu.memref_squeeze %dma_start3A_788 : memref<1x16x64xf32, #tpu.memory_space<vmem>> -> memref<16x64xf32, #tpu.memory_space<vmem>>
    %dma_start3A_790 = arith.constant 0 : i32
    %dma_start3A_791 = arith.constant 0 : i32
    %dma_start3A_792 = tpu.memref_slice %arg3[%dma_start3A_790, %dma_start3A_791] : memref<1000000x64xf32, #tpu.memory_space<hbm>> -> memref<1000000x64xf32, #tpu.memory_space<hbm>>
    tpu.enqueue_indirect_dma source(%dma_start3A_792 : memref<1000000x64xf32, #tpu.memory_space<hbm>>) target(%dma_start3A_789 : memref<16x64xf32, #tpu.memory_space<vmem>>) offsets(%get3A_784 : vector<16xi32>) semaphore(%arg7 : memref<!tpu.dma_semaphore, #tpu.memory_space<semaphore_mem>>)
    %get3A_793 = arith.constant 1152 : index
    %get3A_794 = tpu.vector_load %arg5[%get3A_793] {strides = array<i32>} : memref<6400xi32, #tpu.memory_space<vmem>>, vector<16xi32>,
    %get3A_795 = vector.shape_cast %get3A_794 : vector<16xi32> to vector<16xi32>
    %dma_start3A_796 = arith.constant 9 : i32
    %dma_start3A_797 = arith.constant 0 : i32
    %dma_start3A_798 = arith.constant 0 : i32
    %dma_start3A_799 = tpu.memref_slice %arg6[%dma_start3A_796, %dma_start3A_797, %dma_start3A_798] : memref<12x128x64xf32, #tpu.memory_space<vmem>> -> memref<1x16x64xf32, #tpu.memory_space<vmem>>
    %dma_start3A_800 = tpu.memref_squeeze %dma_start3A_799 : memref<1x16x64xf32, #tpu.memory_space<vmem>> -> memref<16x64xf32, #tpu.memory_space<vmem>>
    %dma_start3A_801 = arith.constant 0 : i32
    %dma_start3A_802 = arith.constant 0 : i32
    %dma_start3A_803 = tpu.memref_slice %arg3[%dma_start3A_801, %dma_start3A_802] : memref<1000000x64xf32, #tpu.memory_space<hbm>> -> memref<1000000x64xf32, #tpu.memory_space<hbm>>
    tpu.enqueue_indirect_dma source(%dma_start3A_803 : memref<1000000x64xf32, #tpu.memory_space<hbm>>) target(%dma_start3A_800 : memref<16x64xf32, #tpu.memory_space<vmem>>) offsets(%get3A_795 : vector<16xi32>) semaphore(%arg7 : memref<!tpu.dma_semaphore, #tpu.memory_space<semaphore_mem>>)
    %get3A_804 = arith.constant 1168 : index
    %get3A_805 = tpu.vector_load %arg5[%get3A_804] {strides = array<i32>} : memref<6400xi32, #tpu.memory_space<vmem>>, vector<16xi32>,
    %get3A_806 = vector.shape_cast %get3A_805 : vector<16xi32> to vector<16xi32>
    %dma_start3A_807 = arith.constant 9 : i32
    %dma_start3A_808 = arith.constant 16 : i32
    %dma_start3A_809 = arith.constant 0 : i32
    %dma_start3A_810 = tpu.memref_slice %arg6[%dma_start3A_807, %dma_start3A_808, %dma_start3A_809] : memref<12x128x64xf32, #tpu.memory_space<vmem>> -> memref<1x16x64xf32, #tpu.memory_space<vmem>>
    %dma_start3A_811 = tpu.memref_squeeze %dma_start3A_810 : memref<1x16x64xf32, #tpu.memory_space<vmem>> -> memref<16x64xf32, #tpu.memory_space<vmem>>
    %dma_start3A_812 = arith.constant 0 : i32
    %dma_start3A_813 = arith.constant 0 : i32
    %dma_start3A_814 = tpu.memref_slice %arg3[%dma_start3A_812, %dma_start3A_813] : memref<1000000x64xf32, #tpu.memory_space<hbm>> -> memref<1000000x64xf32, #tpu.memory_space<hbm>>
    tpu.enqueue_indirect_dma source(%dma_start3A_814 : memref<1000000x64xf32, #tpu.memory_space<hbm>>) target(%dma_start3A_811 : memref<16x64xf32, #tpu.memory_space<vmem>>) offsets(%get3A_806 : vector<16xi32>) semaphore(%arg7 : memref<!tpu.dma_semaphore, #tpu.memory_space<semaphore_mem>>)
    %get3A_815 = arith.constant 1184 : index
    %get3A_816 = tpu.vector_load %arg5[%get3A_815] {strides = array<i32>} : memref<6400xi32, #tpu.memory_space<vmem>>, vector<16xi32>,
    %get3A_817 = vector.shape_cast %get3A_816 : vector<16xi32> to vector<16xi32>
    %dma_start3A_818 = arith.constant 9 : i32
    %dma_start3A_819 = arith.constant 32 : i32
    %dma_start3A_820 = arith.constant 0 : i32
    %dma_start3A_821 = tpu.memref_slice %arg6[%dma_start3A_818, %dma_start3A_819, %dma_start3A_820] : memref<12x128x64xf32, #tpu.memory_space<vmem>> -> memref<1x16x64xf32, #tpu.memory_space<vmem>>
    %dma_start3A_822 = tpu.memref_squeeze %dma_start3A_821 : memref<1x16x64xf32, #tpu.memory_space<vmem>> -> memref<16x64xf32, #tpu.memory_space<vmem>>
    %dma_start3A_823 = arith.constant 0 : i32
    %dma_start3A_824 = arith.constant 0 : i32
    %dma_start3A_825 = tpu.memref_slice %arg3[%dma_start3A_823, %dma_start3A_824] : memref<1000000x64xf32, #tpu.memory_space<hbm>> -> memref<1000000x64xf32, #tpu.memory_space<hbm>>
    tpu.enqueue_indirect_dma source(%dma_start3A_825 : memref<1000000x64xf32, #tpu.memory_space<hbm>>) target(%dma_start3A_822 : memref<16x64xf32, #tpu.memory_space<vmem>>) offsets(%get3A_817 : vector<16xi32>) semaphore(%arg7 : memref<!tpu.dma_semaphore, #tpu.memory_space<semaphore_mem>>)
    %get3A_826 = arith.constant 1200 : index
    %get3A_827 = tpu.vector_load %arg5[%get3A_826] {strides = array<i32>} : memref<6400xi32, #tpu.memory_space<vmem>>, vector<16xi32>,
    %get3A_828 = vector.shape_cast %get3A_827 : vector<16xi32> to vector<16xi32>
    %dma_start3A_829 = arith.constant 9 : i32
    %dma_start3A_830 = arith.constant 48 : i32
    %dma_start3A_831 = arith.constant 0 : i32
    %dma_start3A_832 = tpu.memref_slice %arg6[%dma_start3A_829, %dma_start3A_830, %dma_start3A_831] : memref<12x128x64xf32, #tpu.memory_space<vmem>> -> memref<1x16x64xf32, #tpu.memory_space<vmem>>
    %dma_start3A_833 = tpu.memref_squeeze %dma_start3A_832 : memref<1x16x64xf32, #tpu.memory_space<vmem>> -> memref<16x64xf32, #tpu.memory_space<vmem>>
    %dma_start3A_834 = arith.constant 0 : i32
    %dma_start3A_835 = arith.constant 0 : i32
    %dma_start3A_836 = tpu.memref_slice %arg3[%dma_start3A_834, %dma_start3A_835] : memref<1000000x64xf32, #tpu.memory_space<hbm>> -> memref<1000000x64xf32, #tpu.memory_space<hbm>>
    tpu.enqueue_indirect_dma source(%dma_start3A_836 : memref<1000000x64xf32, #tpu.memory_space<hbm>>) target(%dma_start3A_833 : memref<16x64xf32, #tpu.memory_space<vmem>>) offsets(%get3A_828 : vector<16xi32>) semaphore(%arg7 : memref<!tpu.dma_semaphore, #tpu.memory_space<semaphore_mem>>)
    %get3A_837 = arith.constant 1216 : index
    %get3A_838 = tpu.vector_load %arg5[%get3A_837] {strides = array<i32>} : memref<6400xi32, #tpu.memory_space<vmem>>, vector<16xi32>,
    %get3A_839 = vector.shape_cast %get3A_838 : vector<16xi32> to vector<16xi32>
    %dma_start3A_840 = arith.constant 9 : i32
    %dma_start3A_841 = arith.constant 64 : i32
    %dma_start3A_842 = arith.constant 0 : i32
    %dma_start3A_843 = tpu.memref_slice %arg6[%dma_start3A_840, %dma_start3A_841, %dma_start3A_842] : memref<12x128x64xf32, #tpu.memory_space<vmem>> -> memref<1x16x64xf32, #tpu.memory_space<vmem>>
    %dma_start3A_844 = tpu.memref_squeeze %dma_start3A_843 : memref<1x16x64xf32, #tpu.memory_space<vmem>> -> memref<16x64xf32, #tpu.memory_space<vmem>>
    %dma_start3A_845 = arith.constant 0 : i32
    %dma_start3A_846 = arith.constant 0 : i32
    %dma_start3A_847 = tpu.memref_slice %arg3[%dma_start3A_845, %dma_start3A_846] : memref<1000000x64xf32, #tpu.memory_space<hbm>> -> memref<1000000x64xf32, #tpu.memory_space<hbm>>
    tpu.enqueue_indirect_dma source(%dma_start3A_847 : memref<1000000x64xf32, #tpu.memory_space<hbm>>) target(%dma_start3A_844 : memref<16x64xf32, #tpu.memory_space<vmem>>) offsets(%get3A_839 : vector<16xi32>) semaphore(%arg7 : memref<!tpu.dma_semaphore, #tpu.memory_space<semaphore_mem>>)
    %get3A_848 = arith.constant 1232 : index
    %get3A_849 = tpu.vector_load %arg5[%get3A_848] {strides = array<i32>} : memref<6400xi32, #tpu.memory_space<vmem>>, vector<16xi32>,
    %get3A_850 = vector.shape_cast %get3A_849 : vector<16xi32> to vector<16xi32>
    %dma_start3A_851 = arith.constant 9 : i32
    %dma_start3A_852 = arith.constant 80 : i32
    %dma_start3A_853 = arith.constant 0 : i32
    %dma_start3A_854 = tpu.memref_slice %arg6[%dma_start3A_851, %dma_start3A_852, %dma_start3A_853] : memref<12x128x64xf32, #tpu.memory_space<vmem>> -> memref<1x16x64xf32, #tpu.memory_space<vmem>>
    %dma_start3A_855 = tpu.memref_squeeze %dma_start3A_854 : memref<1x16x64xf32, #tpu.memory_space<vmem>> -> memref<16x64xf32, #tpu.memory_space<vmem>>
    %dma_start3A_856 = arith.constant 0 : i32
    %dma_start3A_857 = arith.constant 0 : i32
    %dma_start3A_858 = tpu.memref_slice %arg3[%dma_start3A_856, %dma_start3A_857] : memref<1000000x64xf32, #tpu.memory_space<hbm>> -> memref<1000000x64xf32, #tpu.memory_space<hbm>>
    tpu.enqueue_indirect_dma source(%dma_start3A_858 : memref<1000000x64xf32, #tpu.memory_space<hbm>>) target(%dma_start3A_855 : memref<16x64xf32, #tpu.memory_space<vmem>>) offsets(%get3A_850 : vector<16xi32>) semaphore(%arg7 : memref<!tpu.dma_semaphore, #tpu.memory_space<semaphore_mem>>)
    %get3A_859 = arith.constant 1248 : index
    %get3A_860 = tpu.vector_load %arg5[%get3A_859] {strides = array<i32>} : memref<6400xi32, #tpu.memory_space<vmem>>, vector<16xi32>,
    %get3A_861 = vector.shape_cast %get3A_860 : vector<16xi32> to vector<16xi32>
    %dma_start3A_862 = arith.constant 9 : i32
    %dma_start3A_863 = arith.constant 96 : i32
    %dma_start3A_864 = arith.constant 0 : i32
    %dma_start3A_865 = tpu.memref_slice %arg6[%dma_start3A_862, %dma_start3A_863, %dma_start3A_864] : memref<12x128x64xf32, #tpu.memory_space<vmem>> -> memref<1x16x64xf32, #tpu.memory_space<vmem>>
    %dma_start3A_866 = tpu.memref_squeeze %dma_start3A_865 : memref<1x16x64xf32, #tpu.memory_space<vmem>> -> memref<16x64xf32, #tpu.memory_space<vmem>>
    %dma_start3A_867 = arith.constant 0 : i32
    %dma_start3A_868 = arith.constant 0 : i32
    %dma_start3A_869 = tpu.memref_slice %arg3[%dma_start3A_867, %dma_start3A_868] : memref<1000000x64xf32, #tpu.memory_space<hbm>> -> memref<1000000x64xf32, #tpu.memory_space<hbm>>
    tpu.enqueue_indirect_dma source(%dma_start3A_869 : memref<1000000x64xf32, #tpu.memory_space<hbm>>) target(%dma_start3A_866 : memref<16x64xf32, #tpu.memory_space<vmem>>) offsets(%get3A_861 : vector<16xi32>) semaphore(%arg7 : memref<!tpu.dma_semaphore, #tpu.memory_space<semaphore_mem>>)
    %get3A_870 = arith.constant 1264 : index
    %get3A_871 = tpu.vector_load %arg5[%get3A_870] {strides = array<i32>} : memref<6400xi32, #tpu.memory_space<vmem>>, vector<16xi32>,
    %get3A_872 = vector.shape_cast %get3A_871 : vector<16xi32> to vector<16xi32>
    %dma_start3A_873 = arith.constant 9 : i32
    %dma_start3A_874 = arith.constant 112 : i32
    %dma_start3A_875 = arith.constant 0 : i32
    %dma_start3A_876 = tpu.memref_slice %arg6[%dma_start3A_873, %dma_start3A_874, %dma_start3A_875] : memref<12x128x64xf32, #tpu.memory_space<vmem>> -> memref<1x16x64xf32, #tpu.memory_space<vmem>>
    %dma_start3A_877 = tpu.memref_squeeze %dma_start3A_876 : memref<1x16x64xf32, #tpu.memory_space<vmem>> -> memref<16x64xf32, #tpu.memory_space<vmem>>
    %dma_start3A_878 = arith.constant 0 : i32
    %dma_start3A_879 = arith.constant 0 : i32
    %dma_start3A_880 = tpu.memref_slice %arg3[%dma_start3A_878, %dma_start3A_879] : memref<1000000x64xf32, #tpu.memory_space<hbm>> -> memref<1000000x64xf32, #tpu.memory_space<hbm>>
    tpu.enqueue_indirect_dma source(%dma_start3A_880 : memref<1000000x64xf32, #tpu.memory_space<hbm>>) target(%dma_start3A_877 : memref<16x64xf32, #tpu.memory_space<vmem>>) offsets(%get3A_872 : vector<16xi32>) semaphore(%arg7 : memref<!tpu.dma_semaphore, #tpu.memory_space<semaphore_mem>>)
    %get3A_881 = arith.constant 1280 : index
    %get3A_882 = tpu.vector_load %arg5[%get3A_881] {strides = array<i32>} : memref<6400xi32, #tpu.memory_space<vmem>>, vector<16xi32>,
    %get3A_883 = vector.shape_cast %get3A_882 : vector<16xi32> to vector<16xi32>
    %dma_start3A_884 = arith.constant 10 : i32
    %dma_start3A_885 = arith.constant 0 : i32
    %dma_start3A_886 = arith.constant 0 : i32
    %dma_start3A_887 = tpu.memref_slice %arg6[%dma_start3A_884, %dma_start3A_885, %dma_start3A_886] : memref<12x128x64xf32, #tpu.memory_space<vmem>> -> memref<1x16x64xf32, #tpu.memory_space<vmem>>
    %dma_start3A_888 = tpu.memref_squeeze %dma_start3A_887 : memref<1x16x64xf32, #tpu.memory_space<vmem>> -> memref<16x64xf32, #tpu.memory_space<vmem>>
    %dma_start3A_889 = arith.constant 0 : i32
    %dma_start3A_890 = arith.constant 0 : i32
    %dma_start3A_891 = tpu.memref_slice %arg3[%dma_start3A_889, %dma_start3A_890] : memref<1000000x64xf32, #tpu.memory_space<hbm>> -> memref<1000000x64xf32, #tpu.memory_space<hbm>>
    tpu.enqueue_indirect_dma source(%dma_start3A_891 : memref<1000000x64xf32, #tpu.memory_space<hbm>>) target(%dma_start3A_888 : memref<16x64xf32, #tpu.memory_space<vmem>>) offsets(%get3A_883 : vector<16xi32>) semaphore(%arg7 : memref<!tpu.dma_semaphore, #tpu.memory_space<semaphore_mem>>)
    %get3A_892 = arith.constant 1296 : index
    %get3A_893 = tpu.vector_load %arg5[%get3A_892] {strides = array<i32>} : memref<6400xi32, #tpu.memory_space<vmem>>, vector<16xi32>,
    %get3A_894 = vector.shape_cast %get3A_893 : vector<16xi32> to vector<16xi32>
    %dma_start3A_895 = arith.constant 10 : i32
    %dma_start3A_896 = arith.constant 16 : i32
    %dma_start3A_897 = arith.constant 0 : i32
    %dma_start3A_898 = tpu.memref_slice %arg6[%dma_start3A_895, %dma_start3A_896, %dma_start3A_897] : memref<12x128x64xf32, #tpu.memory_space<vmem>> -> memref<1x16x64xf32, #tpu.memory_space<vmem>>
    %dma_start3A_899 = tpu.memref_squeeze %dma_start3A_898 : memref<1x16x64xf32, #tpu.memory_space<vmem>> -> memref<16x64xf32, #tpu.memory_space<vmem>>
    %dma_start3A_900 = arith.constant 0 : i32
    %dma_start3A_901 = arith.constant 0 : i32
    %dma_start3A_902 = tpu.memref_slice %arg3[%dma_start3A_900, %dma_start3A_901] : memref<1000000x64xf32, #tpu.memory_space<hbm>> -> memref<1000000x64xf32, #tpu.memory_space<hbm>>
    tpu.enqueue_indirect_dma source(%dma_start3A_902 : memref<1000000x64xf32, #tpu.memory_space<hbm>>) target(%dma_start3A_899 : memref<16x64xf32, #tpu.memory_space<vmem>>) offsets(%get3A_894 : vector<16xi32>) semaphore(%arg7 : memref<!tpu.dma_semaphore, #tpu.memory_space<semaphore_mem>>)
    %get3A_903 = arith.constant 1312 : index
    %get3A_904 = tpu.vector_load %arg5[%get3A_903] {strides = array<i32>} : memref<6400xi32, #tpu.memory_space<vmem>>, vector<16xi32>,
    %get3A_905 = vector.shape_cast %get3A_904 : vector<16xi32> to vector<16xi32>
    %dma_start3A_906 = arith.constant 10 : i32
    %dma_start3A_907 = arith.constant 32 : i32
    %dma_start3A_908 = arith.constant 0 : i32
    %dma_start3A_909 = tpu.memref_slice %arg6[%dma_start3A_906, %dma_start3A_907, %dma_start3A_908] : memref<12x128x64xf32, #tpu.memory_space<vmem>> -> memref<1x16x64xf32, #tpu.memory_space<vmem>>
    %dma_start3A_910 = tpu.memref_squeeze %dma_start3A_909 : memref<1x16x64xf32, #tpu.memory_space<vmem>> -> memref<16x64xf32, #tpu.memory_space<vmem>>
    %dma_start3A_911 = arith.constant 0 : i32
    %dma_start3A_912 = arith.constant 0 : i32
    %dma_start3A_913 = tpu.memref_slice %arg3[%dma_start3A_911, %dma_start3A_912] : memref<1000000x64xf32, #tpu.memory_space<hbm>> -> memref<1000000x64xf32, #tpu.memory_space<hbm>>
    tpu.enqueue_indirect_dma source(%dma_start3A_913 : memref<1000000x64xf32, #tpu.memory_space<hbm>>) target(%dma_start3A_910 : memref<16x64xf32, #tpu.memory_space<vmem>>) offsets(%get3A_905 : vector<16xi32>) semaphore(%arg7 : memref<!tpu.dma_semaphore, #tpu.memory_space<semaphore_mem>>)
    %get3A_914 = arith.constant 1328 : index
    %get3A_915 = tpu.vector_load %arg5[%get3A_914] {strides = array<i32>} : memref<6400xi32, #tpu.memory_space<vmem>>, vector<16xi32>,
    %get3A_916 = vector.shape_cast %get3A_915 : vector<16xi32> to vector<16xi32>
    %dma_start3A_917 = arith.constant 10 : i32
    %dma_start3A_918 = arith.constant 48 : i32
    %dma_start3A_919 = arith.constant 0 : i32
    %dma_start3A_920 = tpu.memref_slice %arg6[%dma_start3A_917, %dma_start3A_918, %dma_start3A_919] : memref<12x128x64xf32, #tpu.memory_space<vmem>> -> memref<1x16x64xf32, #tpu.memory_space<vmem>>
    %dma_start3A_921 = tpu.memref_squeeze %dma_start3A_920 : memref<1x16x64xf32, #tpu.memory_space<vmem>> -> memref<16x64xf32, #tpu.memory_space<vmem>>
    %dma_start3A_922 = arith.constant 0 : i32
    %dma_start3A_923 = arith.constant 0 : i32
    %dma_start3A_924 = tpu.memref_slice %arg3[%dma_start3A_922, %dma_start3A_923] : memref<1000000x64xf32, #tpu.memory_space<hbm>> -> memref<1000000x64xf32, #tpu.memory_space<hbm>>
    tpu.enqueue_indirect_dma source(%dma_start3A_924 : memref<1000000x64xf32, #tpu.memory_space<hbm>>) target(%dma_start3A_921 : memref<16x64xf32, #tpu.memory_space<vmem>>) offsets(%get3A_916 : vector<16xi32>) semaphore(%arg7 : memref<!tpu.dma_semaphore, #tpu.memory_space<semaphore_mem>>)
    %get3A_925 = arith.constant 1344 : index
    %get3A_926 = tpu.vector_load %arg5[%get3A_925] {strides = array<i32>} : memref<6400xi32, #tpu.memory_space<vmem>>, vector<16xi32>,
    %get3A_927 = vector.shape_cast %get3A_926 : vector<16xi32> to vector<16xi32>
    %dma_start3A_928 = arith.constant 10 : i32
    %dma_start3A_929 = arith.constant 64 : i32
    %dma_start3A_930 = arith.constant 0 : i32
    %dma_start3A_931 = tpu.memref_slice %arg6[%dma_start3A_928, %dma_start3A_929, %dma_start3A_930] : memref<12x128x64xf32, #tpu.memory_space<vmem>> -> memref<1x16x64xf32, #tpu.memory_space<vmem>>
    %dma_start3A_932 = tpu.memref_squeeze %dma_start3A_931 : memref<1x16x64xf32, #tpu.memory_space<vmem>> -> memref<16x64xf32, #tpu.memory_space<vmem>>
    %dma_start3A_933 = arith.constant 0 : i32
    %dma_start3A_934 = arith.constant 0 : i32
    %dma_start3A_935 = tpu.memref_slice %arg3[%dma_start3A_933, %dma_start3A_934] : memref<1000000x64xf32, #tpu.memory_space<hbm>> -> memref<1000000x64xf32, #tpu.memory_space<hbm>>
    tpu.enqueue_indirect_dma source(%dma_start3A_935 : memref<1000000x64xf32, #tpu.memory_space<hbm>>) target(%dma_start3A_932 : memref<16x64xf32, #tpu.memory_space<vmem>>) offsets(%get3A_927 : vector<16xi32>) semaphore(%arg7 : memref<!tpu.dma_semaphore, #tpu.memory_space<semaphore_mem>>)
    %get3A_936 = arith.constant 1360 : index
    %get3A_937 = tpu.vector_load %arg5[%get3A_936] {strides = array<i32>} : memref<6400xi32, #tpu.memory_space<vmem>>, vector<16xi32>,
    %get3A_938 = vector.shape_cast %get3A_937 : vector<16xi32> to vector<16xi32>
    %dma_start3A_939 = arith.constant 10 : i32
    %dma_start3A_940 = arith.constant 80 : i32
    %dma_start3A_941 = arith.constant 0 : i32
    %dma_start3A_942 = tpu.memref_slice %arg6[%dma_start3A_939, %dma_start3A_940, %dma_start3A_941] : memref<12x128x64xf32, #tpu.memory_space<vmem>> -> memref<1x16x64xf32, #tpu.memory_space<vmem>>
    %dma_start3A_943 = tpu.memref_squeeze %dma_start3A_942 : memref<1x16x64xf32, #tpu.memory_space<vmem>> -> memref<16x64xf32, #tpu.memory_space<vmem>>
    %dma_start3A_944 = arith.constant 0 : i32
    %dma_start3A_945 = arith.constant 0 : i32
    %dma_start3A_946 = tpu.memref_slice %arg3[%dma_start3A_944, %dma_start3A_945] : memref<1000000x64xf32, #tpu.memory_space<hbm>> -> memref<1000000x64xf32, #tpu.memory_space<hbm>>
    tpu.enqueue_indirect_dma source(%dma_start3A_946 : memref<1000000x64xf32, #tpu.memory_space<hbm>>) target(%dma_start3A_943 : memref<16x64xf32, #tpu.memory_space<vmem>>) offsets(%get3A_938 : vector<16xi32>) semaphore(%arg7 : memref<!tpu.dma_semaphore, #tpu.memory_space<semaphore_mem>>)
    %get3A_947 = arith.constant 1376 : index
    %get3A_948 = tpu.vector_load %arg5[%get3A_947] {strides = array<i32>} : memref<6400xi32, #tpu.memory_space<vmem>>, vector<16xi32>,
    %get3A_949 = vector.shape_cast %get3A_948 : vector<16xi32> to vector<16xi32>
    %dma_start3A_950 = arith.constant 10 : i32
    %dma_start3A_951 = arith.constant 96 : i32
    %dma_start3A_952 = arith.constant 0 : i32
    %dma_start3A_953 = tpu.memref_slice %arg6[%dma_start3A_950, %dma_start3A_951, %dma_start3A_952] : memref<12x128x64xf32, #tpu.memory_space<vmem>> -> memref<1x16x64xf32, #tpu.memory_space<vmem>>
    %dma_start3A_954 = tpu.memref_squeeze %dma_start3A_953 : memref<1x16x64xf32, #tpu.memory_space<vmem>> -> memref<16x64xf32, #tpu.memory_space<vmem>>
    %dma_start3A_955 = arith.constant 0 : i32
    %dma_start3A_956 = arith.constant 0 : i32
    %dma_start3A_957 = tpu.memref_slice %arg3[%dma_start3A_955, %dma_start3A_956] : memref<1000000x64xf32, #tpu.memory_space<hbm>> -> memref<1000000x64xf32, #tpu.memory_space<hbm>>
    tpu.enqueue_indirect_dma source(%dma_start3A_957 : memref<1000000x64xf32, #tpu.memory_space<hbm>>) target(%dma_start3A_954 : memref<16x64xf32, #tpu.memory_space<vmem>>) offsets(%get3A_949 : vector<16xi32>) semaphore(%arg7 : memref<!tpu.dma_semaphore, #tpu.memory_space<semaphore_mem>>)
    %get3A_958 = arith.constant 1392 : index
    %get3A_959 = tpu.vector_load %arg5[%get3A_958] {strides = array<i32>} : memref<6400xi32, #tpu.memory_space<vmem>>, vector<16xi32>,
    %get3A_960 = vector.shape_cast %get3A_959 : vector<16xi32> to vector<16xi32>
    %dma_start3A_961 = arith.constant 10 : i32
    %dma_start3A_962 = arith.constant 112 : i32
    %dma_start3A_963 = arith.constant 0 : i32
    %dma_start3A_964 = tpu.memref_slice %arg6[%dma_start3A_961, %dma_start3A_962, %dma_start3A_963] : memref<12x128x64xf32, #tpu.memory_space<vmem>> -> memref<1x16x64xf32, #tpu.memory_space<vmem>>
    %dma_start3A_965 = tpu.memref_squeeze %dma_start3A_964 : memref<1x16x64xf32, #tpu.memory_space<vmem>> -> memref<16x64xf32, #tpu.memory_space<vmem>>
    %dma_start3A_966 = arith.constant 0 : i32
    %dma_start3A_967 = arith.constant 0 : i32
    %dma_start3A_968 = tpu.memref_slice %arg3[%dma_start3A_966, %dma_start3A_967] : memref<1000000x64xf32, #tpu.memory_space<hbm>> -> memref<1000000x64xf32, #tpu.memory_space<hbm>>
    tpu.enqueue_indirect_dma source(%dma_start3A_968 : memref<1000000x64xf32, #tpu.memory_space<hbm>>) target(%dma_start3A_965 : memref<16x64xf32, #tpu.memory_space<vmem>>) offsets(%get3A_960 : vector<16xi32>) semaphore(%arg7 : memref<!tpu.dma_semaphore, #tpu.memory_space<semaphore_mem>>)
    %get3A_969 = arith.constant 1408 : index
    %get3A_970 = tpu.vector_load %arg5[%get3A_969] {strides = array<i32>} : memref<6400xi32, #tpu.memory_space<vmem>>, vector<16xi32>,
    %get3A_971 = vector.shape_cast %get3A_970 : vector<16xi32> to vector<16xi32>
    %dma_start3A_972 = arith.constant 11 : i32
    %dma_start3A_973 = arith.constant 0 : i32
    %dma_start3A_974 = arith.constant 0 : i32
    %dma_start3A_975 = tpu.memref_slice %arg6[%dma_start3A_972, %dma_start3A_973, %dma_start3A_974] : memref<12x128x64xf32, #tpu.memory_space<vmem>> -> memref<1x16x64xf32, #tpu.memory_space<vmem>>
    %dma_start3A_976 = tpu.memref_squeeze %dma_start3A_975 : memref<1x16x64xf32, #tpu.memory_space<vmem>> -> memref<16x64xf32, #tpu.memory_space<vmem>>
    %dma_start3A_977 = arith.constant 0 : i32
    %dma_start3A_978 = arith.constant 0 : i32
    %dma_start3A_979 = tpu.memref_slice %arg3[%dma_start3A_977, %dma_start3A_978] : memref<1000000x64xf32, #tpu.memory_space<hbm>> -> memref<1000000x64xf32, #tpu.memory_space<hbm>>
    tpu.enqueue_indirect_dma source(%dma_start3A_979 : memref<1000000x64xf32, #tpu.memory_space<hbm>>) target(%dma_start3A_976 : memref<16x64xf32, #tpu.memory_space<vmem>>) offsets(%get3A_971 : vector<16xi32>) semaphore(%arg7 : memref<!tpu.dma_semaphore, #tpu.memory_space<semaphore_mem>>)
    %get3A_980 = arith.constant 1424 : index
    %get3A_981 = tpu.vector_load %arg5[%get3A_980] {strides = array<i32>} : memref<6400xi32, #tpu.memory_space<vmem>>, vector<16xi32>,
    %get3A_982 = vector.shape_cast %get3A_981 : vector<16xi32> to vector<16xi32>
    %dma_start3A_983 = arith.constant 11 : i32
    %dma_start3A_984 = arith.constant 16 : i32
    %dma_start3A_985 = arith.constant 0 : i32
    %dma_start3A_986 = tpu.memref_slice %arg6[%dma_start3A_983, %dma_start3A_984, %dma_start3A_985] : memref<12x128x64xf32, #tpu.memory_space<vmem>> -> memref<1x16x64xf32, #tpu.memory_space<vmem>>
    %dma_start3A_987 = tpu.memref_squeeze %dma_start3A_986 : memref<1x16x64xf32, #tpu.memory_space<vmem>> -> memref<16x64xf32, #tpu.memory_space<vmem>>
    %dma_start3A_988 = arith.constant 0 : i32
    %dma_start3A_989 = arith.constant 0 : i32
    %dma_start3A_990 = tpu.memref_slice %arg3[%dma_start3A_988, %dma_start3A_989] : memref<1000000x64xf32, #tpu.memory_space<hbm>> -> memref<1000000x64xf32, #tpu.memory_space<hbm>>
    tpu.enqueue_indirect_dma source(%dma_start3A_990 : memref<1000000x64xf32, #tpu.memory_space<hbm>>) target(%dma_start3A_987 : memref<16x64xf32, #tpu.memory_space<vmem>>) offsets(%get3A_982 : vector<16xi32>) semaphore(%arg7 : memref<!tpu.dma_semaphore, #tpu.memory_space<semaphore_mem>>)
    %get3A_991 = arith.constant 1440 : index
    %get3A_992 = tpu.vector_load %arg5[%get3A_991] {strides = array<i32>} : memref<6400xi32, #tpu.memory_space<vmem>>, vector<16xi32>,
    %get3A_993 = vector.shape_cast %get3A_992 : vector<16xi32> to vector<16xi32>
    %dma_start3A_994 = arith.constant 11 : i32
    %dma_start3A_995 = arith.constant 32 : i32
    %dma_start3A_996 = arith.constant 0 : i32
    %dma_start3A_997 = tpu.memref_slice %arg6[%dma_start3A_994, %dma_start3A_995, %dma_start3A_996] : memref<12x128x64xf32, #tpu.memory_space<vmem>> -> memref<1x16x64xf32, #tpu.memory_space<vmem>>
    %dma_start3A_998 = tpu.memref_squeeze %dma_start3A_997 : memref<1x16x64xf32, #tpu.memory_space<vmem>> -> memref<16x64xf32, #tpu.memory_space<vmem>>
    %dma_start3A_999 = arith.constant 0 : i32
    %dma_start3A_1000 = arith.constant 0 : i32
    %dma_start3A_1001 = tpu.memref_slice %arg3[%dma_start3A_999, %dma_start3A_1000] : memref<1000000x64xf32, #tpu.memory_space<hbm>> -> memref<1000000x64xf32, #tpu.memory_space<hbm>>
    tpu.enqueue_indirect_dma source(%dma_start3A_1001 : memref<1000000x64xf32, #tpu.memory_space<hbm>>) target(%dma_start3A_998 : memref<16x64xf32, #tpu.memory_space<vmem>>) offsets(%get3A_993 : vector<16xi32>) semaphore(%arg7 : memref<!tpu.dma_semaphore, #tpu.memory_space<semaphore_mem>>)
    %get3A_1002 = arith.constant 1456 : index
    %get3A_1003 = tpu.vector_load %arg5[%get3A_1002] {strides = array<i32>} : memref<6400xi32, #tpu.memory_space<vmem>>, vector<16xi32>,
    %get3A_1004 = vector.shape_cast %get3A_1003 : vector<16xi32> to vector<16xi32>
    %dma_start3A_1005 = arith.constant 11 : i32
    %dma_start3A_1006 = arith.constant 48 : i32
    %dma_start3A_1007 = arith.constant 0 : i32
    %dma_start3A_1008 = tpu.memref_slice %arg6[%dma_start3A_1005, %dma_start3A_1006, %dma_start3A_1007] : memref<12x128x64xf32, #tpu.memory_space<vmem>> -> memref<1x16x64xf32, #tpu.memory_space<vmem>>
    %dma_start3A_1009 = tpu.memref_squeeze %dma_start3A_1008 : memref<1x16x64xf32, #tpu.memory_space<vmem>> -> memref<16x64xf32, #tpu.memory_space<vmem>>
    %dma_start3A_1010 = arith.constant 0 : i32
    %dma_start3A_1011 = arith.constant 0 : i32
    %dma_start3A_1012 = tpu.memref_slice %arg3[%dma_start3A_1010, %dma_start3A_1011] : memref<1000000x64xf32, #tpu.memory_space<hbm>> -> memref<1000000x64xf32, #tpu.memory_space<hbm>>
    tpu.enqueue_indirect_dma source(%dma_start3A_1012 : memref<1000000x64xf32, #tpu.memory_space<hbm>>) target(%dma_start3A_1009 : memref<16x64xf32, #tpu.memory_space<vmem>>) offsets(%get3A_1004 : vector<16xi32>) semaphore(%arg7 : memref<!tpu.dma_semaphore, #tpu.memory_space<semaphore_mem>>)
    %get3A_1013 = arith.constant 1472 : index
    %get3A_1014 = tpu.vector_load %arg5[%get3A_1013] {strides = array<i32>} : memref<6400xi32, #tpu.memory_space<vmem>>, vector<16xi32>,
    %get3A_1015 = vector.shape_cast %get3A_1014 : vector<16xi32> to vector<16xi32>
    %dma_start3A_1016 = arith.constant 11 : i32
    %dma_start3A_1017 = arith.constant 64 : i32
    %dma_start3A_1018 = arith.constant 0 : i32
    %dma_start3A_1019 = tpu.memref_slice %arg6[%dma_start3A_1016, %dma_start3A_1017, %dma_start3A_1018] : memref<12x128x64xf32, #tpu.memory_space<vmem>> -> memref<1x16x64xf32, #tpu.memory_space<vmem>>
    %dma_start3A_1020 = tpu.memref_squeeze %dma_start3A_1019 : memref<1x16x64xf32, #tpu.memory_space<vmem>> -> memref<16x64xf32, #tpu.memory_space<vmem>>
    %dma_start3A_1021 = arith.constant 0 : i32
    %dma_start3A_1022 = arith.constant 0 : i32
    %dma_start3A_1023 = tpu.memref_slice %arg3[%dma_start3A_1021, %dma_start3A_1022] : memref<1000000x64xf32, #tpu.memory_space<hbm>> -> memref<1000000x64xf32, #tpu.memory_space<hbm>>
    tpu.enqueue_indirect_dma source(%dma_start3A_1023 : memref<1000000x64xf32, #tpu.memory_space<hbm>>) target(%dma_start3A_1020 : memref<16x64xf32, #tpu.memory_space<vmem>>) offsets(%get3A_1015 : vector<16xi32>) semaphore(%arg7 : memref<!tpu.dma_semaphore, #tpu.memory_space<semaphore_mem>>)
    %get3A_1024 = arith.constant 1488 : index
    %get3A_1025 = tpu.vector_load %arg5[%get3A_1024] {strides = array<i32>} : memref<6400xi32, #tpu.memory_space<vmem>>, vector<16xi32>,
    %get3A_1026 = vector.shape_cast %get3A_1025 : vector<16xi32> to vector<16xi32>
    %dma_start3A_1027 = arith.constant 11 : i32
    %dma_start3A_1028 = arith.constant 80 : i32
    %dma_start3A_1029 = arith.constant 0 : i32
    %dma_start3A_1030 = tpu.memref_slice %arg6[%dma_start3A_1027, %dma_start3A_1028, %dma_start3A_1029] : memref<12x128x64xf32, #tpu.memory_space<vmem>> -> memref<1x16x64xf32, #tpu.memory_space<vmem>>
    %dma_start3A_1031 = tpu.memref_squeeze %dma_start3A_1030 : memref<1x16x64xf32, #tpu.memory_space<vmem>> -> memref<16x64xf32, #tpu.memory_space<vmem>>
    %dma_start3A_1032 = arith.constant 0 : i32
    %dma_start3A_1033 = arith.constant 0 : i32
    %dma_start3A_1034 = tpu.memref_slice %arg3[%dma_start3A_1032, %dma_start3A_1033] : memref<1000000x64xf32, #tpu.memory_space<hbm>> -> memref<1000000x64xf32, #tpu.memory_space<hbm>>
    tpu.enqueue_indirect_dma source(%dma_start3A_1034 : memref<1000000x64xf32, #tpu.memory_space<hbm>>) target(%dma_start3A_1031 : memref<16x64xf32, #tpu.memory_space<vmem>>) offsets(%get3A_1026 : vector<16xi32>) semaphore(%arg7 : memref<!tpu.dma_semaphore, #tpu.memory_space<semaphore_mem>>)
    %get3A_1035 = arith.constant 1504 : index
    %get3A_1036 = tpu.vector_load %arg5[%get3A_1035] {strides = array<i32>} : memref<6400xi32, #tpu.memory_space<vmem>>, vector<16xi32>,
    %get3A_1037 = vector.shape_cast %get3A_1036 : vector<16xi32> to vector<16xi32>
    %dma_start3A_1038 = arith.constant 11 : i32
    %dma_start3A_1039 = arith.constant 96 : i32
    %dma_start3A_1040 = arith.constant 0 : i32
    %dma_start3A_1041 = tpu.memref_slice %arg6[%dma_start3A_1038, %dma_start3A_1039, %dma_start3A_1040] : memref<12x128x64xf32, #tpu.memory_space<vmem>> -> memref<1x16x64xf32, #tpu.memory_space<vmem>>
    %dma_start3A_1042 = tpu.memref_squeeze %dma_start3A_1041 : memref<1x16x64xf32, #tpu.memory_space<vmem>> -> memref<16x64xf32, #tpu.memory_space<vmem>>
    %dma_start3A_1043 = arith.constant 0 : i32
    %dma_start3A_1044 = arith.constant 0 : i32
    %dma_start3A_1045 = tpu.memref_slice %arg3[%dma_start3A_1043, %dma_start3A_1044] : memref<1000000x64xf32, #tpu.memory_space<hbm>> -> memref<1000000x64xf32, #tpu.memory_space<hbm>>
    tpu.enqueue_indirect_dma source(%dma_start3A_1045 : memref<1000000x64xf32, #tpu.memory_space<hbm>>) target(%dma_start3A_1042 : memref<16x64xf32, #tpu.memory_space<vmem>>) offsets(%get3A_1037 : vector<16xi32>) semaphore(%arg7 : memref<!tpu.dma_semaphore, #tpu.memory_space<semaphore_mem>>)
    %get3A_1046 = arith.constant 1520 : index
    %get3A_1047 = tpu.vector_load %arg5[%get3A_1046] {strides = array<i32>} : memref<6400xi32, #tpu.memory_space<vmem>>, vector<16xi32>,
    %get3A_1048 = vector.shape_cast %get3A_1047 : vector<16xi32> to vector<16xi32>
    %dma_start3A_1049 = arith.constant 11 : i32
    %dma_start3A_1050 = arith.constant 112 : i32
    %dma_start3A_1051 = arith.constant 0 : i32
    %dma_start3A_1052 = tpu.memref_slice %arg6[%dma_start3A_1049, %dma_start3A_1050, %dma_start3A_1051] : memref<12x128x64xf32, #tpu.memory_space<vmem>> -> memref<1x16x64xf32, #tpu.memory_space<vmem>>
    %dma_start3A_1053 = tpu.memref_squeeze %dma_start3A_1052 : memref<1x16x64xf32, #tpu.memory_space<vmem>> -> memref<16x64xf32, #tpu.memory_space<vmem>>
    %dma_start3A_1054 = arith.constant 0 : i32
    %dma_start3A_1055 = arith.constant 0 : i32
    %dma_start3A_1056 = tpu.memref_slice %arg3[%dma_start3A_1054, %dma_start3A_1055] : memref<1000000x64xf32, #tpu.memory_space<hbm>> -> memref<1000000x64xf32, #tpu.memory_space<hbm>>
    tpu.enqueue_indirect_dma source(%dma_start3A_1056 : memref<1000000x64xf32, #tpu.memory_space<hbm>>) target(%dma_start3A_1053 : memref<16x64xf32, #tpu.memory_space<vmem>>) offsets(%get3A_1048 : vector<16xi32>) semaphore(%arg7 : memref<!tpu.dma_semaphore, #tpu.memory_space<semaphore_mem>>)
    %scan3A = arith.constant 0 : i32
    %scan3A_1057 = arith.constant 0 : i32
    %scan3A_1058 = arith.constant 50 : i32
    %scan3A_1059 = arith.addi %scan3A_1057, %scan3A_1058 : i32
    %scan3A_1060 = arith.constant 1 : i32
    scf.for %scan3A_1217 = %scan3A_1057 to %scan3A_1059 step %scan3A_1060  : i32 {
      %rem3A = arith.constant 12 : i32
      %rem3A_1218 = arith.remsi %scan3A_1217, %rem3A : i32
      %dma_wait3A_1219 = arith.constant 0 : i32
      %dma_wait3A_1220 = arith.constant 0 : i32
      %dma_wait3A_1221 = tpu.memref_slice %arg6[%rem3A_1218, %dma_wait3A_1219, %dma_wait3A_1220] : memref<12x128x64xf32, #tpu.memory_space<vmem>> -> memref<1x128x64xf32, #tpu.memory_space<vmem>>
      %dma_wait3A_1222 = tpu.memref_squeeze %dma_wait3A_1221 : memref<1x128x64xf32, #tpu.memory_space<vmem>> -> memref<128x64xf32, #tpu.memory_space<vmem>>
      %dma_wait3A_1223 = arith.constant 0 : i32
      %dma_wait3A_1224 = arith.constant 0 : i32
      %dma_wait3A_1225 = tpu.memref_slice %arg3[%dma_wait3A_1223, %dma_wait3A_1224] : memref<1000000x64xf32, #tpu.memory_space<hbm>> -> memref<128x64xf32, #tpu.memory_space<hbm>>
      %dma_wait3A_1226 = arith.constant 0 : i32
      %dma_wait3A_1227 = arith.constant 0 : i32
      %dma_wait3A_1228 = tpu.memref_slice %arg6[%rem3A_1218, %dma_wait3A_1226, %dma_wait3A_1227] : memref<12x128x64xf32, #tpu.memory_space<vmem>> -> memref<1x128x64xf32, #tpu.memory_space<vmem>>
      %dma_wait3A_1229 = tpu.memref_squeeze %dma_wait3A_1228 : memref<1x128x64xf32, #tpu.memory_space<vmem>> -> memref<128x64xf32, #tpu.memory_space<vmem>>
      %dma_wait3A_1230 = arith.constant 0 : i32
      %dma_wait3A_1231 = arith.constant 0 : i32
      %dma_wait3A_1232 = tpu.memref_slice %arg3[%dma_wait3A_1230, %dma_wait3A_1231] : memref<1000000x64xf32, #tpu.memory_space<hbm>> -> memref<128x64xf32, #tpu.memory_space<hbm>>
      tpu.wait_dma2 semaphore(%arg7 : memref<!tpu.dma_semaphore, #tpu.memory_space<semaphore_mem>>) src(%dma_wait3A_1232 : memref<128x64xf32, #tpu.memory_space<hbm>>) dst(%dma_wait3A_1229 : memref<128x64xf32, #tpu.memory_space<vmem>>)
      %mul3A_1233 = arith.constant 128 : i32
      %mul3A_1234 = arith.muli %scan3A_1217, %mul3A_1233 : i32
      %add3A_1235 = arith.addi %mul3A_2, %mul3A_1234 : i32
      %dma_start3A_1236 = arith.constant 0 : i32
      %dma_start3A_1237 = arith.constant 0 : i32
      %dma_start3A_1238 = tpu.memref_slice %arg6[%rem3A_1218, %dma_start3A_1236, %dma_start3A_1237] : memref<12x128x64xf32, #tpu.memory_space<vmem>> -> memref<1x128x64xf32, #tpu.memory_space<vmem>>
      %dma_start3A_1239 = tpu.memref_squeeze %dma_start3A_1238 : memref<1x128x64xf32, #tpu.memory_space<vmem>> -> memref<128x64xf32, #tpu.memory_space<vmem>>
      %dma_start3A_1240 = arith.constant 0 : i32
      %dma_start3A_1241 = tpu.memref_slice %arg4[%add3A_1235, %dma_start3A_1240] : memref<204800x64xf32, #tpu.memory_space<hbm>> -> memref<128x64xf32, #tpu.memory_space<hbm>>
      %dma_start3A_1242 = arith.constant 0 : i32
      %dma_start3A_1243 = tpu.memref_slice %arg4[%add3A_1235, %dma_start3A_1242] : memref<204800x64xf32, #tpu.memory_space<hbm>> -> memref<128x64xf32, #tpu.memory_space<hbm>>
      %dma_start3A_1244 = arith.constant 0 : i32
      %dma_start3A_1245 = arith.constant 0 : i32
      %dma_start3A_1246 = tpu.memref_slice %arg6[%rem3A_1218, %dma_start3A_1244, %dma_start3A_1245] : memref<12x128x64xf32, #tpu.memory_space<vmem>> -> memref<1x128x64xf32, #tpu.memory_space<vmem>>
      %dma_start3A_1247 = tpu.memref_squeeze %dma_start3A_1246 : memref<1x128x64xf32, #tpu.memory_space<vmem>> -> memref<128x64xf32, #tpu.memory_space<vmem>>
      tpu.enqueue_dma source(%dma_start3A_1247 : memref<128x64xf32, #tpu.memory_space<vmem>>) target(%dma_start3A_1243 : memref<128x64xf32, #tpu.memory_space<hbm>>) target_semaphore(%arg8 : memref<!tpu.dma_semaphore, #tpu.memory_space<semaphore_mem>>)
      %ge3A = arith.constant 3 : i32
      %ge3A_1248 = arith.cmpi sge, %scan3A_1217, %ge3A : i32
      %le3A = arith.constant 40 : i32
      %le3A_1249 = arith.cmpi sle, %scan3A_1217, %le3A : i32
      %and3A = arith.andi %ge3A_1248, %le3A_1249 : i1
      %convert_element_type3A = arith.extui %and3A : i1 to i32
      %cond3A = arith.constant 0 : i32
      %cond3A_1250 = arith.cmpi ne, %convert_element_type3A, %cond3A : i32
      scf.if %cond3A_1250 {
        %dma_wait3A_1251 = arith.constant 0 : i32
        %dma_wait3A_1252 = arith.constant 0 : i32
        %dma_wait3A_1253 = tpu.memref_slice %arg6[%rem3A_1218, %dma_wait3A_1251, %dma_wait3A_1252] : memref<12x128x64xf32, #tpu.memory_space<vmem>> -> memref<1x128x64xf32, #tpu.memory_space<vmem>>
        %dma_wait3A_1254 = tpu.memref_squeeze %dma_wait3A_1253 : memref<1x128x64xf32, #tpu.memory_space<vmem>> -> memref<128x64xf32, #tpu.memory_space<vmem>>
        %dma_wait3A_1255 = arith.constant 0 : i32
        %dma_wait3A_1256 = tpu.memref_slice %arg4[%mul3A_2, %dma_wait3A_1255] : memref<204800x64xf32, #tpu.memory_space<hbm>> -> memref<128x64xf32, #tpu.memory_space<hbm>>
        %dma_wait3A_1257 = arith.constant 0 : i32
        %dma_wait3A_1258 = tpu.memref_slice %arg4[%mul3A_2, %dma_wait3A_1257] : memref<204800x64xf32, #tpu.memory_space<hbm>> -> memref<128x64xf32, #tpu.memory_space<hbm>>
        %dma_wait3A_1259 = arith.constant 0 : i32
        %dma_wait3A_1260 = arith.constant 0 : i32
        %dma_wait3A_1261 = tpu.memref_slice %arg6[%rem3A_1218, %dma_wait3A_1259, %dma_wait3A_1260] : memref<12x128x64xf32, #tpu.memory_space<vmem>> -> memref<1x128x64xf32, #tpu.memory_space<vmem>>
        %dma_wait3A_1262 = tpu.memref_squeeze %dma_wait3A_1261 : memref<1x128x64xf32, #tpu.memory_space<vmem>> -> memref<128x64xf32, #tpu.memory_space<vmem>>
        tpu.wait_dma2 semaphore(%arg8 : memref<!tpu.dma_semaphore, #tpu.memory_space<semaphore_mem>>) src(%dma_wait3A_1262 : memref<128x64xf32, #tpu.memory_space<vmem>>) dst(%dma_wait3A_1258 : memref<128x64xf32, #tpu.memory_space<hbm>>)
        %sub3A = arith.constant 3 : i32
        %sub3A_1263 = arith.subi %scan3A_1217, %sub3A : i32
        %add3A_1264 = arith.constant 12 : i32
        %add3A_1265 = arith.addi %sub3A_1263, %add3A_1264 : i32
        %rem3A_1266 = arith.constant 12 : i32
        %rem3A_1267 = arith.remsi %add3A_1265, %rem3A_1266 : i32
        %mul3A_1268 = arith.constant 128 : i32
        %mul3A_1269 = arith.muli %add3A_1265, %mul3A_1268 : i32
        %add3A_1270 = arith.constant 0 : i32
        %add3A_1271 = arith.addi %mul3A_1269, %add3A_1270 : i32
        %get3A_1272 = arith.index_cast %add3A_1271 : i32 to index
        %get3A_1273 = tpu.vector_load %arg5[%get3A_1272] {strides = array<i32>} : memref<6400xi32, #tpu.memory_space<vmem>>, vector<16xi32>,
        %get3A_1274 = vector.shape_cast %get3A_1273 : vector<16xi32> to vector<16xi32>
        %dma_start3A_1275 = arith.constant 0 : i32
        %dma_start3A_1276 = arith.constant 0 : i32
        %dma_start3A_1277 = tpu.memref_slice %arg6[%rem3A_1267, %dma_start3A_1275, %dma_start3A_1276] : memref<12x128x64xf32, #tpu.memory_space<vmem>> -> memref<1x16x64xf32, #tpu.memory_space<vmem>>
        %dma_start3A_1278 = tpu.memref_squeeze %dma_start3A_1277 : memref<1x16x64xf32, #tpu.memory_space<vmem>> -> memref<16x64xf32, #tpu.memory_space<vmem>>
        %dma_start3A_1279 = arith.constant 0 : i32
        %dma_start3A_1280 = arith.constant 0 : i32
        %dma_start3A_1281 = tpu.memref_slice %arg3[%dma_start3A_1279, %dma_start3A_1280] : memref<1000000x64xf32, #tpu.memory_space<hbm>> -> memref<1000000x64xf32, #tpu.memory_space<hbm>>
        tpu.enqueue_indirect_dma source(%dma_start3A_1281 : memref<1000000x64xf32, #tpu.memory_space<hbm>>) target(%dma_start3A_1278 : memref<16x64xf32, #tpu.memory_space<vmem>>) offsets(%get3A_1274 : vector<16xi32>) semaphore(%arg7 : memref<!tpu.dma_semaphore, #tpu.memory_space<semaphore_mem>>)
        %mul3A_1282 = arith.constant 128 : i32
        %mul3A_1283 = arith.muli %add3A_1265, %mul3A_1282 : i32
        %add3A_1284 = arith.constant 16 : i32
        %add3A_1285 = arith.addi %mul3A_1283, %add3A_1284 : i32
        %get3A_1286 = arith.index_cast %add3A_1285 : i32 to index
        %get3A_1287 = tpu.vector_load %arg5[%get3A_1286] {strides = array<i32>} : memref<6400xi32, #tpu.memory_space<vmem>>, vector<16xi32>,
        %get3A_1288 = vector.shape_cast %get3A_1287 : vector<16xi32> to vector<16xi32>
        %dma_start3A_1289 = arith.constant 16 : i32
        %dma_start3A_1290 = arith.constant 0 : i32
        %dma_start3A_1291 = tpu.memref_slice %arg6[%rem3A_1267, %dma_start3A_1289, %dma_start3A_1290] : memref<12x128x64xf32, #tpu.memory_space<vmem>> -> memref<1x16x64xf32, #tpu.memory_space<vmem>>
        %dma_start3A_1292 = tpu.memref_squeeze %dma_start3A_1291 : memref<1x16x64xf32, #tpu.memory_space<vmem>> -> memref<16x64xf32, #tpu.memory_space<vmem>>
        %dma_start3A_1293 = arith.constant 0 : i32
        %dma_start3A_1294 = arith.constant 0 : i32
        %dma_start3A_1295 = tpu.memref_slice %arg3[%dma_start3A_1293, %dma_start3A_1294] : memref<1000000x64xf32, #tpu.memory_space<hbm>> -> memref<1000000x64xf32, #tpu.memory_space<hbm>>
        tpu.enqueue_indirect_dma source(%dma_start3A_1295 : memref<1000000x64xf32, #tpu.memory_space<hbm>>) target(%dma_start3A_1292 : memref<16x64xf32, #tpu.memory_space<vmem>>) offsets(%get3A_1288 : vector<16xi32>) semaphore(%arg7 : memref<!tpu.dma_semaphore, #tpu.memory_space<semaphore_mem>>)
        %mul3A_1296 = arith.constant 128 : i32
        %mul3A_1297 = arith.muli %add3A_1265, %mul3A_1296 : i32
        %add3A_1298 = arith.constant 32 : i32
        %add3A_1299 = arith.addi %mul3A_1297, %add3A_1298 : i32
        %get3A_1300 = arith.index_cast %add3A_1299 : i32 to index
        %get3A_1301 = tpu.vector_load %arg5[%get3A_1300] {strides = array<i32>} : memref<6400xi32, #tpu.memory_space<vmem>>, vector<16xi32>,
        %get3A_1302 = vector.shape_cast %get3A_1301 : vector<16xi32> to vector<16xi32>
        %dma_start3A_1303 = arith.constant 32 : i32
        %dma_start3A_1304 = arith.constant 0 : i32
        %dma_start3A_1305 = tpu.memref_slice %arg6[%rem3A_1267, %dma_start3A_1303, %dma_start3A_1304] : memref<12x128x64xf32, #tpu.memory_space<vmem>> -> memref<1x16x64xf32, #tpu.memory_space<vmem>>
        %dma_start3A_1306 = tpu.memref_squeeze %dma_start3A_1305 : memref<1x16x64xf32, #tpu.memory_space<vmem>> -> memref<16x64xf32, #tpu.memory_space<vmem>>
        %dma_start3A_1307 = arith.constant 0 : i32
        %dma_start3A_1308 = arith.constant 0 : i32
        %dma_start3A_1309 = tpu.memref_slice %arg3[%dma_start3A_1307, %dma_start3A_1308] : memref<1000000x64xf32, #tpu.memory_space<hbm>> -> memref<1000000x64xf32, #tpu.memory_space<hbm>>
        tpu.enqueue_indirect_dma source(%dma_start3A_1309 : memref<1000000x64xf32, #tpu.memory_space<hbm>>) target(%dma_start3A_1306 : memref<16x64xf32, #tpu.memory_space<vmem>>) offsets(%get3A_1302 : vector<16xi32>) semaphore(%arg7 : memref<!tpu.dma_semaphore, #tpu.memory_space<semaphore_mem>>)
        %mul3A_1310 = arith.constant 128 : i32
        %mul3A_1311 = arith.muli %add3A_1265, %mul3A_1310 : i32
        %add3A_1312 = arith.constant 48 : i32
        %add3A_1313 = arith.addi %mul3A_1311, %add3A_1312 : i32
        %get3A_1314 = arith.index_cast %add3A_1313 : i32 to index
        %get3A_1315 = tpu.vector_load %arg5[%get3A_1314] {strides = array<i32>} : memref<6400xi32, #tpu.memory_space<vmem>>, vector<16xi32>,
        %get3A_1316 = vector.shape_cast %get3A_1315 : vector<16xi32> to vector<16xi32>
        %dma_start3A_1317 = arith.constant 48 : i32
        %dma_start3A_1318 = arith.constant 0 : i32
        %dma_start3A_1319 = tpu.memref_slice %arg6[%rem3A_1267, %dma_start3A_1317, %dma_start3A_1318] : memref<12x128x64xf32, #tpu.memory_space<vmem>> -> memref<1x16x64xf32, #tpu.memory_space<vmem>>
        %dma_start3A_1320 = tpu.memref_squeeze %dma_start3A_1319 : memref<1x16x64xf32, #tpu.memory_space<vmem>> -> memref<16x64xf32, #tpu.memory_space<vmem>>
        %dma_start3A_1321 = arith.constant 0 : i32
        %dma_start3A_1322 = arith.constant 0 : i32
        %dma_start3A_1323 = tpu.memref_slice %arg3[%dma_start3A_1321, %dma_start3A_1322] : memref<1000000x64xf32, #tpu.memory_space<hbm>> -> memref<1000000x64xf32, #tpu.memory_space<hbm>>
        tpu.enqueue_indirect_dma source(%dma_start3A_1323 : memref<1000000x64xf32, #tpu.memory_space<hbm>>) target(%dma_start3A_1320 : memref<16x64xf32, #tpu.memory_space<vmem>>) offsets(%get3A_1316 : vector<16xi32>) semaphore(%arg7 : memref<!tpu.dma_semaphore, #tpu.memory_space<semaphore_mem>>)
        %mul3A_1324 = arith.constant 128 : i32
        %mul3A_1325 = arith.muli %add3A_1265, %mul3A_1324 : i32
        %add3A_1326 = arith.constant 64 : i32
        %add3A_1327 = arith.addi %mul3A_1325, %add3A_1326 : i32
        %get3A_1328 = arith.index_cast %add3A_1327 : i32 to index
        %get3A_1329 = tpu.vector_load %arg5[%get3A_1328] {strides = array<i32>} : memref<6400xi32, #tpu.memory_space<vmem>>, vector<16xi32>,
        %get3A_1330 = vector.shape_cast %get3A_1329 : vector<16xi32> to vector<16xi32>
        %dma_start3A_1331 = arith.constant 64 : i32
        %dma_start3A_1332 = arith.constant 0 : i32
        %dma_start3A_1333 = tpu.memref_slice %arg6[%rem3A_1267, %dma_start3A_1331, %dma_start3A_1332] : memref<12x128x64xf32, #tpu.memory_space<vmem>> -> memref<1x16x64xf32, #tpu.memory_space<vmem>>
        %dma_start3A_1334 = tpu.memref_squeeze %dma_start3A_1333 : memref<1x16x64xf32, #tpu.memory_space<vmem>> -> memref<16x64xf32, #tpu.memory_space<vmem>>
        %dma_start3A_1335 = arith.constant 0 : i32
        %dma_start3A_1336 = arith.constant 0 : i32
        %dma_start3A_1337 = tpu.memref_slice %arg3[%dma_start3A_1335, %dma_start3A_1336] : memref<1000000x64xf32, #tpu.memory_space<hbm>> -> memref<1000000x64xf32, #tpu.memory_space<hbm>>
        tpu.enqueue_indirect_dma source(%dma_start3A_1337 : memref<1000000x64xf32, #tpu.memory_space<hbm>>) target(%dma_start3A_1334 : memref<16x64xf32, #tpu.memory_space<vmem>>) offsets(%get3A_1330 : vector<16xi32>) semaphore(%arg7 : memref<!tpu.dma_semaphore, #tpu.memory_space<semaphore_mem>>)
        %mul3A_1338 = arith.constant 128 : i32
        %mul3A_1339 = arith.muli %add3A_1265, %mul3A_1338 : i32
        %add3A_1340 = arith.constant 80 : i32
        %add3A_1341 = arith.addi %mul3A_1339, %add3A_1340 : i32
        %get3A_1342 = arith.index_cast %add3A_1341 : i32 to index
        %get3A_1343 = tpu.vector_load %arg5[%get3A_1342] {strides = array<i32>} : memref<6400xi32, #tpu.memory_space<vmem>>, vector<16xi32>,
        %get3A_1344 = vector.shape_cast %get3A_1343 : vector<16xi32> to vector<16xi32>
        %dma_start3A_1345 = arith.constant 80 : i32
        %dma_start3A_1346 = arith.constant 0 : i32
        %dma_start3A_1347 = tpu.memref_slice %arg6[%rem3A_1267, %dma_start3A_1345, %dma_start3A_1346] : memref<12x128x64xf32, #tpu.memory_space<vmem>> -> memref<1x16x64xf32, #tpu.memory_space<vmem>>
        %dma_start3A_1348 = tpu.memref_squeeze %dma_start3A_1347 : memref<1x16x64xf32, #tpu.memory_space<vmem>> -> memref<16x64xf32, #tpu.memory_space<vmem>>
        %dma_start3A_1349 = arith.constant 0 : i32
        %dma_start3A_1350 = arith.constant 0 : i32
        %dma_start3A_1351 = tpu.memref_slice %arg3[%dma_start3A_1349, %dma_start3A_1350] : memref<1000000x64xf32, #tpu.memory_space<hbm>> -> memref<1000000x64xf32, #tpu.memory_space<hbm>>
        tpu.enqueue_indirect_dma source(%dma_start3A_1351 : memref<1000000x64xf32, #tpu.memory_space<hbm>>) target(%dma_start3A_1348 : memref<16x64xf32, #tpu.memory_space<vmem>>) offsets(%get3A_1344 : vector<16xi32>) semaphore(%arg7 : memref<!tpu.dma_semaphore, #tpu.memory_space<semaphore_mem>>)
        %mul3A_1352 = arith.constant 128 : i32
        %mul3A_1353 = arith.muli %add3A_1265, %mul3A_1352 : i32
        %add3A_1354 = arith.constant 96 : i32
        %add3A_1355 = arith.addi %mul3A_1353, %add3A_1354 : i32
        %get3A_1356 = arith.index_cast %add3A_1355 : i32 to index
        %get3A_1357 = tpu.vector_load %arg5[%get3A_1356] {strides = array<i32>} : memref<6400xi32, #tpu.memory_space<vmem>>, vector<16xi32>,
        %get3A_1358 = vector.shape_cast %get3A_1357 : vector<16xi32> to vector<16xi32>
        %dma_start3A_1359 = arith.constant 96 : i32
        %dma_start3A_1360 = arith.constant 0 : i32
        %dma_start3A_1361 = tpu.memref_slice %arg6[%rem3A_1267, %dma_start3A_1359, %dma_start3A_1360] : memref<12x128x64xf32, #tpu.memory_space<vmem>> -> memref<1x16x64xf32, #tpu.memory_space<vmem>>
        %dma_start3A_1362 = tpu.memref_squeeze %dma_start3A_1361 : memref<1x16x64xf32, #tpu.memory_space<vmem>> -> memref<16x64xf32, #tpu.memory_space<vmem>>
        %dma_start3A_1363 = arith.constant 0 : i32
        %dma_start3A_1364 = arith.constant 0 : i32
        %dma_start3A_1365 = tpu.memref_slice %arg3[%dma_start3A_1363, %dma_start3A_1364] : memref<1000000x64xf32, #tpu.memory_space<hbm>> -> memref<1000000x64xf32, #tpu.memory_space<hbm>>
        tpu.enqueue_indirect_dma source(%dma_start3A_1365 : memref<1000000x64xf32, #tpu.memory_space<hbm>>) target(%dma_start3A_1362 : memref<16x64xf32, #tpu.memory_space<vmem>>) offsets(%get3A_1358 : vector<16xi32>) semaphore(%arg7 : memref<!tpu.dma_semaphore, #tpu.memory_space<semaphore_mem>>)
        %mul3A_1366 = arith.constant 128 : i32
        %mul3A_1367 = arith.muli %add3A_1265, %mul3A_1366 : i32
        %add3A_1368 = arith.constant 112 : i32
        %add3A_1369 = arith.addi %mul3A_1367, %add3A_1368 : i32
        %get3A_1370 = arith.index_cast %add3A_1369 : i32 to index
        %get3A_1371 = tpu.vector_load %arg5[%get3A_1370] {strides = array<i32>} : memref<6400xi32, #tpu.memory_space<vmem>>, vector<16xi32>,
        %get3A_1372 = vector.shape_cast %get3A_1371 : vector<16xi32> to vector<16xi32>
        %dma_start3A_1373 = arith.constant 112 : i32
        %dma_start3A_1374 = arith.constant 0 : i32
        %dma_start3A_1375 = tpu.memref_slice %arg6[%rem3A_1267, %dma_start3A_1373, %dma_start3A_1374] : memref<12x128x64xf32, #tpu.memory_space<vmem>> -> memref<1x16x64xf32, #tpu.memory_space<vmem>>
        %dma_start3A_1376 = tpu.memref_squeeze %dma_start3A_1375 : memref<1x16x64xf32, #tpu.memory_space<vmem>> -> memref<16x64xf32, #tpu.memory_space<vmem>>
        %dma_start3A_1377 = arith.constant 0 : i32
        %dma_start3A_1378 = arith.constant 0 : i32
        %dma_start3A_1379 = tpu.memref_slice %arg3[%dma_start3A_1377, %dma_start3A_1378] : memref<1000000x64xf32, #tpu.memory_space<hbm>> -> memref<1000000x64xf32, #tpu.memory_space<hbm>>
        tpu.enqueue_indirect_dma source(%dma_start3A_1379 : memref<1000000x64xf32, #tpu.memory_space<hbm>>) target(%dma_start3A_1376 : memref<16x64xf32, #tpu.memory_space<vmem>>) offsets(%get3A_1372 : vector<16xi32>) semaphore(%arg7 : memref<!tpu.dma_semaphore, #tpu.memory_space<semaphore_mem>>)
      } else {
      }
    }
    %scan3A_1061 = arith.constant 50 : i32
    %dma_wait3A = arith.constant 0 : i32
    %dma_wait3A_1062 = arith.constant 0 : i32
    %dma_wait3A_1063 = arith.constant 0 : i32
    %dma_wait3A_1064 = tpu.memref_slice %arg6[%dma_wait3A, %dma_wait3A_1062, %dma_wait3A_1063] : memref<12x128x64xf32, #tpu.memory_space<vmem>> -> memref<1x128x64xf32, #tpu.memory_space<vmem>>
    %dma_wait3A_1065 = tpu.memref_squeeze %dma_wait3A_1064 : memref<1x128x64xf32, #tpu.memory_space<vmem>> -> memref<128x64xf32, #tpu.memory_space<vmem>>
    %dma_wait3A_1066 = arith.constant 0 : i32
    %dma_wait3A_1067 = tpu.memref_slice %arg4[%mul3A_2, %dma_wait3A_1066] : memref<204800x64xf32, #tpu.memory_space<hbm>> -> memref<128x64xf32, #tpu.memory_space<hbm>>
    %dma_wait3A_1068 = arith.constant 0 : i32
    %dma_wait3A_1069 = tpu.memref_slice %arg4[%mul3A_2, %dma_wait3A_1068] : memref<204800x64xf32, #tpu.memory_space<hbm>> -> memref<128x64xf32, #tpu.memory_space<hbm>>
    %dma_wait3A_1070 = arith.constant 0 : i32
    %dma_wait3A_1071 = arith.constant 0 : i32
    %dma_wait3A_1072 = tpu.memref_slice %arg6[%dma_wait3A, %dma_wait3A_1070, %dma_wait3A_1071] : memref<12x128x64xf32, #tpu.memory_space<vmem>> -> memref<1x128x64xf32, #tpu.memory_space<vmem>>
    %dma_wait3A_1073 = tpu.memref_squeeze %dma_wait3A_1072 : memref<1x128x64xf32, #tpu.memory_space<vmem>> -> memref<128x64xf32, #tpu.memory_space<vmem>>
    tpu.wait_dma2 semaphore(%arg8 : memref<!tpu.dma_semaphore, #tpu.memory_space<semaphore_mem>>) src(%dma_wait3A_1073 : memref<128x64xf32, #tpu.memory_space<vmem>>) dst(%dma_wait3A_1069 : memref<128x64xf32, #tpu.memory_space<hbm>>)
    %dma_wait3A_1074 = arith.constant 0 : i32
    %dma_wait3A_1075 = arith.constant 0 : i32
    %dma_wait3A_1076 = arith.constant 0 : i32
    %dma_wait3A_1077 = tpu.memref_slice %arg6[%dma_wait3A_1074, %dma_wait3A_1075, %dma_wait3A_1076] : memref<12x128x64xf32, #tpu.memory_space<vmem>> -> memref<1x128x64xf32, #tpu.memory_space<vmem>>
    %dma_wait3A_1078 = tpu.memref_squeeze %dma_wait3A_1077 : memref<1x128x64xf32, #tpu.memory_space<vmem>> -> memref<128x64xf32, #tpu.memory_space<vmem>>
    %dma_wait3A_1079 = arith.constant 0 : i32
    %dma_wait3A_1080 = tpu.memref_slice %arg4[%mul3A_2, %dma_wait3A_1079] : memref<204800x64xf32, #tpu.memory_space<hbm>> -> memref<128x64xf32, #tpu.memory_space<hbm>>
    %dma_wait3A_1081 = arith.constant 0 : i32
    %dma_wait3A_1082 = tpu.memref_slice %arg4[%mul3A_2, %dma_wait3A_1081] : memref<204800x64xf32, #tpu.memory_space<hbm>> -> memref<128x64xf32, #tpu.memory_space<hbm>>
    %dma_wait3A_1083 = arith.constant 0 : i32
    %dma_wait3A_1084 = arith.constant 0 : i32
    %dma_wait3A_1085 = tpu.memref_slice %arg6[%dma_wait3A_1074, %dma_wait3A_1083, %dma_wait3A_1084] : memref<12x128x64xf32, #tpu.memory_space<vmem>> -> memref<1x128x64xf32, #tpu.memory_space<vmem>>
    %dma_wait3A_1086 = tpu.memref_squeeze %dma_wait3A_1085 : memref<1x128x64xf32, #tpu.memory_space<vmem>> -> memref<128x64xf32, #tpu.memory_space<vmem>>
    tpu.wait_dma2 semaphore(%arg8 : memref<!tpu.dma_semaphore, #tpu.memory_space<semaphore_mem>>) src(%dma_wait3A_1086 : memref<128x64xf32, #tpu.memory_space<vmem>>) dst(%dma_wait3A_1082 : memref<128x64xf32, #tpu.memory_space<hbm>>)
    %dma_wait3A_1087 = arith.constant 0 : i32
    %dma_wait3A_1088 = arith.constant 0 : i32
    %dma_wait3A_1089 = arith.constant 0 : i32
    %dma_wait3A_1090 = tpu.memref_slice %arg6[%dma_wait3A_1087, %dma_wait3A_1088, %dma_wait3A_1089] : memref<12x128x64xf32, #tpu.memory_space<vmem>> -> memref<1x128x64xf32, #tpu.memory_space<vmem>>
    %dma_wait3A_1091 = tpu.memref_squeeze %dma_wait3A_1090 : memref<1x128x64xf32, #tpu.memory_space<vmem>> -> memref<128x64xf32, #tpu.memory_space<vmem>>
    %dma_wait3A_1092 = arith.constant 0 : i32
    %dma_wait3A_1093 = tpu.memref_slice %arg4[%mul3A_2, %dma_wait3A_1092] : memref<204800x64xf32, #tpu.memory_space<hbm>> -> memref<128x64xf32, #tpu.memory_space<hbm>>
    %dma_wait3A_1094 = arith.constant 0 : i32
    %dma_wait3A_1095 = tpu.memref_slice %arg4[%mul3A_2, %dma_wait3A_1094] : memref<204800x64xf32, #tpu.memory_space<hbm>> -> memref<128x64xf32, #tpu.memory_space<hbm>>
    %dma_wait3A_1096 = arith.constant 0 : i32
    %dma_wait3A_1097 = arith.constant 0 : i32
    %dma_wait3A_1098 = tpu.memref_slice %arg6[%dma_wait3A_1087, %dma_wait3A_1096, %dma_wait3A_1097] : memref<12x128x64xf32, #tpu.memory_space<vmem>> -> memref<1x128x64xf32, #tpu.memory_space<vmem>>
    %dma_wait3A_1099 = tpu.memref_squeeze %dma_wait3A_1098 : memref<1x128x64xf32, #tpu.memory_space<vmem>> -> memref<128x64xf32, #tpu.memory_space<vmem>>
    tpu.wait_dma2 semaphore(%arg8 : memref<!tpu.dma_semaphore, #tpu.memory_space<semaphore_mem>>) src(%dma_wait3A_1099 : memref<128x64xf32, #tpu.memory_space<vmem>>) dst(%dma_wait3A_1095 : memref<128x64xf32, #tpu.memory_space<hbm>>)
    %dma_wait3A_1100 = arith.constant 0 : i32
    %dma_wait3A_1101 = arith.constant 0 : i32
    %dma_wait3A_1102 = arith.constant 0 : i32
    %dma_wait3A_1103 = tpu.memref_slice %arg6[%dma_wait3A_1100, %dma_wait3A_1101, %dma_wait3A_1102] : memref<12x128x64xf32, #tpu.memory_space<vmem>> -> memref<1x128x64xf32, #tpu.memory_space<vmem>>
    %dma_wait3A_1104 = tpu.memref_squeeze %dma_wait3A_1103 : memref<1x128x64xf32, #tpu.memory_space<vmem>> -> memref<128x64xf32, #tpu.memory_space<vmem>>
    %dma_wait3A_1105 = arith.constant 0 : i32
    %dma_wait3A_1106 = tpu.memref_slice %arg4[%mul3A_2, %dma_wait3A_1105] : memref<204800x64xf32, #tpu.memory_space<hbm>> -> memref<128x64xf32, #tpu.memory_space<hbm>>
    %dma_wait3A_1107 = arith.constant 0 : i32
    %dma_wait3A_1108 = tpu.memref_slice %arg4[%mul3A_2, %dma_wait3A_1107] : memref<204800x64xf32, #tpu.memory_space<hbm>> -> memref<128x64xf32, #tpu.memory_space<hbm>>
    %dma_wait3A_1109 = arith.constant 0 : i32
    %dma_wait3A_1110 = arith.constant 0 : i32
    %dma_wait3A_1111 = tpu.memref_slice %arg6[%dma_wait3A_1100, %dma_wait3A_1109, %dma_wait3A_1110] : memref<12x128x64xf32, #tpu.memory_space<vmem>> -> memref<1x128x64xf32, #tpu.memory_space<vmem>>
    %dma_wait3A_1112 = tpu.memref_squeeze %dma_wait3A_1111 : memref<1x128x64xf32, #tpu.memory_space<vmem>> -> memref<128x64xf32, #tpu.memory_space<vmem>>
    tpu.wait_dma2 semaphore(%arg8 : memref<!tpu.dma_semaphore, #tpu.memory_space<semaphore_mem>>) src(%dma_wait3A_1112 : memref<128x64xf32, #tpu.memory_space<vmem>>) dst(%dma_wait3A_1108 : memref<128x64xf32, #tpu.memory_space<hbm>>)
    %dma_wait3A_1113 = arith.constant 0 : i32
    %dma_wait3A_1114 = arith.constant 0 : i32
    %dma_wait3A_1115 = arith.constant 0 : i32
    %dma_wait3A_1116 = tpu.memref_slice %arg6[%dma_wait3A_1113, %dma_wait3A_1114, %dma_wait3A_1115] : memref<12x128x64xf32, #tpu.memory_space<vmem>> -> memref<1x128x64xf32, #tpu.memory_space<vmem>>
    %dma_wait3A_1117 = tpu.memref_squeeze %dma_wait3A_1116 : memref<1x128x64xf32, #tpu.memory_space<vmem>> -> memref<128x64xf32, #tpu.memory_space<vmem>>
    %dma_wait3A_1118 = arith.constant 0 : i32
    %dma_wait3A_1119 = tpu.memref_slice %arg4[%mul3A_2, %dma_wait3A_1118] : memref<204800x64xf32, #tpu.memory_space<hbm>> -> memref<128x64xf32, #tpu.memory_space<hbm>>
    %dma_wait3A_1120 = arith.constant 0 : i32
    %dma_wait3A_1121 = tpu.memref_slice %arg4[%mul3A_2, %dma_wait3A_1120] : memref<204800x64xf32, #tpu.memory_space<hbm>> -> memref<128x64xf32, #tpu.memory_space<hbm>>
    %dma_wait3A_1122 = arith.constant 0 : i32
    %dma_wait3A_1123 = arith.constant 0 : i32
    %dma_wait3A_1124 = tpu.memref_slice %arg6[%dma_wait3A_1113, %dma_wait3A_1122, %dma_wait3A_1123] : memref<12x128x64xf32, #tpu.memory_space<vmem>> -> memref<1x128x64xf32, #tpu.memory_space<vmem>>
    %dma_wait3A_1125 = tpu.memref_squeeze %dma_wait3A_1124 : memref<1x128x64xf32, #tpu.memory_space<vmem>> -> memref<128x64xf32, #tpu.memory_space<vmem>>
    tpu.wait_dma2 semaphore(%arg8 : memref<!tpu.dma_semaphore, #tpu.memory_space<semaphore_mem>>) src(%dma_wait3A_1125 : memref<128x64xf32, #tpu.memory_space<vmem>>) dst(%dma_wait3A_1121 : memref<128x64xf32, #tpu.memory_space<hbm>>)
    %dma_wait3A_1126 = arith.constant 0 : i32
    %dma_wait3A_1127 = arith.constant 0 : i32
    %dma_wait3A_1128 = arith.constant 0 : i32
    %dma_wait3A_1129 = tpu.memref_slice %arg6[%dma_wait3A_1126, %dma_wait3A_1127, %dma_wait3A_1128] : memref<12x128x64xf32, #tpu.memory_space<vmem>> -> memref<1x128x64xf32, #tpu.memory_space<vmem>>
    %dma_wait3A_1130 = tpu.memref_squeeze %dma_wait3A_1129 : memref<1x128x64xf32, #tpu.memory_space<vmem>> -> memref<128x64xf32, #tpu.memory_space<vmem>>
    %dma_wait3A_1131 = arith.constant 0 : i32
    %dma_wait3A_1132 = tpu.memref_slice %arg4[%mul3A_2, %dma_wait3A_1131] : memref<204800x64xf32, #tpu.memory_space<hbm>> -> memref<128x64xf32, #tpu.memory_space<hbm>>
    %dma_wait3A_1133 = arith.constant 0 : i32
    %dma_wait3A_1134 = tpu.memref_slice %arg4[%mul3A_2, %dma_wait3A_1133] : memref<204800x64xf32, #tpu.memory_space<hbm>> -> memref<128x64xf32, #tpu.memory_space<hbm>>
    %dma_wait3A_1135 = arith.constant 0 : i32
    %dma_wait3A_1136 = arith.constant 0 : i32
    %dma_wait3A_1137 = tpu.memref_slice %arg6[%dma_wait3A_1126, %dma_wait3A_1135, %dma_wait3A_1136] : memref<12x128x64xf32, #tpu.memory_space<vmem>> -> memref<1x128x64xf32, #tpu.memory_space<vmem>>
    %dma_wait3A_1138 = tpu.memref_squeeze %dma_wait3A_1137 : memref<1x128x64xf32, #tpu.memory_space<vmem>> -> memref<128x64xf32, #tpu.memory_space<vmem>>
    tpu.wait_dma2 semaphore(%arg8 : memref<!tpu.dma_semaphore, #tpu.memory_space<semaphore_mem>>) src(%dma_wait3A_1138 : memref<128x64xf32, #tpu.memory_space<vmem>>) dst(%dma_wait3A_1134 : memref<128x64xf32, #tpu.memory_space<hbm>>)
    %dma_wait3A_1139 = arith.constant 0 : i32
    %dma_wait3A_1140 = arith.constant 0 : i32
    %dma_wait3A_1141 = arith.constant 0 : i32
    %dma_wait3A_1142 = tpu.memref_slice %arg6[%dma_wait3A_1139, %dma_wait3A_1140, %dma_wait3A_1141] : memref<12x128x64xf32, #tpu.memory_space<vmem>> -> memref<1x128x64xf32, #tpu.memory_space<vmem>>
    %dma_wait3A_1143 = tpu.memref_squeeze %dma_wait3A_1142 : memref<1x128x64xf32, #tpu.memory_space<vmem>> -> memref<128x64xf32, #tpu.memory_space<vmem>>
    %dma_wait3A_1144 = arith.constant 0 : i32
    %dma_wait3A_1145 = tpu.memref_slice %arg4[%mul3A_2, %dma_wait3A_1144] : memref<204800x64xf32, #tpu.memory_space<hbm>> -> memref<128x64xf32, #tpu.memory_space<hbm>>
    %dma_wait3A_1146 = arith.constant 0 : i32
    %dma_wait3A_1147 = tpu.memref_slice %arg4[%mul3A_2, %dma_wait3A_1146] : memref<204800x64xf32, #tpu.memory_space<hbm>> -> memref<128x64xf32, #tpu.memory_space<hbm>>
    %dma_wait3A_1148 = arith.constant 0 : i32
    %dma_wait3A_1149 = arith.constant 0 : i32
    %dma_wait3A_1150 = tpu.memref_slice %arg6[%dma_wait3A_1139, %dma_wait3A_1148, %dma_wait3A_1149] : memref<12x128x64xf32, #tpu.memory_space<vmem>> -> memref<1x128x64xf32, #tpu.memory_space<vmem>>
    %dma_wait3A_1151 = tpu.memref_squeeze %dma_wait3A_1150 : memref<1x128x64xf32, #tpu.memory_space<vmem>> -> memref<128x64xf32, #tpu.memory_space<vmem>>
    tpu.wait_dma2 semaphore(%arg8 : memref<!tpu.dma_semaphore, #tpu.memory_space<semaphore_mem>>) src(%dma_wait3A_1151 : memref<128x64xf32, #tpu.memory_space<vmem>>) dst(%dma_wait3A_1147 : memref<128x64xf32, #tpu.memory_space<hbm>>)
    %dma_wait3A_1152 = arith.constant 0 : i32
    %dma_wait3A_1153 = arith.constant 0 : i32
    %dma_wait3A_1154 = arith.constant 0 : i32
    %dma_wait3A_1155 = tpu.memref_slice %arg6[%dma_wait3A_1152, %dma_wait3A_1153, %dma_wait3A_1154] : memref<12x128x64xf32, #tpu.memory_space<vmem>> -> memref<1x128x64xf32, #tpu.memory_space<vmem>>
    %dma_wait3A_1156 = tpu.memref_squeeze %dma_wait3A_1155 : memref<1x128x64xf32, #tpu.memory_space<vmem>> -> memref<128x64xf32, #tpu.memory_space<vmem>>
    %dma_wait3A_1157 = arith.constant 0 : i32
    %dma_wait3A_1158 = tpu.memref_slice %arg4[%mul3A_2, %dma_wait3A_1157] : memref<204800x64xf32, #tpu.memory_space<hbm>> -> memref<128x64xf32, #tpu.memory_space<hbm>>
    %dma_wait3A_1159 = arith.constant 0 : i32
    %dma_wait3A_1160 = tpu.memref_slice %arg4[%mul3A_2, %dma_wait3A_1159] : memref<204800x64xf32, #tpu.memory_space<hbm>> -> memref<128x64xf32, #tpu.memory_space<hbm>>
    %dma_wait3A_1161 = arith.constant 0 : i32
    %dma_wait3A_1162 = arith.constant 0 : i32
    %dma_wait3A_1163 = tpu.memref_slice %arg6[%dma_wait3A_1152, %dma_wait3A_1161, %dma_wait3A_1162] : memref<12x128x64xf32, #tpu.memory_space<vmem>> -> memref<1x128x64xf32, #tpu.memory_space<vmem>>
    %dma_wait3A_1164 = tpu.memref_squeeze %dma_wait3A_1163 : memref<1x128x64xf32, #tpu.memory_space<vmem>> -> memref<128x64xf32, #tpu.memory_space<vmem>>
    tpu.wait_dma2 semaphore(%arg8 : memref<!tpu.dma_semaphore, #tpu.memory_space<semaphore_mem>>) src(%dma_wait3A_1164 : memref<128x64xf32, #tpu.memory_space<vmem>>) dst(%dma_wait3A_1160 : memref<128x64xf32, #tpu.memory_space<hbm>>)
    %dma_wait3A_1165 = arith.constant 0 : i32
    %dma_wait3A_1166 = arith.constant 0 : i32
    %dma_wait3A_1167 = arith.constant 0 : i32
    %dma_wait3A_1168 = tpu.memref_slice %arg6[%dma_wait3A_1165, %dma_wait3A_1166, %dma_wait3A_1167] : memref<12x128x64xf32, #tpu.memory_space<vmem>> -> memref<1x128x64xf32, #tpu.memory_space<vmem>>
    %dma_wait3A_1169 = tpu.memref_squeeze %dma_wait3A_1168 : memref<1x128x64xf32, #tpu.memory_space<vmem>> -> memref<128x64xf32, #tpu.memory_space<vmem>>
    %dma_wait3A_1170 = arith.constant 0 : i32
    %dma_wait3A_1171 = tpu.memref_slice %arg4[%mul3A_2, %dma_wait3A_1170] : memref<204800x64xf32, #tpu.memory_space<hbm>> -> memref<128x64xf32, #tpu.memory_space<hbm>>
    %dma_wait3A_1172 = arith.constant 0 : i32
    %dma_wait3A_1173 = tpu.memref_slice %arg4[%mul3A_2, %dma_wait3A_1172] : memref<204800x64xf32, #tpu.memory_space<hbm>> -> memref<128x64xf32, #tpu.memory_space<hbm>>
    %dma_wait3A_1174 = arith.constant 0 : i32
    %dma_wait3A_1175 = arith.constant 0 : i32
    %dma_wait3A_1176 = tpu.memref_slice %arg6[%dma_wait3A_1165, %dma_wait3A_1174, %dma_wait3A_1175] : memref<12x128x64xf32, #tpu.memory_space<vmem>> -> memref<1x128x64xf32, #tpu.memory_space<vmem>>
    %dma_wait3A_1177 = tpu.memref_squeeze %dma_wait3A_1176 : memref<1x128x64xf32, #tpu.memory_space<vmem>> -> memref<128x64xf32, #tpu.memory_space<vmem>>
    tpu.wait_dma2 semaphore(%arg8 : memref<!tpu.dma_semaphore, #tpu.memory_space<semaphore_mem>>) src(%dma_wait3A_1177 : memref<128x64xf32, #tpu.memory_space<vmem>>) dst(%dma_wait3A_1173 : memref<128x64xf32, #tpu.memory_space<hbm>>)
    %dma_wait3A_1178 = arith.constant 0 : i32
    %dma_wait3A_1179 = arith.constant 0 : i32
    %dma_wait3A_1180 = arith.constant 0 : i32
    %dma_wait3A_1181 = tpu.memref_slice %arg6[%dma_wait3A_1178, %dma_wait3A_1179, %dma_wait3A_1180] : memref<12x128x64xf32, #tpu.memory_space<vmem>> -> memref<1x128x64xf32, #tpu.memory_space<vmem>>
    %dma_wait3A_1182 = tpu.memref_squeeze %dma_wait3A_1181 : memref<1x128x64xf32, #tpu.memory_space<vmem>> -> memref<128x64xf32, #tpu.memory_space<vmem>>
    %dma_wait3A_1183 = arith.constant 0 : i32
    %dma_wait3A_1184 = tpu.memref_slice %arg4[%mul3A_2, %dma_wait3A_1183] : memref<204800x64xf32, #tpu.memory_space<hbm>> -> memref<128x64xf32, #tpu.memory_space<hbm>>
    %dma_wait3A_1185 = arith.constant 0 : i32
    %dma_wait3A_1186 = tpu.memref_slice %arg4[%mul3A_2, %dma_wait3A_1185] : memref<204800x64xf32, #tpu.memory_space<hbm>> -> memref<128x64xf32, #tpu.memory_space<hbm>>
    %dma_wait3A_1187 = arith.constant 0 : i32
    %dma_wait3A_1188 = arith.constant 0 : i32
    %dma_wait3A_1189 = tpu.memref_slice %arg6[%dma_wait3A_1178, %dma_wait3A_1187, %dma_wait3A_1188] : memref<12x128x64xf32, #tpu.memory_space<vmem>> -> memref<1x128x64xf32, #tpu.memory_space<vmem>>
    %dma_wait3A_1190 = tpu.memref_squeeze %dma_wait3A_1189 : memref<1x128x64xf32, #tpu.memory_space<vmem>> -> memref<128x64xf32, #tpu.memory_space<vmem>>
    tpu.wait_dma2 semaphore(%arg8 : memref<!tpu.dma_semaphore, #tpu.memory_space<semaphore_mem>>) src(%dma_wait3A_1190 : memref<128x64xf32, #tpu.memory_space<vmem>>) dst(%dma_wait3A_1186 : memref<128x64xf32, #tpu.memory_space<hbm>>)
    %dma_wait3A_1191 = arith.constant 0 : i32
    %dma_wait3A_1192 = arith.constant 0 : i32
    %dma_wait3A_1193 = arith.constant 0 : i32
    %dma_wait3A_1194 = tpu.memref_slice %arg6[%dma_wait3A_1191, %dma_wait3A_1192, %dma_wait3A_1193] : memref<12x128x64xf32, #tpu.memory_space<vmem>> -> memref<1x128x64xf32, #tpu.memory_space<vmem>>
    %dma_wait3A_1195 = tpu.memref_squeeze %dma_wait3A_1194 : memref<1x128x64xf32, #tpu.memory_space<vmem>> -> memref<128x64xf32, #tpu.memory_space<vmem>>
    %dma_wait3A_1196 = arith.constant 0 : i32
    %dma_wait3A_1197 = tpu.memref_slice %arg4[%mul3A_2, %dma_wait3A_1196] : memref<204800x64xf32, #tpu.memory_space<hbm>> -> memref<128x64xf32, #tpu.memory_space<hbm>>
    %dma_wait3A_1198 = arith.constant 0 : i32
    %dma_wait3A_1199 = tpu.memref_slice %arg4[%mul3A_2, %dma_wait3A_1198] : memref<204800x64xf32, #tpu.memory_space<hbm>> -> memref<128x64xf32, #tpu.memory_space<hbm>>
    %dma_wait3A_1200 = arith.constant 0 : i32
    %dma_wait3A_1201 = arith.constant 0 : i32
    %dma_wait3A_1202 = tpu.memref_slice %arg6[%dma_wait3A_1191, %dma_wait3A_1200, %dma_wait3A_1201] : memref<12x128x64xf32, #tpu.memory_space<vmem>> -> memref<1x128x64xf32, #tpu.memory_space<vmem>>
    %dma_wait3A_1203 = tpu.memref_squeeze %dma_wait3A_1202 : memref<1x128x64xf32, #tpu.memory_space<vmem>> -> memref<128x64xf32, #tpu.memory_space<vmem>>
    tpu.wait_dma2 semaphore(%arg8 : memref<!tpu.dma_semaphore, #tpu.memory_space<semaphore_mem>>) src(%dma_wait3A_1203 : memref<128x64xf32, #tpu.memory_space<vmem>>) dst(%dma_wait3A_1199 : memref<128x64xf32, #tpu.memory_space<hbm>>)
    %dma_wait3A_1204 = arith.constant 0 : i32
    %dma_wait3A_1205 = arith.constant 0 : i32
    %dma_wait3A_1206 = arith.constant 0 : i32
    %dma_wait3A_1207 = tpu.memref_slice %arg6[%dma_wait3A_1204, %dma_wait3A_1205, %dma_wait3A_1206] : memref<12x128x64xf32, #tpu.memory_space<vmem>> -> memref<1x128x64xf32, #tpu.memory_space<vmem>>
    %dma_wait3A_1208 = tpu.memref_squeeze %dma_wait3A_1207 : memref<1x128x64xf32, #tpu.memory_space<vmem>> -> memref<128x64xf32, #tpu.memory_space<vmem>>
    %dma_wait3A_1209 = arith.constant 0 : i32
    %dma_wait3A_1210 = tpu.memref_slice %arg4[%mul3A_2, %dma_wait3A_1209] : memref<204800x64xf32, #tpu.memory_space<hbm>> -> memref<128x64xf32, #tpu.memory_space<hbm>>
    %dma_wait3A_1211 = arith.constant 0 : i32
    %dma_wait3A_1212 = tpu.memref_slice %arg4[%mul3A_2, %dma_wait3A_1211] : memref<204800x64xf32, #tpu.memory_space<hbm>> -> memref<128x64xf32, #tpu.memory_space<hbm>>
    %dma_wait3A_1213 = arith.constant 0 : i32
    %dma_wait3A_1214 = arith.constant 0 : i32
    %dma_wait3A_1215 = tpu.memref_slice %arg6[%dma_wait3A_1204, %dma_wait3A_1213, %dma_wait3A_1214] : memref<12x128x64xf32, #tpu.memory_space<vmem>> -> memref<1x128x64xf32, #tpu.memory_space<vmem>>
    %dma_wait3A_1216 = tpu.memref_squeeze %dma_wait3A_1215 : memref<1x128x64xf32, #tpu.memory_space<vmem>> -> memref<128x64xf32, #tpu.memory_space<vmem>>
    tpu.wait_dma2 semaphore(%arg8 : memref<!tpu.dma_semaphore, #tpu.memory_space<semaphore_mem>>) src(%dma_wait3A_1216 : memref<128x64xf32, #tpu.memory_space<vmem>>) dst(%dma_wait3A_1212 : memref<128x64xf32, #tpu.memory_space<hbm>>)
    return
  }
}

</mosaic_0001>

<sc_bundles>
// kernel: kernel.3.cloned.1.call-start
scs
__scs_entry_jumppad:
0x0: {  	(pc) =	sbr.rel $0x88, $3  }
0x1: {  	(tag) =	ssettag $0x0;
	lr =	simm.s32 $0x1  }
0x2: {  	[smem:$0x3F9F] =	sst lr;
	_ =	strace $0xD0000000  }
0x3: {  	_ = 	snop  }
0x4: {  	_ = 	snop  }
0x5: {  	_ = 	snop  }
0x6: {  	_ = 	snop  }
0x7: {  	_ = 	snop  }
__scs_overlays_trampoline_lowered:
0x8: {  	[smem:$0x3FAE] =	sst s0  }
0x9: {  	[smem:$0x3FAF] =	sst s1  }
0xa: {  	[smem:$0x3FB0] =	sst s2  }
0xb: {  	[smem:$0x3FB1] =	sst s3  }
0xc: {  	[smem:$0x3FB2] =	sst s4  }
0xd: {  	[smem:$0x3FB3] =	sst s5  }
0xe: {  	[smem:$0x3FB4] =	sst s6  }
0xf: {  	[smem:$0x3FB5] =	sst s7  }
0x10: {  	[smem:$0x3FB6] =	sst s8  }
0x11: {  	[smem:$0x3FB7] =	sst s9;
	s0 =	simm.s32 @!p0 $0x0  }
0x12: {  	s1 =	sld [smem:$0x3F9D];
	s0 =	simm.s32 @p0 $0x1  }
0x13: {  	[smem:$0x3FB8] =	sst s0;
	s0 =	simm.s32 @!p1 $0x0  }
0x14: {  	s2 =	sld [smem:$0x3F9C];
	s0 =	simm.s32 @p1 $0x1  }
0x15: {  	[smem:$0x3FB9] =	sst s0;
	s0 =	simm.s32 @!p2 $0x0  }
0x16: {  	s3 =	sld [smem:$0x3FDB];
	s0 =	simm.s32 @p2 $0x1  }
0x17: {  	s4 =	simm.s32 $0x1BF5;
	[smem:$0x3FBB] =	sst s0  }
0x18: {  	s0 =	sld [smem:$0x3F9E];
	_ =	swait.ge [sflag:s4], $0x0  }
0x19: {  	s7 =	sld [smem:$0x3F9F]  }
0x1a: {  	s8 =	sadd.s32 $0xFFFFE003, lr  }
0x1b: {  	s9 =	sadd.s32 $0xFFFFFEF7, lr;
	s5 =	simm.s32 $0xFFFFFFFF;
	p2 =	slt.u32 s8, $0xFFFFF086  }
0x1c: {  	p1 =	slt.u32 s9, $0xF7A;
	s5 =	simm.s32 @!p2 $0x0  }
0x1d: {  	s5 =	simm.s32 @p1 $0x1;
	p0 =	seq.s32 s7, s2  }
0x1e: {  	s7 =	smul.u32 @!p0 $0xF7A, s2;
	p2 =	seq.s32 @!p0 s5, $0x0  }
0x1f: {  	s9 =	smul.u32 $0xF7A, s1;
	s8 =	simm.s32 @!p0 $0x1BF5;
	p2 =	por !p2, p0  }
0x20: {  	[sflag:s8] =	ssyncset.s32 @!p0 $0xFFFFF086;
	s6 =	sadd.s32 @!p0 s3, s7;
	s7 =	simm.s32 @!p0 $0x108  }
0x21: {  	s3 =	sadd.s32 s3, s9;
	s6 =	sadd.s32 @!p0 $0x88, s6;
	s7 =	simm.s32 @p2 $0x1082  }
0x22: {  	[simem:s7], [sflag:s8] =	dma.local @!p0 [hbm:s6], $0xF7A  }
0x23: {  	s9 =	sor.u32 $0xD0000000, s2;
	s6 =	simm.s32 $0x108;
	_ =	swait.ge @!p0 [sflag:s8], $0x0  }
0x24: {  	s3 =	sadd.s32 $0x88, s3;
	s6 =	simm.s32 @!p1 $0x1082;
	[sflag:s4] =	ssyncset.s32 $0xFFFFF086  }
0x25: {  	[simem:s6], [sflag:s4] =	dma.local [hbm:s3], $0xF7A  }
0x26: {  	[smem:$0x3F9F] =	sst s1;
	(tag) =	ssettag s2;
	_ =	strace s9  }
0x27: {  	s1 =	sld [smem:$0x3FAF]  }
0x28: {  	s2 =	sld [smem:$0x3FB0]  }
0x29: {  	s4 =	sld [smem:$0x3FB2]  }
0x2a: {  	p0 =	seq.s32 s5, $0x0;
	s5 =	sld [smem:$0x3FB3]  }
0x2b: {  	s6 =	sld [smem:$0x3FB4]  }
0x2c: {  	s7 =	sld [smem:$0x3FB5]  }
0x2d: {  	s3 =	simm.s32 $0x108;
	s8 =	sld [smem:$0x3FB6]  }
0x2e: {  	s3 =	simm.s32 @!p0 $0x1082;
	s9 =	sld [smem:$0x3FB7]  }
0x2f: {  	lr =	sadd.s32 s0, s3;
	s0 =	sld [smem:$0x3FAE]  }
0x30: {  	s3 =	sld [smem:$0x3FB1]  }
0x31: {  	[smem:$0x3FBA] =	sst s10  }
0x32: {  	s10 =	sld [smem:$0x3FB8];
	_ =	sdelay $0x3  }
0x33: {  	p0 =	seq.s32 s10, $0x1;
	s10 =	sld [smem:$0x3FBA];
	_ =	sdelay $0x3  }
0x34: {  	[smem:$0x3FBA] =	sst s10  }
0x35: {  	s10 =	sld [smem:$0x3FB9];
	_ =	sdelay $0x3  }
0x36: {  	p1 =	seq.s32 s10, $0x1;
	s10 =	sld [smem:$0x3FBA];
	_ =	sdelay $0x3  }
0x37: {  	[smem:$0x3FBA] =	sst s10  }
0x38: {  	s10 =	sld [smem:$0x3FBB]  }
0x39: {  	_ = 	snop;
	(pc) =	sbr.ind lr, $3  }
0x3a: {  	_ = 	snop  }
0x3b: {  	_ = 	snop  }
0x3c: {  	p2 =	seq.s32 s10, $0x1;
	s10 =	sld [smem:$0x3FBA]  }
0x3d: {  	_ =	shalt  }
0x3e: {  	_ =	shalt  }
0x3f: {  	_ =	shalt  }
0x40: {  	_ =	shalt  }
0x41: {  	_ =	shalt  }
0x42: {  	_ =	shalt  }
0x43: {  	_ =	shalt  }
0x44: {  	_ =	shalt  }
0x45: {  	_ =	shalt  }
0x46: {  	_ =	shalt  }
0x47: {  	_ =	shalt  }
0x48: {  	_ =	shalt  }
0x49: {  	_ =	shalt  }
0x4a: {  	_ =	shalt  }
0x4b: {  	_ =	shalt  }
0x4c: {  	_ =	shalt  }
0x4d: {  	_ =	shalt  }
0x4e: {  	_ =	shalt  }
0x4f: {  	_ =	shalt  }
0x50: {  	_ =	shalt  }
0x51: {  	_ =	shalt  }
0x52: {  	_ =	shalt  }
0x53: {  	_ =	shalt  }
0x54: {  	_ =	shalt  }
0x55: {  	_ =	shalt  }
0x56: {  	_ =	shalt  }
0x57: {  	_ =	shalt  }
0x58: {  	_ =	shalt  }
0x59: {  	_ =	shalt  }
0x5a: {  	_ =	shalt  }
0x5b: {  	_ =	shalt  }
0x5c: {  	_ =	shalt  }
0x5d: {  	_ =	shalt  }
0x5e: {  	_ =	shalt  }
0x5f: {  	_ =	shalt  }
0x60: {  	_ =	shalt  }
0x61: {  	_ =	shalt  }
0x62: {  	_ =	shalt  }
0x63: {  	_ =	shalt  }
0x64: {  	_ =	shalt  }
0x65: {  	_ =	shalt  }
0x66: {  	_ =	shalt  }
0x67: {  	_ =	shalt  }
0x68: {  	_ =	shalt  }
0x69: {  	_ =	shalt  }
0x6a: {  	_ =	shalt  }
0x6b: {  	_ =	shalt  }
0x6c: {  	_ =	shalt  }
0x6d: {  	_ =	shalt  }
0x6e: {  	_ =	shalt  }
0x6f: {  	_ =	shalt  }
0x70: {  	_ =	shalt  }
0x71: {  	_ =	shalt  }
0x72: {  	_ =	shalt  }
0x73: {  	_ =	shalt  }
0x74: {  	_ =	shalt  }
0x75: {  	_ =	shalt  }
0x76: {  	_ =	shalt  }
0x77: {  	_ =	shalt  }
0x78: {  	_ =	shalt  }
0x79: {  	_ =	shalt  }
0x7a: {  	_ =	shalt  }
0x7b: {  	_ =	shalt  }
0x7c: {  	_ =	shalt  }
0x7d: {  	_ =	shalt  }
0x7e: {  	_ =	shalt  }
0x7f: {  	_ =	shalt  }
0x80: {  	_ =	shalt  }
0x81: {  	_ =	shalt  }
0x82: {  	_ =	shalt  }
0x83: {  	_ =	shalt  }
0x84: {  	_ =	shalt  }
0x85: {  	_ =	shalt  }
0x86: {  	_ =	shalt  }
0x87: {  	_ =	shalt  }
.Lfunc_end0:
.L_simem_size_0:
called_computation.1_lowered:
.L_overlay_start_0:
0x88: {  	s2 =	sld [smem:$0x3FD9]  }
0x89: {  	s3 =	sld [smem:$0x3FFE];
	_ =	sdelay $0x1  }
0x8a: {  	s1 =	srdreg.scid  }
0x8b: {  	s0 =	sand.u32 $0x1, s1  }
0x8c: {  	s17 =	sshll.u32 s0, $0xA;
	s2 =	sadd.s32 s3, s2  }
0x8d: {  	s2 =	sadd.s32 s2, s17  }
0x8e: {  	[smem:$0x3FC6] =	sst s2  }
0x8f: {  	_ = 	snop  }
0x90: {  	s2 =	sld [smem:$0x3FD0];
	(tm) =	ssettm $0x1  }
0x91: {  	s18 =	sld [smem:$0x3FFB];
	_ =	sdelay $0x3  }
0x92: {  	_ =	strace s18  }
0x93: {  	s3 =	sld [smem:$0x3FFC];
	_ =	sdelay $0x3  }
0x94: {  	_ =	strace s3  }
0x95: {  	s3 =	sld [smem:$0x3FFD];
	_ =	sdelay $0x3  }
0x96: {  	_ =	strace s3  }
0x97: {  	_ =	strace $0x8FFFFFFF  }
0x98: {  	s19 =	sld [smem:$0x3FDB];
	_ =	sdelay $0x1  }
0x99: {  	s4 =	simm.s32 $_scs_section_size  }
0x9a: {  	s5 =	simm.s32 $_size__tile_overlayer_lowered;
	s6 =	simm.s32 $_tile_overlayer_lowered  }
0x9b: {  	s22 =	simm.s32 $0x1BFF;
	s21 =	sshll.u32 s6, $0x1;
	s3 =	sadd.s32 s4, s19  }
0x9c: {  	s7 =	simm.s32 $0x0;
	s20 =	sshll.u32 s5, $0x1;
	s5 =	sadd.s32 s21, s3  }
0x9d: {  	[timem:s7], [sflag:s22] =	dma.local [hbm:s5], s20  }
0x9e: {  	_ =	swait.ge [sflag:s22], s20  }
0x9f: {  	s4 =	ssub.s32 $0x0, s20;
	[sflag:s22] =	ssyncset.done $0x0  }
0xa0: {  	[sflag:s22] =	ssyncadd.s32 s4;
	_ =	sdelay $0x1  }
0xa1: {  	s23 =	simm.s32 $0x1B8B  }
0xa2: {  	_ =	swait.ge [sflag:s23], $0x1  }
0xa3: {  	[sflag:s23] =	ssyncset.done $0x0  }
0xa4: {  	s25 =	simm.s32 $0x1B8E;
	s24 =	sld [smem:$0x3FFE];
	[sflag:s23] =	ssyncadd.s32 $0xFFFFFFFF  }
0xa5: {  	s26 =	simm.s32 $execute0_lowered;
	[smem:$0x3FD2] =	sst s25  }
0xa6: {  	s5 =	sshll.u32 s26, $0x1;
	_ =	strace $0x80000046;
	[dreg:$0x1] =	wrdreg $0xFFFFFFFF  }
0xa7: {  	s28 =	simm.s32 $_size_execute0_lowered;
	s3 =	sadd.s32 s3, s5;
	[dreg:$0x0] =	wrdreg $0x0  }
0xa8: {  	s5 =	sshll.u32 s28, $0x1;
	[dreg:$0x2] =	wrdreg s3  }
0xa9: {  	[dreg:$0x3] =	wrdreg s5  }
0xaa: {  	[dreg:$0x4] =	wrdreg $0xC0  }
0xab: {  	_ =	task [dreg:s7], $0x5FFFF  }
0xac: {  	[dreg:$0x1] =	wrdreg $0xFFFFFFFF  }
0xad: {  	[dreg:$0x0] =	wrdreg $0x60  }
0xae: {  	[dreg:$0x2] =	wrdreg s24  }
0xaf: {  	[dreg:$0x3] =	wrdreg s2  }
0xb0: {  	[dreg:$0x4] =	wrdreg $0x9  }
0xb1: {  	_ =	task.clear_ibuf [dreg:s7], $0x5FFFF;
	_ =	strace $0x90000046  }
0xb2: {  	s29 =	simm.s32 $0x9;
	_ =	strace $0x80000048  }
0xb3: {  	_ =	swait.ge [sflag:s29], $0x1  }
0xb4: {  	[sflag:s29] =	ssyncadd.s32 $0xFFFFFFFF  }
0xb5: {  	_ =	strace $0x90000048  }
0xb6: {  	_ =	sfence  }
0xb7: {  	s30 =	sld [smem:$0x0];
	_ =	sdelay $0x2  }
0xb8: {  	s31 =	sshll.u32 s1, $0xD;
	s1 =	sshrl.u32 s1, $0x2  }
0xb9: {  	s3 =	sand.u32 $0x4000, s31;
	s1 =	sadd.s32 s1, s30  }
0xba: {  	s0 =	sor.u32 s3, s0;
	s1 =	sshll.u32 s1, $0x11  }
0xbb: {  	s0 =	sor.u32 s1, s0  }
0xbc: {  	s0 =	sadd.s32 $0x8F2B, s0  }
0xbd: {  	[sflag:s0] =	ssyncadd.remote.s32 $0x1  }
0xbe: {  	_ =	sfence.sel $0xFFFF  }
0xbf: {  	[dreg:$0x0] =	wrdreg $0xFFFFFFFF;
	(pc) =	sbr.abs _section_cstart, $3  }
0xc0: {  	[dreg:$0x1] =	wrdreg $0xFFFFFFFF  }
0xc1: {  	_ =	task.clear_ibuf [dreg:s7], $0x2FFFF;
	_ =	strace $0x9FFFFFFF  }
0xc2: {  	(tm) =	ssettm $0x7FFFFFFF  }
0xc3: {  	_ =	shalt  }
tec
execute0_lowered:
.L_overlay_start_1:
0x0: {  	(tag) =	ssettag $0x1  }
0x1: {  	s0 =	srdreg.scid;
	s3 =	rddreg [dreg:$0x0]  }
0x2: {  	s4 =	stileid.u32;
	s6 =	rddreg [dreg:$0x1]  }
0x3: {  	s2 =	simm.s32 $0x0;
	s13 =	simm.s32 $0x15900;
	s14 =	simm.s32 $0x15D00  }
0x4: {  	s15 =	simm.s32 $0x16100;
	s16 =	simm.s32 $0x16500;
	s17 =	simm.s32 $0x16900  }
0x5: {  	s18 =	simm.s32 $0x16D00;
	s19 =	simm.s32 $0x17100;
	s20 =	simm.s32 $0x17500  }
0x6: {  	s21 =	simm.s32 $0x17900;
	s22 =	simm.s32 $0x17D00;
	s23 =	simm.s32 $0x18100  }
0x7: {  	s24 =	simm.s32 $0x18500;
	s25 =	simm.s32 $0x18900;
	s28 =	simm.s32 $0x19100  }
0x8: {  	s29 =	simm.s32 $0x19500;
	s30 =	simm.s32 $0x1;
	s31 =	simm.s32 $0x2  }
0x9: {  	s0 =	sand.u32 $0x1, s0;
	s1 =	sshll.u32 s4, $0x1;
	s4 =	smul.u32 $0xC8000, s4  }
0xa: {  	s1 =	sor.u32 s0, s1;
	s5 =	smul.u32 $0x64000, s0;
	s0 =	ssub.s32 $0x2, s0  }
0xb: {  	[smem:$0x7FF] =	sst s2;
	s1 =	smul.u32 $0x320, s1;
	s7 =	sshrl.u32 s0, $0x1  }
0xc: {  	_ =	strace $0x80000047;
	s5 =	sadd.s32 s5, s4;
	s0 =	ssub.s32 s0, s7  }
0xd: {  	s7 =	simm.s32 $0x3;
	s1 =	sadd.s32 s1, s3;
	s3 =	sadd.s32 $0xF42E00, s3  }
0xe: {  	s26 =	sshrl.u32 s5, $0x3;
	s5 =	smax.u32 s0, $0x1;
	s4 =	sadd.s32 $0xA00, s1  }
0xf: {  	vm0 =	vmmov $0xffff;
	s9 =	sadd.s32 s26, s6;
	s26 =	simm.s32 $0x18D00;
	s1 =	simm.s32 $0x0  }
.LBB2_1:
0x10: {  	[tilespmem:s2], [sflag:$0x3] =	stream.linear.gather [hbm4b:s4+s2], $0x1900, $0x38;
	[tilespmem:$0x19900] =	vst v63  }
0x11: {  	_ =	swait.ge [sflag:s7], $0x1900  }
0x12: {  	[sflag:s7] =	ssyncset.done $0x0  }
0x13: {  	[sflag:s7] =	ssyncadd.s32 $0xFFFFE700  }
0x14: {  	v0 =	vld [tilespmem:$0x0];
	_ =	sdelay $0x6  }
0x15: {  	s0 =	simm.s32 $0x1900  }
0x16: {  	[tilespmem:s0], [sflag:$0x1] =	stream.indirect_vreg.gather [hbm4b:s3+s2], $0x40, v0, vm0, $0xb8;
	[tilespmem:$0x19900] =	vst v63  }
0x17: {  	v0 =	vld [tilespmem:$0x10];
	_ =	sdelay $0x6  }
0x18: {  	s8 =	simm.s32 $0x1D00  }
0x19: {  	[tilespmem:s8], [sflag:$0x1] =	stream.indirect_vreg.gather [hbm4b:s3+s2], $0x40, v0, vm0, $0xb8;
	[tilespmem:$0x19900] =	vst v63  }
0x1a: {  	v0 =	vld [tilespmem:$0x20];
	_ =	sdelay $0x6  }
0x1b: {  	s10 =	simm.s32 $0x2100  }
0x1c: {  	[tilespmem:s10], [sflag:$0x1] =	stream.indirect_vreg.gather [hbm4b:s3+s2], $0x40, v0, vm0, $0xb8;
	[tilespmem:$0x19900] =	vst v63  }
0x1d: {  	v0 =	vld [tilespmem:$0x30];
	_ =	sdelay $0x6  }
0x1e: {  	s11 =	simm.s32 $0x2500  }
0x1f: {  	[tilespmem:s11], [sflag:$0x1] =	stream.indirect_vreg.gather [hbm4b:s3+s2], $0x40, v0, vm0, $0xb8;
	[tilespmem:$0x19900] =	vst v63  }
0x20: {  	v0 =	vld [tilespmem:$0x40];
	_ =	sdelay $0x6  }
0x21: {  	s12 =	simm.s32 $0x2900  }
0x22: {  	[tilespmem:s12], [sflag:$0x1] =	stream.indirect_vreg.gather [hbm4b:s3+s2], $0x40, v0, vm0, $0xb8;
	[tilespmem:$0x19900] =	vst v63  }
0x23: {  	v0 =	vld [tilespmem:$0x50];
	_ =	sdelay $0x6  }
0x24: {  	s6 =	simm.s32 $0x2D00  }
0x25: {  	[tilespmem:s6], [sflag:$0x1] =	stream.indirect_vreg.gather [hbm4b:s3+s2], $0x40, v0, vm0, $0xb8;
	[tilespmem:$0x19900] =	vst v63  }
0x26: {  	v0 =	vld [tilespmem:$0x60];
	_ =	sdelay $0x6  }
0x27: {  	s8 =	simm.s32 $0x3100  }
0x28: {  	[tilespmem:s8], [sflag:$0x1] =	stream.indirect_vreg.gather [hbm4b:s3+s2], $0x40, v0, vm0, $0xb8;
	[tilespmem:$0x19900] =	vst v63  }
0x29: {  	v0 =	vld [tilespmem:$0x70];
	_ =	sdelay $0x6  }
0x2a: {  	s10 =	simm.s32 $0x3500  }
0x2b: {  	[tilespmem:s10], [sflag:$0x1] =	stream.indirect_vreg.gather [hbm4b:s3+s2], $0x40, v0, vm0, $0xb8;
	[tilespmem:$0x19900] =	vst v63  }
0x2c: {  	v0 =	vld [tilespmem:$0x80];
	_ =	sdelay $0x6  }
0x2d: {  	s11 =	simm.s32 $0x3900  }
0x2e: {  	[tilespmem:s11], [sflag:$0x1] =	stream.indirect_vreg.gather [hbm4b:s3+s2], $0x40, v0, vm0, $0xb8;
	[tilespmem:$0x19900] =	vst v63  }
0x2f: {  	v0 =	vld [tilespmem:$0x90];
	_ =	sdelay $0x6  }
0x30: {  	s12 =	simm.s32 $0x3D00  }
0x31: {  	[tilespmem:s12], [sflag:$0x1] =	stream.indirect_vreg.gather [hbm4b:s3+s2], $0x40, v0, vm0, $0xb8;
	[tilespmem:$0x19900] =	vst v63  }
0x32: {  	v0 =	vld [tilespmem:$0xA0];
	_ =	sdelay $0x6  }
0x33: {  	s6 =	simm.s32 $0x4100  }
0x34: {  	[tilespmem:s6], [sflag:$0x1] =	stream.indirect_vreg.gather [hbm4b:s3+s2], $0x40, v0, vm0, $0xb8;
	[tilespmem:$0x19900] =	vst v63  }
0x35: {  	v0 =	vld [tilespmem:$0xB0];
	_ =	sdelay $0x6  }
0x36: {  	s8 =	simm.s32 $0x4500  }
0x37: {  	[tilespmem:s8], [sflag:$0x1] =	stream.indirect_vreg.gather [hbm4b:s3+s2], $0x40, v0, vm0, $0xb8;
	[tilespmem:$0x19900] =	vst v63  }
0x38: {  	v0 =	vld [tilespmem:$0xC0];
	_ =	sdelay $0x6  }
0x39: {  	s10 =	simm.s32 $0x4900  }
0x3a: {  	[tilespmem:s10], [sflag:$0x1] =	stream.indirect_vreg.gather [hbm4b:s3+s2], $0x40, v0, vm0, $0xb8;
	[tilespmem:$0x19900] =	vst v63  }
0x3b: {  	v0 =	vld [tilespmem:$0xD0];
	_ =	sdelay $0x6  }
0x3c: {  	s11 =	simm.s32 $0x4D00  }
0x3d: {  	[tilespmem:s11], [sflag:$0x1] =	stream.indirect_vreg.gather [hbm4b:s3+s2], $0x40, v0, vm0, $0xb8;
	[tilespmem:$0x19900] =	vst v63  }
0x3e: {  	v0 =	vld [tilespmem:$0xE0];
	_ =	sdelay $0x6  }
0x3f: {  	s12 =	simm.s32 $0x5100  }
0x40: {  	[tilespmem:s12], [sflag:$0x1] =	stream.indirect_vreg.gather [hbm4b:s3+s2], $0x40, v0, vm0, $0xb8;
	[tilespmem:$0x19900] =	vst v63  }
0x41: {  	v0 =	vld [tilespmem:$0xF0];
	_ =	sdelay $0x6  }
0x42: {  	s6 =	simm.s32 $0x5500  }
0x43: {  	[tilespmem:s6], [sflag:$0x1] =	stream.indirect_vreg.gather [hbm4b:s3+s2], $0x40, v0, vm0, $0xb8;
	[tilespmem:$0x19900] =	vst v63  }
0x44: {  	v0 =	vld [tilespmem:$0x100];
	_ =	sdelay $0x6  }
0x45: {  	s8 =	simm.s32 $0x5900  }
0x46: {  	[tilespmem:s8], [sflag:$0x1] =	stream.indirect_vreg.gather [hbm4b:s3+s2], $0x40, v0, vm0, $0xb8;
	[tilespmem:$0x19900] =	vst v63  }
0x47: {  	v0 =	vld [tilespmem:$0x110];
	_ =	sdelay $0x6  }
0x48: {  	s10 =	simm.s32 $0x5D00  }
0x49: {  	[tilespmem:s10], [sflag:$0x1] =	stream.indirect_vreg.gather [hbm4b:s3+s2], $0x40, v0, vm0, $0xb8;
	[tilespmem:$0x19900] =	vst v63  }
0x4a: {  	v0 =	vld [tilespmem:$0x120];
	_ =	sdelay $0x6  }
0x4b: {  	s11 =	simm.s32 $0x6100  }
0x4c: {  	[tilespmem:s11], [sflag:$0x1] =	stream.indirect_vreg.gather [hbm4b:s3+s2], $0x40, v0, vm0, $0xb8;
	[tilespmem:$0x19900] =	vst v63  }
0x4d: {  	v0 =	vld [tilespmem:$0x130];
	_ =	sdelay $0x6  }
0x4e: {  	s12 =	simm.s32 $0x6500  }
0x4f: {  	[tilespmem:s12], [sflag:$0x1] =	stream.indirect_vreg.gather [hbm4b:s3+s2], $0x40, v0, vm0, $0xb8;
	[tilespmem:$0x19900] =	vst v63  }
0x50: {  	v0 =	vld [tilespmem:$0x140];
	_ =	sdelay $0x6  }
0x51: {  	s6 =	simm.s32 $0x6900  }
0x52: {  	[tilespmem:s6], [sflag:$0x1] =	stream.indirect_vreg.gather [hbm4b:s3+s2], $0x40, v0, vm0, $0xb8;
	[tilespmem:$0x19900] =	vst v63  }
0x53: {  	v0 =	vld [tilespmem:$0x150];
	_ =	sdelay $0x6  }
0x54: {  	s8 =	simm.s32 $0x6D00  }
0x55: {  	[tilespmem:s8], [sflag:$0x1] =	stream.indirect_vreg.gather [hbm4b:s3+s2], $0x40, v0, vm0, $0xb8;
	[tilespmem:$0x19900] =	vst v63  }
0x56: {  	v0 =	vld [tilespmem:$0x160];
	_ =	sdelay $0x6  }
0x57: {  	s10 =	simm.s32 $0x7100  }
0x58: {  	[tilespmem:s10], [sflag:$0x1] =	stream.indirect_vreg.gather [hbm4b:s3+s2], $0x40, v0, vm0, $0xb8;
	[tilespmem:$0x19900] =	vst v63  }
0x59: {  	v0 =	vld [tilespmem:$0x170];
	_ =	sdelay $0x6  }
0x5a: {  	s11 =	simm.s32 $0x7500  }
0x5b: {  	[tilespmem:s11], [sflag:$0x1] =	stream.indirect_vreg.gather [hbm4b:s3+s2], $0x40, v0, vm0, $0xb8;
	[tilespmem:$0x19900] =	vst v63  }
0x5c: {  	v0 =	vld [tilespmem:$0x180];
	_ =	sdelay $0x6  }
0x5d: {  	s12 =	simm.s32 $0x7900  }
0x5e: {  	[tilespmem:s12], [sflag:$0x1] =	stream.indirect_vreg.gather [hbm4b:s3+s2], $0x40, v0, vm0, $0xb8;
	[tilespmem:$0x19900] =	vst v63  }
0x5f: {  	v0 =	vld [tilespmem:$0x190];
	_ =	sdelay $0x6  }
0x60: {  	s6 =	simm.s32 $0x7D00  }
0x61: {  	[tilespmem:s6], [sflag:$0x1] =	stream.indirect_vreg.gather [hbm4b:s3+s2], $0x40, v0, vm0, $0xb8;
	[tilespmem:$0x19900] =	vst v63  }
0x62: {  	v0 =	vld [tilespmem:$0x1A0];
	_ =	sdelay $0x6  }
0x63: {  	s8 =	simm.s32 $0x8100  }
0x64: {  	[tilespmem:s8], [sflag:$0x1] =	stream.indirect_vreg.gather [hbm4b:s3+s2], $0x40, v0, vm0, $0xb8;
	[tilespmem:$0x19900] =	vst v63  }
0x65: {  	v0 =	vld [tilespmem:$0x1B0];
	_ =	sdelay $0x6  }
0x66: {  	s10 =	simm.s32 $0x8500  }
0x67: {  	[tilespmem:s10], [sflag:$0x1] =	stream.indirect_vreg.gather [hbm4b:s3+s2], $0x40, v0, vm0, $0xb8;
	[tilespmem:$0x19900] =	vst v63  }
0x68: {  	v0 =	vld [tilespmem:$0x1C0];
	_ =	sdelay $0x6  }
0x69: {  	s11 =	simm.s32 $0x8900  }
0x6a: {  	[tilespmem:s11], [sflag:$0x1] =	stream.indirect_vreg.gather [hbm4b:s3+s2], $0x40, v0, vm0, $0xb8;
	[tilespmem:$0x19900] =	vst v63  }
0x6b: {  	v0 =	vld [tilespmem:$0x1D0];
	_ =	sdelay $0x6  }
0x6c: {  	s12 =	simm.s32 $0x8D00  }
0x6d: {  	[tilespmem:s12], [sflag:$0x1] =	stream.indirect_vreg.gather [hbm4b:s3+s2], $0x40, v0, vm0, $0xb8;
	[tilespmem:$0x19900] =	vst v63  }
0x6e: {  	v0 =	vld [tilespmem:$0x1E0];
	_ =	sdelay $0x6  }
0x6f: {  	s6 =	simm.s32 $0x9100  }
0x70: {  	[tilespmem:s6], [sflag:$0x1] =	stream.indirect_vreg.gather [hbm4b:s3+s2], $0x40, v0, vm0, $0xb8;
	[tilespmem:$0x19900] =	vst v63  }
0x71: {  	v0 =	vld [tilespmem:$0x1F0];
	_ =	sdelay $0x6  }
0x72: {  	s8 =	simm.s32 $0x9500  }
0x73: {  	[tilespmem:s8], [sflag:$0x1] =	stream.indirect_vreg.gather [hbm4b:s3+s2], $0x40, v0, vm0, $0xb8;
	[tilespmem:$0x19900] =	vst v63  }
0x74: {  	v0 =	vld [tilespmem:$0x200];
	_ =	sdelay $0x6  }
0x75: {  	s10 =	simm.s32 $0x9900  }
0x76: {  	[tilespmem:s10], [sflag:$0x1] =	stream.indirect_vreg.gather [hbm4b:s3+s2], $0x40, v0, vm0, $0xb8;
	[tilespmem:$0x19900] =	vst v63  }
0x77: {  	v0 =	vld [tilespmem:$0x210];
	_ =	sdelay $0x6  }
0x78: {  	s11 =	simm.s32 $0x9D00  }
0x79: {  	[tilespmem:s11], [sflag:$0x1] =	stream.indirect_vreg.gather [hbm4b:s3+s2], $0x40, v0, vm0, $0xb8;
	[tilespmem:$0x19900] =	vst v63  }
0x7a: {  	v0 =	vld [tilespmem:$0x220];
	_ =	sdelay $0x6  }
0x7b: {  	s12 =	simm.s32 $0xA100  }
0x7c: {  	[tilespmem:s12], [sflag:$0x1] =	stream.indirect_vreg.gather [hbm4b:s3+s2], $0x40, v0, vm0, $0xb8;
	[tilespmem:$0x19900] =	vst v63  }
0x7d: {  	v0 =	vld [tilespmem:$0x230];
	_ =	sdelay $0x6  }
0x7e: {  	s6 =	simm.s32 $0xA500  }
0x7f: {  	[tilespmem:s6], [sflag:$0x1] =	stream.indirect_vreg.gather [hbm4b:s3+s2], $0x40, v0, vm0, $0xb8;
	[tilespmem:$0x19900] =	vst v63  }
0x80: {  	v0 =	vld [tilespmem:$0x240];
	_ =	sdelay $0x6  }
0x81: {  	s8 =	simm.s32 $0xA900  }
0x82: {  	[tilespmem:s8], [sflag:$0x1] =	stream.indirect_vreg.gather [hbm4b:s3+s2], $0x40, v0, vm0, $0xb8;
	[tilespmem:$0x19900] =	vst v63  }
0x83: {  	v0 =	vld [tilespmem:$0x250];
	_ =	sdelay $0x6  }
0x84: {  	s10 =	simm.s32 $0xAD00  }
0x85: {  	[tilespmem:s10], [sflag:$0x1] =	stream.indirect_vreg.gather [hbm4b:s3+s2], $0x40, v0, vm0, $0xb8;
	[tilespmem:$0x19900] =	vst v63  }
0x86: {  	v0 =	vld [tilespmem:$0x260];
	_ =	sdelay $0x6  }
0x87: {  	s11 =	simm.s32 $0xB100  }
0x88: {  	[tilespmem:s11], [sflag:$0x1] =	stream.indirect_vreg.gather [hbm4b:s3+s2], $0x40, v0, vm0, $0xb8;
	[tilespmem:$0x19900] =	vst v63  }
0x89: {  	v0 =	vld [tilespmem:$0x270];
	_ =	sdelay $0x6  }
0x8a: {  	s12 =	simm.s32 $0xB500  }
0x8b: {  	[tilespmem:s12], [sflag:$0x1] =	stream.indirect_vreg.gather [hbm4b:s3+s2], $0x40, v0, vm0, $0xb8;
	[tilespmem:$0x19900] =	vst v63  }
0x8c: {  	v0 =	vld [tilespmem:$0x280];
	_ =	sdelay $0x6  }
0x8d: {  	s6 =	simm.s32 $0xB900  }
0x8e: {  	[tilespmem:s6], [sflag:$0x1] =	stream.indirect_vreg.gather [hbm4b:s3+s2], $0x40, v0, vm0, $0xb8;
	[tilespmem:$0x19900] =	vst v63  }
0x8f: {  	v0 =	vld [tilespmem:$0x290];
	_ =	sdelay $0x6  }
0x90: {  	s8 =	simm.s32 $0xBD00  }
0x91: {  	[tilespmem:s8], [sflag:$0x1] =	stream.indirect_vreg.gather [hbm4b:s3+s2], $0x40, v0, vm0, $0xb8;
	[tilespmem:$0x19900] =	vst v63  }
0x92: {  	v0 =	vld [tilespmem:$0x2A0];
	_ =	sdelay $0x6  }
0x93: {  	s10 =	simm.s32 $0xC100  }
0x94: {  	[tilespmem:s10], [sflag:$0x1] =	stream.indirect_vreg.gather [hbm4b:s3+s2], $0x40, v0, vm0, $0xb8;
	[tilespmem:$0x19900] =	vst v63  }
0x95: {  	v0 =	vld [tilespmem:$0x2B0];
	_ =	sdelay $0x6  }
0x96: {  	s11 =	simm.s32 $0xC500  }
0x97: {  	[tilespmem:s11], [sflag:$0x1] =	stream.indirect_vreg.gather [hbm4b:s3+s2], $0x40, v0, vm0, $0xb8;
	[tilespmem:$0x19900] =	vst v63  }
0x98: {  	v0 =	vld [tilespmem:$0x2C0];
	_ =	sdelay $0x6  }
0x99: {  	s12 =	simm.s32 $0xC900  }
0x9a: {  	[tilespmem:s12], [sflag:$0x1] =	stream.indirect_vreg.gather [hbm4b:s3+s2], $0x40, v0, vm0, $0xb8;
	[tilespmem:$0x19900] =	vst v63  }
0x9b: {  	v0 =	vld [tilespmem:$0x2D0];
	_ =	sdelay $0x6  }
0x9c: {  	s6 =	simm.s32 $0xCD00  }
0x9d: {  	[tilespmem:s6], [sflag:$0x1] =	stream.indirect_vreg.gather [hbm4b:s3+s2], $0x40, v0, vm0, $0xb8;
	[tilespmem:$0x19900] =	vst v63  }
0x9e: {  	v0 =	vld [tilespmem:$0x2E0];
	_ =	sdelay $0x6  }
0x9f: {  	s8 =	simm.s32 $0xD100  }
0xa0: {  	[tilespmem:s8], [sflag:$0x1] =	stream.indirect_vreg.gather [hbm4b:s3+s2], $0x40, v0, vm0, $0xb8;
	[tilespmem:$0x19900] =	vst v63  }
0xa1: {  	v0 =	vld [tilespmem:$0x2F0];
	_ =	sdelay $0x6  }
0xa2: {  	s10 =	simm.s32 $0xD500  }
0xa3: {  	[tilespmem:s10], [sflag:$0x1] =	stream.indirect_vreg.gather [hbm4b:s3+s2], $0x40, v0, vm0, $0xb8;
	[tilespmem:$0x19900] =	vst v63  }
0xa4: {  	v0 =	vld [tilespmem:$0x300];
	_ =	sdelay $0x6  }
0xa5: {  	s11 =	simm.s32 $0xD900  }
0xa6: {  	[tilespmem:s11], [sflag:$0x1] =	stream.indirect_vreg.gather [hbm4b:s3+s2], $0x40, v0, vm0, $0xb8;
	[tilespmem:$0x19900] =	vst v63  }
0xa7: {  	v0 =	vld [tilespmem:$0x310];
	_ =	sdelay $0x6  }
0xa8: {  	s12 =	simm.s32 $0xDD00  }
0xa9: {  	[tilespmem:s12], [sflag:$0x1] =	stream.indirect_vreg.gather [hbm4b:s3+s2], $0x40, v0, vm0, $0xb8;
	[tilespmem:$0x19900] =	vst v63  }
0xaa: {  	v0 =	vld [tilespmem:$0x320];
	_ =	sdelay $0x6  }
0xab: {  	s6 =	simm.s32 $0xE100  }
0xac: {  	[tilespmem:s6], [sflag:$0x1] =	stream.indirect_vreg.gather [hbm4b:s3+s2], $0x40, v0, vm0, $0xb8;
	[tilespmem:$0x19900] =	vst v63  }
0xad: {  	v0 =	vld [tilespmem:$0x330];
	_ =	sdelay $0x6  }
0xae: {  	s8 =	simm.s32 $0xE500  }
0xaf: {  	[tilespmem:s8], [sflag:$0x1] =	stream.indirect_vreg.gather [hbm4b:s3+s2], $0x40, v0, vm0, $0xb8;
	[tilespmem:$0x19900] =	vst v63  }
0xb0: {  	v0 =	vld [tilespmem:$0x340];
	_ =	sdelay $0x6  }
0xb1: {  	s10 =	simm.s32 $0xE900  }
0xb2: {  	[tilespmem:s10], [sflag:$0x1] =	stream.indirect_vreg.gather [hbm4b:s3+s2], $0x40, v0, vm0, $0xb8;
	[tilespmem:$0x19900] =	vst v63  }
0xb3: {  	v0 =	vld [tilespmem:$0x350];
	_ =	sdelay $0x6  }
0xb4: {  	s11 =	simm.s32 $0xED00  }
0xb5: {  	[tilespmem:s11], [sflag:$0x1] =	stream.indirect_vreg.gather [hbm4b:s3+s2], $0x40, v0, vm0, $0xb8;
	[tilespmem:$0x19900] =	vst v63  }
0xb6: {  	v0 =	vld [tilespmem:$0x360];
	_ =	sdelay $0x6  }
0xb7: {  	s12 =	simm.s32 $0xF100  }
0xb8: {  	[tilespmem:s12], [sflag:$0x1] =	stream.indirect_vreg.gather [hbm4b:s3+s2], $0x40, v0, vm0, $0xb8;
	[tilespmem:$0x19900] =	vst v63  }
0xb9: {  	v0 =	vld [tilespmem:$0x370];
	_ =	sdelay $0x6  }
0xba: {  	s6 =	simm.s32 $0xF500  }
0xbb: {  	[tilespmem:s6], [sflag:$0x1] =	stream.indirect_vreg.gather [hbm4b:s3+s2], $0x40, v0, vm0, $0xb8;
	[tilespmem:$0x19900] =	vst v63  }
0xbc: {  	v0 =	vld [tilespmem:$0x380];
	_ =	sdelay $0x6  }
0xbd: {  	s8 =	simm.s32 $0xF900  }
0xbe: {  	[tilespmem:s8], [sflag:$0x1] =	stream.indirect_vreg.gather [hbm4b:s3+s2], $0x40, v0, vm0, $0xb8;
	[tilespmem:$0x19900] =	vst v63  }
0xbf: {  	v0 =	vld [tilespmem:$0x390];
	_ =	sdelay $0x6  }
0xc0: {  	s10 =	simm.s32 $0xFD00  }
0xc1: {  	[tilespmem:s10], [sflag:$0x1] =	stream.indirect_vreg.gather [hbm4b:s3+s2], $0x40, v0, vm0, $0xb8;
	[tilespmem:$0x19900] =	vst v63  }
0xc2: {  	v0 =	vld [tilespmem:$0x3A0];
	_ =	sdelay $0x6  }
0xc3: {  	s11 =	simm.s32 $0x10100  }
0xc4: {  	[tilespmem:s11], [sflag:$0x1] =	stream.indirect_vreg.gather [hbm4b:s3+s2], $0x40, v0, vm0, $0xb8;
	[tilespmem:$0x19900] =	vst v63  }
0xc5: {  	v0 =	vld [tilespmem:$0x3B0];
	_ =	sdelay $0x6  }
0xc6: {  	s12 =	simm.s32 $0x10500  }
0xc7: {  	[tilespmem:s12], [sflag:$0x1] =	stream.indirect_vreg.gather [hbm4b:s3+s2], $0x40, v0, vm0, $0xb8;
	[tilespmem:$0x19900] =	vst v63  }
0xc8: {  	v0 =	vld [tilespmem:$0x3C0];
	_ =	sdelay $0x6  }
0xc9: {  	s6 =	simm.s32 $0x10900  }
0xca: {  	[tilespmem:s6], [sflag:$0x1] =	stream.indirect_vreg.gather [hbm4b:s3+s2], $0x40, v0, vm0, $0xb8;
	[tilespmem:$0x19900] =	vst v63  }
0xcb: {  	v0 =	vld [tilespmem:$0x3D0];
	_ =	sdelay $0x6  }
0xcc: {  	s8 =	simm.s32 $0x10D00  }
0xcd: {  	[tilespmem:s8], [sflag:$0x1] =	stream.indirect_vreg.gather [hbm4b:s3+s2], $0x40, v0, vm0, $0xb8;
	[tilespmem:$0x19900] =	vst v63  }
0xce: {  	v0 =	vld [tilespmem:$0x3E0];
	_ =	sdelay $0x6  }
0xcf: {  	s10 =	simm.s32 $0x11100  }
0xd0: {  	[tilespmem:s10], [sflag:$0x1] =	stream.indirect_vreg.gather [hbm4b:s3+s2], $0x40, v0, vm0, $0xb8;
	[tilespmem:$0x19900] =	vst v63  }
0xd1: {  	v0 =	vld [tilespmem:$0x3F0];
	_ =	sdelay $0x6  }
0xd2: {  	s11 =	simm.s32 $0x11500  }
0xd3: {  	[tilespmem:s11], [sflag:$0x1] =	stream.indirect_vreg.gather [hbm4b:s3+s2], $0x40, v0, vm0, $0xb8;
	[tilespmem:$0x19900] =	vst v63  }
0xd4: {  	v0 =	vld [tilespmem:$0x400];
	_ =	sdelay $0x6  }
0xd5: {  	s12 =	simm.s32 $0x11900  }
0xd6: {  	[tilespmem:s12], [sflag:$0x1] =	stream.indirect_vreg.gather [hbm4b:s3+s2], $0x40, v0, vm0, $0xb8;
	[tilespmem:$0x19900] =	vst v63  }
0xd7: {  	v0 =	vld [tilespmem:$0x410];
	_ =	sdelay $0x6  }
0xd8: {  	s6 =	simm.s32 $0x11D00  }
0xd9: {  	[tilespmem:s6], [sflag:$0x1] =	stream.indirect_vreg.gather [hbm4b:s3+s2], $0x40, v0, vm0, $0xb8;
	[tilespmem:$0x19900] =	vst v63  }
0xda: {  	v0 =	vld [tilespmem:$0x420];
	_ =	sdelay $0x6  }
0xdb: {  	s8 =	simm.s32 $0x12100  }
0xdc: {  	[tilespmem:s8], [sflag:$0x1] =	stream.indirect_vreg.gather [hbm4b:s3+s2], $0x40, v0, vm0, $0xb8;
	[tilespmem:$0x19900] =	vst v63  }
0xdd: {  	v0 =	vld [tilespmem:$0x430];
	_ =	sdelay $0x6  }
0xde: {  	s10 =	simm.s32 $0x12500  }
0xdf: {  	[tilespmem:s10], [sflag:$0x1] =	stream.indirect_vreg.gather [hbm4b:s3+s2], $0x40, v0, vm0, $0xb8;
	[tilespmem:$0x19900] =	vst v63  }
0xe0: {  	v0 =	vld [tilespmem:$0x440];
	_ =	sdelay $0x6  }
0xe1: {  	s11 =	simm.s32 $0x12900  }
0xe2: {  	[tilespmem:s11], [sflag:$0x1] =	stream.indirect_vreg.gather [hbm4b:s3+s2], $0x40, v0, vm0, $0xb8;
	[tilespmem:$0x19900] =	vst v63  }
0xe3: {  	v0 =	vld [tilespmem:$0x450];
	_ =	sdelay $0x6  }
0xe4: {  	s12 =	simm.s32 $0x12D00  }
0xe5: {  	[tilespmem:s12], [sflag:$0x1] =	stream.indirect_vreg.gather [hbm4b:s3+s2], $0x40, v0, vm0, $0xb8;
	[tilespmem:$0x19900] =	vst v63  }
0xe6: {  	v0 =	vld [tilespmem:$0x460];
	_ =	sdelay $0x6  }
0xe7: {  	s6 =	simm.s32 $0x13100  }
0xe8: {  	[tilespmem:s6], [sflag:$0x1] =	stream.indirect_vreg.gather [hbm4b:s3+s2], $0x40, v0, vm0, $0xb8;
	[tilespmem:$0x19900] =	vst v63  }
0xe9: {  	v0 =	vld [tilespmem:$0x470];
	_ =	sdelay $0x6  }
0xea: {  	s8 =	simm.s32 $0x13500  }
0xeb: {  	[tilespmem:s8], [sflag:$0x1] =	stream.indirect_vreg.gather [hbm4b:s3+s2], $0x40, v0, vm0, $0xb8;
	[tilespmem:$0x19900] =	vst v63  }
0xec: {  	v0 =	vld [tilespmem:$0x480];
	_ =	sdelay $0x6  }
0xed: {  	s10 =	simm.s32 $0x13900  }
0xee: {  	[tilespmem:s10], [sflag:$0x1] =	stream.indirect_vreg.gather [hbm4b:s3+s2], $0x40, v0, vm0, $0xb8;
	[tilespmem:$0x19900] =	vst v63  }
0xef: {  	v0 =	vld [tilespmem:$0x490];
	_ =	sdelay $0x6  }
0xf0: {  	s11 =	simm.s32 $0x13D00  }
0xf1: {  	[tilespmem:s11], [sflag:$0x1] =	stream.indirect_vreg.gather [hbm4b:s3+s2], $0x40, v0, vm0, $0xb8;
	[tilespmem:$0x19900] =	vst v63  }
0xf2: {  	v0 =	vld [tilespmem:$0x4A0];
	_ =	sdelay $0x6  }
0xf3: {  	s12 =	simm.s32 $0x14100  }
0xf4: {  	[tilespmem:s12], [sflag:$0x1] =	stream.indirect_vreg.gather [hbm4b:s3+s2], $0x40, v0, vm0, $0xb8;
	[tilespmem:$0x19900] =	vst v63  }
0xf5: {  	v0 =	vld [tilespmem:$0x4B0];
	_ =	sdelay $0x6  }
0xf6: {  	s6 =	simm.s32 $0x14500  }
0xf7: {  	[tilespmem:s6], [sflag:$0x1] =	stream.indirect_vreg.gather [hbm4b:s3+s2], $0x40, v0, vm0, $0xb8;
	[tilespmem:$0x19900] =	vst v63  }
0xf8: {  	v0 =	vld [tilespmem:$0x4C0];
	_ =	sdelay $0x6  }
0xf9: {  	s8 =	simm.s32 $0x14900  }
0xfa: {  	[tilespmem:s8], [sflag:$0x1] =	stream.indirect_vreg.gather [hbm4b:s3+s2], $0x40, v0, vm0, $0xb8;
	[tilespmem:$0x19900] =	vst v63  }
0xfb: {  	v0 =	vld [tilespmem:$0x4D0];
	_ =	sdelay $0x6  }
0xfc: {  	s10 =	simm.s32 $0x14D00  }
0xfd: {  	[tilespmem:s10], [sflag:$0x1] =	stream.indirect_vreg.gather [hbm4b:s3+s2], $0x40, v0, vm0, $0xb8;
	[tilespmem:$0x19900] =	vst v63  }
0xfe: {  	v0 =	vld [tilespmem:$0x4E0];
	_ =	sdelay $0x6  }
0xff: {  	s11 =	simm.s32 $0x15100  }
0x100: {  	[tilespmem:s11], [sflag:$0x1] =	stream.indirect_vreg.gather [hbm4b:s3+s2], $0x40, v0, vm0, $0xb8;
	[tilespmem:$0x19900] =	vst v63  }
0x101: {  	v0 =	vld [tilespmem:$0x4F0];
	_ =	sdelay $0x6  }
0x102: {  	s12 =	simm.s32 $0x15500  }
0x103: {  	[tilespmem:s12], [sflag:$0x1] =	stream.indirect_vreg.gather [hbm4b:s3+s2], $0x40, v0, vm0, $0xb8;
	[tilespmem:$0x19900] =	vst v63  }
0x104: {  	v0 =	vld [tilespmem:$0x500];
	_ =	sdelay $0x7  }
0x105: {  	[tilespmem:s13], [sflag:$0x1] =	stream.indirect_vreg.gather [hbm4b:s3+s2], $0x40, v0, vm0, $0xb8;
	[tilespmem:$0x19900] =	vst v63  }
0x106: {  	v0 =	vld [tilespmem:$0x510];
	_ =	sdelay $0x7  }
0x107: {  	[tilespmem:s14], [sflag:$0x1] =	stream.indirect_vreg.gather [hbm4b:s3+s2], $0x40, v0, vm0, $0xb8;
	[tilespmem:$0x19900] =	vst v63  }
0x108: {  	v0 =	vld [tilespmem:$0x520];
	_ =	sdelay $0x7  }
0x109: {  	[tilespmem:s15], [sflag:$0x1] =	stream.indirect_vreg.gather [hbm4b:s3+s2], $0x40, v0, vm0, $0xb8;
	[tilespmem:$0x19900] =	vst v63  }
0x10a: {  	v0 =	vld [tilespmem:$0x530];
	_ =	sdelay $0x7  }
0x10b: {  	[tilespmem:s16], [sflag:$0x1] =	stream.indirect_vreg.gather [hbm4b:s3+s2], $0x40, v0, vm0, $0xb8;
	[tilespmem:$0x19900] =	vst v63  }
0x10c: {  	v0 =	vld [tilespmem:$0x540];
	_ =	sdelay $0x7  }
0x10d: {  	[tilespmem:s17], [sflag:$0x1] =	stream.indirect_vreg.gather [hbm4b:s3+s2], $0x40, v0, vm0, $0xb8;
	[tilespmem:$0x19900] =	vst v63  }
0x10e: {  	v0 =	vld [tilespmem:$0x550];
	_ =	sdelay $0x7  }
0x10f: {  	[tilespmem:s18], [sflag:$0x1] =	stream.indirect_vreg.gather [hbm4b:s3+s2], $0x40, v0, vm0, $0xb8;
	[tilespmem:$0x19900] =	vst v63  }
0x110: {  	v0 =	vld [tilespmem:$0x560];
	_ =	sdelay $0x7  }
0x111: {  	[tilespmem:s19], [sflag:$0x1] =	stream.indirect_vreg.gather [hbm4b:s3+s2], $0x40, v0, vm0, $0xb8;
	[tilespmem:$0x19900] =	vst v63  }
0x112: {  	v0 =	vld [tilespmem:$0x570];
	_ =	sdelay $0x7  }
0x113: {  	[tilespmem:s20], [sflag:$0x1] =	stream.indirect_vreg.gather [hbm4b:s3+s2], $0x40, v0, vm0, $0xb8;
	[tilespmem:$0x19900] =	vst v63  }
0x114: {  	v0 =	vld [tilespmem:$0x580];
	_ =	sdelay $0x7  }
0x115: {  	[tilespmem:s21], [sflag:$0x1] =	stream.indirect_vreg.gather [hbm4b:s3+s2], $0x40, v0, vm0, $0xb8;
	[tilespmem:$0x19900] =	vst v63  }
0x116: {  	v0 =	vld [tilespmem:$0x590];
	_ =	sdelay $0x7  }
0x117: {  	[tilespmem:s22], [sflag:$0x1] =	stream.indirect_vreg.gather [hbm4b:s3+s2], $0x40, v0, vm0, $0xb8;
	[tilespmem:$0x19900] =	vst v63  }
0x118: {  	v0 =	vld [tilespmem:$0x5A0];
	_ =	sdelay $0x7  }
0x119: {  	[tilespmem:s23], [sflag:$0x1] =	stream.indirect_vreg.gather [hbm4b:s3+s2], $0x40, v0, vm0, $0xb8;
	[tilespmem:$0x19900] =	vst v63  }
0x11a: {  	v0 =	vld [tilespmem:$0x5B0];
	_ =	sdelay $0x7  }
0x11b: {  	[tilespmem:s24], [sflag:$0x1] =	stream.indirect_vreg.gather [hbm4b:s3+s2], $0x40, v0, vm0, $0xb8;
	[tilespmem:$0x19900] =	vst v63  }
0x11c: {  	v0 =	vld [tilespmem:$0x5C0];
	_ =	sdelay $0x7  }
0x11d: {  	[tilespmem:s25], [sflag:$0x1] =	stream.indirect_vreg.gather [hbm4b:s3+s2], $0x40, v0, vm0, $0xb8;
	[tilespmem:$0x19900] =	vst v63  }
0x11e: {  	v0 =	vld [tilespmem:$0x5D0];
	_ =	sdelay $0x7  }
0x11f: {  	[tilespmem:s26], [sflag:$0x1] =	stream.indirect_vreg.gather [hbm4b:s3+s2], $0x40, v0, vm0, $0xb8;
	[tilespmem:$0x19900] =	vst v63  }
0x120: {  	v0 =	vld [tilespmem:$0x5E0];
	_ =	sdelay $0x7  }
0x121: {  	[tilespmem:s28], [sflag:$0x1] =	stream.indirect_vreg.gather [hbm4b:s3+s2], $0x40, v0, vm0, $0xb8;
	[tilespmem:$0x19900] =	vst v63  }
0x122: {  	v0 =	vld [tilespmem:$0x5F0];
	_ =	sdelay $0x6  }
0x123: {  	s0 =	simm.s32 $0xFFFFFFFD;
	s6 =	smov.u32 s9;
	s8 =	simm.s32 $0x4F0  }
0x124: {  	[tilespmem:s29], [sflag:$0x1] =	stream.indirect_vreg.gather [hbm4b:s3+s2], $0x40, v0, vm0, $0xb8;
	[tilespmem:$0x19900] =	vst v63  }
.LBB2_2:
0x125: {  	s10 =	sadd.s32 $0x3, s0  }
0x126: {  	s11 =	smul.u32 $0xAB, s10;
	_ =	sdelay $0x1  }
0x127: {  	s11 =	sshrl.u32 s11, $0xB  }
0x128: {  	s11 =	sand.u32 $0x1F, s11  }
0x129: {  	s11 =	smul.u32 $0xC, s11;
	_ =	sdelay $0x1  }
0x12a: {  	s10 =	ssub.s32 s10, s11  }
0x12b: {  	_ =	swait.ge [sflag:s30], $0x2000;
	s10 =	sand.u32 $0xFF, s10  }
0x12c: {  	[sflag:s30] =	ssyncset.done $0x0;
	s10 =	sshll.u32 s10, $0xD  }
0x12d: {  	p0 =	sgt.u32 s0, $0x25;
	[sflag:s30] =	ssyncadd.s32 $0xFFFFE000;
	s10 =	sor.u32 $0x1900, s10  }
0x12e: {  	[hbm4b:s6+s2] =	stream.linear.scatter [tilespmem:s10], [sflag:$0x2], $0x2000, $0x38;
	[tilespmem:$0x19900] =	vst v63  }
0x12f: {  	s10 =	simm.s32 @!p0 $0x2  }
0x130: {  	s11 =	sadd.s32 @!p0 $0xC, s0;
	_ =	swait.ge @!p0 [sflag:s10], $0x2000  }
0x131: {  	s12 =	smul.u32 @!p0 $0xAB, s11;
	[sflag:s10] =	ssyncset.done @!p0 $0x0  }
0x132: {  	[sflag:s10] =	ssyncadd.s32 @!p0 $0xFFFFE000  }
0x133: {  	s10 =	sshrl.u32 @!p0 s12, $0xB;
	v0 =	vld @!p0 [tilespmem:s8+$0xFFFFFF90]  }
0x134: {  	s10 =	sand.u32 @!p0 $0x1F, s10  }
0x135: {  	s10 =	smul.u32 @!p0 $0xC, s10;
	_ =	sdelay $0x1  }
0x136: {  	s10 =	ssub.s32 @!p0 s11, s10  }
0x137: {  	s10 =	sand.u32 @!p0 $0xFF, s10  }
0x138: {  	s10 =	sshll.u32 @!p0 s10, $0xD  }
0x139: {  	vm1 =	vmmov @!p0 $0xffff;
	s12 =	simm.s32 @!p0 $0x0;
	s11 =	sor.u32 @!p0 $0x1900, s10  }
0x13a: {  	[tilespmem:s11], [sflag:$0x1] =	stream.indirect_vreg.gather @!p0 [hbm4b:s3+s12], $0x40, v0, vm1, $0xb8;
	[tilespmem:$0x19900] =	vst v63  }
0x13b: {  	v0 =	vld @!p0 [tilespmem:s8+$0xFFFFFFA0];
	_ =	sdelay $0x6  }
0x13c: {  	s11 =	sor.u32 @!p0 $0x1D00, s10  }
0x13d: {  	[tilespmem:s11], [sflag:$0x1] =	stream.indirect_vreg.gather @!p0 [hbm4b:s3+s12], $0x40, v0, vm1, $0xb8;
	[tilespmem:$0x19900] =	vst v63  }
0x13e: {  	v0 =	vld @!p0 [tilespmem:s8+$0xFFFFFFB0];
	_ =	sdelay $0x6  }
0x13f: {  	s11 =	sadd.s32 @!p0 $0x2100, s10  }
0x140: {  	[tilespmem:s11], [sflag:$0x1] =	stream.indirect_vreg.gather @!p0 [hbm4b:s3+s12], $0x40, v0, vm1, $0xb8;
	[tilespmem:$0x19900] =	vst v63  }
0x141: {  	v0 =	vld @!p0 [tilespmem:s8+$0xFFFFFFC0];
	_ =	sdelay $0x6  }
0x142: {  	s11 =	sadd.s32 @!p0 $0x2500, s10  }
0x143: {  	[tilespmem:s11], [sflag:$0x1] =	stream.indirect_vreg.gather @!p0 [hbm4b:s3+s12], $0x40, v0, vm1, $0xb8;
	[tilespmem:$0x19900] =	vst v63  }
0x144: {  	v0 =	vld @!p0 [tilespmem:s8+$0xFFFFFFD0];
	_ =	sdelay $0x6  }
0x145: {  	s11 =	sadd.s32 @!p0 $0x2900, s10  }
0x146: {  	[tilespmem:s11], [sflag:$0x1] =	stream.indirect_vreg.gather @!p0 [hbm4b:s3+s12], $0x40, v0, vm1, $0xb8;
	[tilespmem:$0x19900] =	vst v63  }
0x147: {  	v0 =	vld @!p0 [tilespmem:s8+$0xFFFFFFE0];
	_ =	sdelay $0x6  }
0x148: {  	s11 =	sadd.s32 @!p0 $0x2D00, s10  }
0x149: {  	[tilespmem:s11], [sflag:$0x1] =	stream.indirect_vreg.gather @!p0 [hbm4b:s3+s12], $0x40, v0, vm1, $0xb8;
	[tilespmem:$0x19900] =	vst v63  }
0x14a: {  	v0 =	vld @!p0 [tilespmem:s8+$0xFFFFFFF0];
	_ =	sdelay $0x6  }
0x14b: {  	s11 =	sadd.s32 @!p0 $0x3100, s10  }
0x14c: {  	[tilespmem:s11], [sflag:$0x1] =	stream.indirect_vreg.gather @!p0 [hbm4b:s3+s12], $0x40, v0, vm1, $0xb8;
	[tilespmem:$0x19900] =	vst v63  }
0x14d: {  	v0 =	vld @!p0 [tilespmem:s8+$0x0];
	_ =	sdelay $0x6  }
0x14e: {  	s0 =	sadd.s32 $0x1, s0;
	s10 =	sadd.s32 @!p0 $0x3500, s10  }
0x14f: {  	[tilespmem:s10], [sflag:$0x1] =	stream.indirect_vreg.gather @!p0 [hbm4b:s3+s12], $0x40, v0, vm1, $0xb8;
	[tilespmem:$0x19900] =	vst v63  }
0x150: {  	p0 =	sne.s32 s0, $0x2F  }
.Ltmp0:
0x151: {  	_ = 	snop;
	(pc) =	sbr.rel @p0 .LBB2_2-.Ltmp0, $2  }
0x152: {  	_ =	sdelay $0x2  }
0x153: {  	s6 =	sadd.s32 $0x400, s6;
	s8 =	sadd.s32 $0x80, s8  }
0x154: {  	_ =	swait.ge [sflag:s31], $0x2000  }
0x155: {  	[sflag:s31] =	ssyncset.done $0x0  }
0x156: {  	[sflag:s31] =	ssyncadd.s32 $0xFFFFE000  }
0x157: {  	_ =	swait.ge [sflag:s31], $0x2000  }
0x158: {  	[sflag:s31] =	ssyncset.done $0x0  }
0x159: {  	[sflag:s31] =	ssyncadd.s32 $0xFFFFE000  }
0x15a: {  	_ =	swait.ge [sflag:s31], $0x2000  }
0x15b: {  	[sflag:s31] =	ssyncset.done $0x0  }
0x15c: {  	[sflag:s31] =	ssyncadd.s32 $0xFFFFE000  }
0x15d: {  	_ =	swait.ge [sflag:s31], $0x2000  }
0x15e: {  	[sflag:s31] =	ssyncset.done $0x0  }
0x15f: {  	[sflag:s31] =	ssyncadd.s32 $0xFFFFE000  }
0x160: {  	_ =	swait.ge [sflag:s31], $0x2000  }
0x161: {  	[sflag:s31] =	ssyncset.done $0x0  }
0x162: {  	[sflag:s31] =	ssyncadd.s32 $0xFFFFE000  }
0x163: {  	_ =	swait.ge [sflag:s31], $0x2000  }
0x164: {  	[sflag:s31] =	ssyncset.done $0x0  }
0x165: {  	[sflag:s31] =	ssyncadd.s32 $0xFFFFE000  }
0x166: {  	_ =	swait.ge [sflag:s31], $0x2000  }
0x167: {  	[sflag:s31] =	ssyncset.done $0x0  }
0x168: {  	[sflag:s31] =	ssyncadd.s32 $0xFFFFE000  }
0x169: {  	_ =	swait.ge [sflag:s31], $0x2000  }
0x16a: {  	[sflag:s31] =	ssyncset.done $0x0  }
0x16b: {  	[sflag:s31] =	ssyncadd.s32 $0xFFFFE000  }
0x16c: {  	_ =	swait.ge [sflag:s31], $0x2000  }
0x16d: {  	[sflag:s31] =	ssyncset.done $0x0  }
0x16e: {  	[sflag:s31] =	ssyncadd.s32 $0xFFFFE000  }
0x16f: {  	_ =	swait.ge [sflag:s31], $0x2000  }
0x170: {  	[sflag:s31] =	ssyncset.done $0x0  }
0x171: {  	s1 =	sadd.s32 $0x1, s1;
	[sflag:s31] =	ssyncadd.s32 $0xFFFFE000  }
0x172: {  	p0 =	sne.s32 s1, s5;
	_ =	swait.ge [sflag:s31], $0x2000  }
.Ltmp1:
0x173: {  	[sflag:s31] =	ssyncset.done $0x0;
	(pc) =	sbr.rel @p0 .LBB2_1-.Ltmp1, $4  }
0x174: {  	[sflag:s31] =	ssyncadd.s32 $0xFFFFE000  }
0x175: {  	_ =	swait.ge [sflag:s31], $0x2000  }
0x176: {  	[sflag:s31] =	ssyncset.done $0x0  }
0x177: {  	[sflag:s31] =	ssyncadd.s32 $0xFFFFE000  }
0x178: {  	_ =	sfence.sel $0x180000  }
0x179: {  	[bflag:$0x0] =	sbarrier.arrive $0xFFFF  }
0x17a: {  	_ =	strace $0x90000047  }
0x17b: {  	s0 =	stileid.u32;
	[bflag:$0x2] =	sbarrier.arrive $0xFFFF  }
0x17c: {  	p0 =	sne.s32 s0, $0x0;
	s0 =	rddreg [dreg:$0x2]  }
0x17d: {  	s0 =	sadd.s32 @!p0 $0x100000, s0  }
0x17e: {  	[sflag:s0] =	ssyncadd.tile.s32 @!p0 $0x1;
	_ =	shalt  }
.Lfunc_end2:
_tile_overlayer_lowered:
.L_overlay_start_2:
0x17f: {  	(tag) =	ssettag $0x2  }
0x180: {  	s0 =	rddreg [dreg:$0x0];
	s2 =	stileid.u32  }
0x181: {  	s1 =	rddreg [dreg:$0x1];
	p0 =	sne.s32 s2, $0x0  }
0x182: {  	s3 =	rddreg [dreg:$0x2];
	[bflag:$0x3] =	sbarrier.arrive $0xFFFF;
	s2 =	simm.s32 @!p0 $0x1C03  }
0x183: {  	[timem:s3], [sflag:s2] =	dma.local @!p0 [hbm:s0], s1  }
0x184: {  	s0 =	simm.s32 @!p0 $0x3  }
0x185: {  	_ =	swait.ge @!p0 [sflag:s0], s1  }
0x186: {  	s1 =	ssub.s32 @!p0 $0x0, s1;
	[sflag:s0] =	ssyncset.done @!p0 $0x0  }
0x187: {  	[sflag:s0] =	ssyncadd.s32 @!p0 s1  }
0x188: {  	[bflag:$0x3] =	sbarrier.arrive $0xFFFF  }
0x189: {  	_ =	shalt  }

// kernel: sparse-core-data-format-call.cloned.1.call-start
scs
called_computation_lowered:
.L_overlay_start_0:
0x0: {  	s2 =	sld [smem:$0x3FD9]  }
0x1: {  	s3 =	sld [smem:$0x3FFE];
	_ =	sdelay $0x1  }
0x2: {  	s1 =	srdreg.scid  }
0x3: {  	s0 =	sand.u32 $0x1, s1  }
0x4: {  	s18 =	sshll.u32 s0, $0xA;
	s2 =	sadd.s32 s3, s2  }
0x5: {  	s2 =	sadd.s32 s2, s18  }
0x6: {  	[smem:$0x3FC6] =	sst s2  }
0x7: {  	_ = 	snop  }
0x8: {  	s2 =	sld [smem:$0x3FD0];
	(tm) =	ssettm $0x1  }
0x9: {  	s19 =	sld [smem:$0x3FFB];
	_ =	sdelay $0x3  }
0xa: {  	_ =	strace s19  }
0xb: {  	s3 =	sld [smem:$0x3FFC];
	_ =	sdelay $0x3  }
0xc: {  	_ =	strace s3  }
0xd: {  	s3 =	sld [smem:$0x3FFD];
	_ =	sdelay $0x3  }
0xe: {  	_ =	strace s3  }
0xf: {  	_ =	strace $0x8FFFFFFF  }
0x10: {  	s20 =	sld [smem:$0x3FDB];
	_ =	sdelay $0x1  }
0x11: {  	s4 =	simm.s32 $_scs_section_size  }
0x12: {  	s5 =	simm.s32 $_size__tile_overlayer_lowered;
	s6 =	simm.s32 $_tile_overlayer_lowered  }
0x13: {  	s23 =	simm.s32 $0x1BFF;
	s22 =	sshll.u32 s6, $0x1;
	s3 =	sadd.s32 s4, s20  }
0x14: {  	s7 =	simm.s32 $0x0;
	s21 =	sshll.u32 s5, $0x1;
	s5 =	sadd.s32 s22, s3  }
0x15: {  	[timem:s7], [sflag:s23] =	dma.local [hbm:s5], s21  }
0x16: {  	_ =	swait.ge [sflag:s23], s21  }
0x17: {  	s4 =	ssub.s32 $0x0, s21;
	[sflag:s23] =	ssyncset.done $0x0  }
0x18: {  	[sflag:s23] =	ssyncadd.s32 s4;
	_ =	sdelay $0x1  }
0x19: {  	s24 =	simm.s32 $0x1B8B  }
0x1a: {  	_ =	swait.ge [sflag:s24], $0x1  }
0x1b: {  	[sflag:s24] =	ssyncset.done $0x0  }
0x1c: {  	s26 =	simm.s32 $0x1B8E;
	s25 =	sld [smem:$0x3FFE];
	[sflag:s24] =	ssyncadd.s32 $0xFFFFFFFF  }
0x1d: {  	s27 =	simm.s32 $execute0_lowered;
	[smem:$0x3FD2] =	sst s26  }
0x1e: {  	s5 =	sshll.u32 s27, $0x1;
	_ =	strace $0x80000049;
	[dreg:$0x1] =	wrdreg $0xFFFFFFFF  }
0x1f: {  	s28 =	simm.s32 $_size_execute0_lowered;
	s3 =	sadd.s32 s3, s5;
	[dreg:$0x0] =	wrdreg $0x0  }
0x20: {  	s5 =	sshll.u32 s28, $0x1;
	[dreg:$0x2] =	wrdreg s3  }
0x21: {  	[dreg:$0x3] =	wrdreg s5  }
0x22: {  	[dreg:$0x4] =	wrdreg $0xC0  }
0x23: {  	_ =	task [dreg:s7], $0x5FFFF  }
0x24: {  	[dreg:$0x1] =	wrdreg $0xFFFFFFFF  }
0x25: {  	[dreg:$0x0] =	wrdreg $0x60  }
0x26: {  	[dreg:$0x2] =	wrdreg s25  }
0x27: {  	[dreg:$0x3] =	wrdreg s2  }
0x28: {  	[dreg:$0x4] =	wrdreg $0x9  }
0x29: {  	_ =	task.clear_ibuf [dreg:s7], $0x5FFFF;
	_ =	strace $0x90000049  }
0x2a: {  	s29 =	simm.s32 $0x9;
	_ =	strace $0x8000004B  }
0x2b: {  	_ =	swait.ge [sflag:s29], $0x1  }
0x2c: {  	[sflag:s29] =	ssyncadd.s32 $0xFFFFFFFF  }
0x2d: {  	_ =	strace $0x9000004B  }
0x2e: {  	_ =	sfence  }
0x2f: {  	s30 =	sld [smem:$0x0];
	_ =	sdelay $0x2  }
0x30: {  	s31 =	sshll.u32 s1, $0xD;
	s1 =	sshrl.u32 s1, $0x2  }
0x31: {  	s3 =	sand.u32 $0x4000, s31;
	s1 =	sadd.s32 s1, s30  }
0x32: {  	s0 =	sor.u32 s3, s0;
	s1 =	sshll.u32 s1, $0x11  }
0x33: {  	s0 =	sor.u32 s1, s0  }
0x34: {  	s0 =	sadd.s32 $0x8F2B, s0  }
0x35: {  	[sflag:s0] =	ssyncadd.remote.s32 $0x1  }
0x36: {  	_ =	sfence.sel $0xFFFF  }
0x37: {  	[dreg:$0x0] =	wrdreg $0xFFFFFFFF;
	(pc) =	sbr.abs _section_cstart, $3  }
0x38: {  	[dreg:$0x1] =	wrdreg $0xFFFFFFFF  }
0x39: {  	_ =	task.clear_ibuf [dreg:s7], $0x2FFFF;
	_ =	strace $0x9FFFFFFF  }
0x3a: {  	(tm) =	ssettm $0x7FFFFFFF  }
0x3b: {  	_ =	shalt  }
tec
execute0_lowered:
.L_overlay_start_1:
0x0: {  	(tag) =	ssettag $0x1  }
0x1: {  	s0 =	srdreg.scid  }
0x2: {  	s1 =	sshll.u32 s0, $0x4  }
0x3: {  	s0 =	stileid.u32;
	s1 =	sand.u32 $0x10, s1  }
0x4: {  	s1 =	sor.u32 s0, s1  }
0x5: {  	s6 =	rddreg [dreg:$0x0];
	s4 =	simm.s32 $0x1;
	s2 =	sshll.u32 s1, $0x7  }
0x6: {  	s7 =	simm.s32 $0x2;
	s12 =	simm.s32 $0x0;
	s1 =	ssub.s32 $0x1000, s2  }
0x7: {  	s8 =	simm.s32 $0x8000;
	s13 =	simm.s32 $0x0;
	s3 =	sand.u32 $0xF80, s1  }
0x8: {  	s9 =	simm.s32 $0x0;
	s5 =	sshrl.u32 s1, $0xC;
	p0 =	sne.s32 s3, $0x0  }
.Ltmp0:
0x9: {  	s1 =	rddreg [dreg:$0x2];
	s4 =	simm.s32 @!p0 $0x0;
	(pc) =	sbr.rel .LBB1_1-.Ltmp0, $4  }
0xa: {  	s11 =	simm.s32 $0x0;
	s3 =	rddreg [dreg:$0x1];
	s5 =	sadd.s32 s4, s5  }
0xb: {  	_ =	strace $0x8000004A;
	s4 =	simm.s32 $0x1;
	s5 =	smul.u32 $0x32, s5  }
0xc: {  	s6 =	sadd.s32 $0xA00, s6;
	s10 =	smov.u32 s2;
	[sflag:s4] =	ssyncpa.u1 $0x0  }
0xd: {  	p0 =	por $0x0, $0x0;
	[sflag:s7] =	ssyncpa.u1 $0x0;
	s7 =	sor.u32 $0x1, s5  }
.LBB1_4:
0xe: {  	s16 =	sshll.u32 s13, $0x3;
	s17 =	sand.u32 $0x78, s13  }
0xf: {  	s30 =	sand.u32 $0x7E00, s13;
	s12 =	sshll.u32 s12, $0xF;
	s16 =	sand.u32 $0xC00, s16  }
0x10: {  	[tilespmem:s15+$0x810 ss:$0x81] =	vst.msk $0xffff, v2;
	s31 =	sand.u32 $0x7, s13;
	s16 =	sor.u32 s17, s16;
	s17 =	sadd.s32 s3, s30  }
0x11: {  	[tilespmem:s15+$0x1020 ss:$0x81] =	vst.msk $0xffff, v0;
	s13 =	sshll.u32 s31, $0x12;
	s12 =	sadd.s32 s12, s17;
	s16 =	sshrl.u32 s16, $0x3  }
0x12: {  	[tilespmem:s15+$0x0 ss:$0x81] =	vst.msk $0xffff, v1;
	s13 =	sor.u32 $0x400, s13;
	s12 =	sadd.s32 s16, s12  }
0x13: {  	[hbm4b:s12+s13] =	stream.strided.scatter [tilespmem:s14], [sflag:$0x2], $0x2000, s8, s13, $0x20;
	[tilespmem:$0x8080] =	vst v63  }
.LBB1_5:
0x14: {  	s14 =	sadd.s32 $0x1, s9  }
0x15: {  	s12 =	sadd.s32 $0x1000, s10;
	s16 =	smov.u32 s10;
	p2 =	sgt.s32 s14, $0x31  }
0x16: {  	s16 =	smov.u32 @p2 s12  }
0x17: {  	s14 =	simm.s32 @p2 $0x0;
	p2 =	sgt.s32 s16, $0xFFF  }
0x18: {  	s16 =	smov.u32 @p2 s2;
	p2 =	sne.s32 s11, s7  }
.Ltmp1:
0x19: {  	p1 =	slt.u32 s11, $0x2;
	(pc) =	sbr.rel @!p2 .LBB1_6-.Ltmp1, $4  }
0x1a: {  	s15 =	simm.s32 @!p1 $0x2  }
0x1b: {  	s13 =	smov.u32 s10;
	p0 =	por !p0, !p0;
	_ =	swait.ge @!p1 [sflag:s15], $0x2000  }
0x1c: {  	s12 =	smov.u32 s9;
	[sflag:s15] =	ssyncset.done @!p1 $0x0;
	s9 =	smov.u32 s14  }
0x1d: {  	s11 =	sadd.s32 $0x1, s11;
	[sflag:s15] =	ssyncadd.s32 @!p1 $0xFFFFE000;
	s10 =	smov.u32 s16  }
.LBB1_1:
0x1e: {  	p1 =	sge.u32 s11, s5  }
0x1f: {  	s14 =	sand.u32 @!p1 $0x1FFFFFF, s9  }
0x20: {  	s15 =	smulhi.u32 @!p1 $0x4924925, s14;
	_ =	sdelay $0x1  }
0x21: {  	s15 =	smul.u32 @!p1 $0x38, s15  }
0x22: {  	s16 =	sxor.u32 @!p1 $0xFFFFFFFF, s11;
	s17 =	smul.u32 @!p1 $0x380, s10  }
0x23: {  	s31 =	sadd.s32 $0xFFFFFFFF, s11;
	s16 =	sshll.u32 @!p1 s16, $0xD;
	s14 =	ssub.s32 @!p1 s14, s15  }
0x24: {  	s15 =	sand.u32 @!p1 $0x2000, s16;
	s16 =	sadd.s32 @!p1 s6, s17;
	s14 =	sshll.u32 @!p1 s14, $0x4  }
0x25: {  	s17 =	simm.s32 @!p1 $0x1C00;
	s14 =	sadd.s32 @!p1 s14, s16;
	s16 =	simm.s32 @!p1 $0x40  }
0x26: {  	[tilespmem:s15], [sflag:$0x1] =	stream.strided.gather @!p1 [hbm4b:s14+s16], $0x2000, s17, s16, $0x38;
	[tilespmem:$0x8080] =	vst v63  }
0x27: {  	p1 =	sge.u32 s31, s5  }
.Ltmp2:
0x28: {  	_ = 	snop;
	(pc) =	sbr.rel @p1 .LBB1_5-.Ltmp2, $1  }
0x29: {  	_ =	sdelay $0x3  }
0x2a: {  	s14 =	simm.s32 $0x1  }
0x2b: {  	_ =	swait.ge [sflag:s4], $0x2000;
	s14 =	simm.s32 @!p0 $0x0  }
0x2c: {  	[sflag:s4] =	ssyncset.done $0x0;
	s15 =	sshll.u32 s14, $0xD  }
0x2d: {  	[sflag:s4] =	ssyncadd.s32 $0xFFFFE000;
	s18 =	sor.u32 $0x20, s15  }
0x2e: {  	s14 =	smul.u32 $0x8100, s14;
	v3 =	vld [tilespmem:s18+$0x10]  }
0x2f: {  	s30 =	sand.u32 $0x1, s11;
	v2 =	vld [tilespmem:s18+$0xFFFFFFF0]  }
0x30: {  	s15 =	smul.u32 $0x8100, s30;
	s14 =	sshrl.u32 s14, $0x2;
	v0 =	vld [tilespmem:s18+$0x0]  }
0x31: {  	v1 =	vld [tilespmem:s18+$0xFFFFFFE0];
	s16 =	sor.u32 $0x4000, s14  }
0x32: {  	s31 =	sshrl.u32 s15, $0x2;
	s15 =	sadd.s32 $0x0, s16  }
0x33: {  	s17 =	simm.s32 $0x4;
	s18 =	sadd.s32 $0x40, s18;
	s14 =	sor.u32 $0x4000, s31;
	[tilespmem:s15+$0x1830 ss:$0x81] =	vst.msk $0xffff, v3  }
.LBB1_3:
0x34: {  	v3 =	vld [tilespmem:s18+$0x10];
	p1 =	sne.s32 s17, $0x1FC;
	[tilespmem:s15+$0x810 ss:$0x81] =	vst.msk $0xffff, v2;
	s19 =	smov.u32 s17;
	s17 =	sadd.s32 $0x4, s17  }
.Ltmp3:
0x35: {  	v2 =	vld [tilespmem:s18+$0xFFFFFFF0];
	[tilespmem:s15+$0x1020 ss:$0x81] =	vst.msk $0xffff, v0;
	(pc) =	sbr.rel @p1 .LBB1_3-.Ltmp3, $4  }
0x36: {  	v0 =	vld [tilespmem:s18+$0x0];
	[tilespmem:s15+$0x0 ss:$0x81] =	vst.msk $0xffff, v1  }
0x37: {  	s15 =	sshra.s32 s19, $0x2;
	v1 =	vld [tilespmem:s18+$0xFFFFFFE0]  }
0x38: {  	s15 =	sadd.s32 s15, s16  }
0x39: {  	s18 =	sadd.s32 $0x40, s18;
	[tilespmem:s15+$0x1830 ss:$0x81] =	vst.msk $0xffff, v3  }
.Ltmp4:
0x3a: {  	_ = 	snop;
	(pc) =	sbr.rel .LBB1_4-.Ltmp4, $1  }
0x3b: {  	_ =	sdelay $0x3  }
.LBB1_6:
0x3c: {  	_ =	sfence.sel $0x180000  }
0x3d: {  	s2 =	simm.s32 $0x1;
	[bflag:$0x0] =	sbarrier.arrive $0xFFFF  }
0x3e: {  	s31 =	simm.s32 $0x2;
	[sflag:s2] =	ssyncpa.u1 $0x1  }
0x3f: {  	[sflag:s31] =	ssyncpa.u1 $0x1  }
0x40: {  	p0 =	sne.s32 s0, $0x0;
	_ =	strace $0x9000004A  }
0x41: {  	s0 =	sadd.s32 @!p0 $0x100000, s1;
	[bflag:$0x2] =	sbarrier.arrive $0xFFFF  }
0x42: {  	[sflag:s0] =	ssyncadd.tile.s32 @!p0 $0x1;
	_ =	shalt  }
.Lfunc_end1:
_tile_overlayer_lowered:
.L_overlay_start_2:
0x43: {  	(tag) =	ssettag $0x2  }
0x44: {  	s0 =	rddreg [dreg:$0x0];
	s2 =	stileid.u32  }
0x45: {  	s1 =	rddreg [dreg:$0x1];
	p0 =	sne.s32 s2, $0x0  }
0x46: {  	s3 =	rddreg [dreg:$0x2];
	[bflag:$0x3] =	sbarrier.arrive $0xFFFF;
	s2 =	simm.s32 @!p0 $0x1C01  }
0x47: {  	[timem:s3], [sflag:s2] =	dma.local @!p0 [hbm:s0], s1  }
0x48: {  	s0 =	simm.s32 @!p0 $0x1  }
0x49: {  	_ =	swait.ge @!p0 [sflag:s0], s1  }
0x4a: {  	s1 =	ssub.s32 @!p0 $0x0, s1;
	[sflag:s0] =	ssyncset.done @!p0 $0x0  }
0x4b: {  	[sflag:s0] =	ssyncadd.s32 @!p0 s1  }
0x4c: {  	[bflag:$0x3] =	sbarrier.arrive $0xFFFF  }
0x4d: {  	_ =	shalt  }

</sc_bundles>
